<compile_context>
chip_gen: v7x
topology: tpu7x:2x2x1
jax: 0.10.2.dev20260603
libtpu: 0.0.44.dev20260713+nightly
codegen_flags: <defaults>
</compile_context>

<pallas_src>
import dataclasses
import functools

import jax
import jax.numpy as jnp
from jax import lax
from jax.experimental import pallas as pl
from jax.experimental.pallas import tpu as pltpu
from jax.experimental.pallas import tpu_sc as plsc

_LANES = 16
_NWORKERS = 32
_NBUF = 4
_PAIR = 1
_UNROLL = 4


def _interp_kernel(B, L, C, T):
    CT = C // 8
    LT = L // 128
    TT = T // 128
    nslab = B * CT
    spw = nslab // _NWORKERS // _PAIR
    groups = T // _LANES
    slab = LT * 8 * 128
    oslab = TT * 8 * 128
    mesh = plsc.VectorSubcoreMesh(core_axis_name="c", subcore_axis_name="s")
    cp = pltpu.CompilerParams()
    if "needs_layout_passes" in pltpu.CompilerParams.__dataclass_fields__:
        cp = dataclasses.replace(cp, needs_layout_passes=False)
    if "use_tc_tiling_on_sc" in pltpu.CompilerParams.__dataclass_fields__:
        cp = dataclasses.replace(cp, use_tc_tiling_on_sc=False)

    @functools.partial(
        pl.kernel,
        out_type=jax.ShapeDtypeStruct((nslab // _PAIR, _PAIR * oslab),
                                      jnp.float32),
        mesh=mesh,
        compiler_params=cp,
        scratch_types=(
            [pltpu.VMEM((T,), jnp.float32),
             pltpu.VMEM((T,), jnp.int32),
             pltpu.VMEM((T,), jnp.int32),
             pltpu.VMEM((T,), jnp.float32)]
            + [pltpu.VMEM((_PAIR * slab,), jnp.float32)] * _NBUF
            + [pltpu.VMEM((_PAIR * oslab,), jnp.float32)] * _NBUF
            + [pltpu.SemaphoreType.DMA] * (2 * _NBUF)
        ),
    )
    def k(x_hbm, tq_hbm, y_hbm, tq_v, a0_v, a1_v, fr_v, *bufs):
        knots_b = bufs[:_NBUF]
        out_b = bufs[_NBUF:2 * _NBUF]
        gsems = bufs[2 * _NBUF:3 * _NBUF]
        osems = bufs[3 * _NBUF:]
        wid = lax.axis_index("c") * 16 + lax.axis_index("s")
        k0 = wid * spw
        pltpu.sync_copy(tq_hbm, tq_v)

        @pl.loop(0, groups)
        def _(g):
            sl = pl.ds(g * _LANES, _LANES)
            t = tq_v[sl]
            ti = jnp.minimum(jnp.maximum(t.astype(jnp.int32), 0), L - 2)
            ti1 = ti + 1
            fr_v[sl] = t - ti.astype(jnp.float32)
            a0_v[sl] = ((ti >> 7) << 10) | (ti & 127)
            a1_v[sl] = ((ti1 >> 7) << 10) | (ti1 & 127)

        def fire(kk, knots, gsem):
            pltpu.async_copy(x_hbm.at[k0 + kk], knots, gsem)

        def drain(kk, knots, gsem):
            pltpu.make_async_copy(x_hbm.at[k0 + kk], knots, gsem).wait()

        def compute(kk, knots, outv, osem):
            @plsc.parallel_loop(0, groups, unroll=_UNROLL)
            def _(g):
                sl = pl.ds(g * _LANES, _LANES)
                a0 = a0_v[sl]
                a1 = a1_v[sl]
                f = fr_v[sl]
                obase = (g // 8) * 1024 + (g % 8) * _LANES
                for p in range(_PAIR):
                    for ci in range(8):
                        off = p * slab + ci * 128
                        gp = plsc.load_gather(knots, [a0 + off])
                        gn = plsc.load_gather(knots, [a1 + off])
                        outv[pl.ds(p * oslab + obase + ci * 128, _LANES)] = (
                            gp + f * (gn - gp))
            pltpu.async_copy(outv, y_hbm.at[k0 + kk], osem)

        def wait_out(kk, outv, osem):
            pltpu.make_async_copy(outv, y_hbm.at[k0 + kk], osem).wait()

        for s in range(_NBUF):
            fire(s, knots_b[s], gsems[s])

        @pl.loop(0, spw, step=_NBUF)
        def _(kk):
            for s in range(_NBUF):
                drain(kk + s, knots_b[s], gsems[s])

                @pl.when(kk >= _NBUF)
                def _():
                    wait_out(kk + s - _NBUF, out_b[s], osems[s])

                compute(kk + s, knots_b[s], out_b[s], osems[s])

                @pl.when(kk + s + _NBUF < spw)
                def _():
                    fire(kk + s + _NBUF, knots_b[s], gsems[s])

        for s in range(_NBUF):
            wait_out(spw - _NBUF + s, out_b[s], osems[s])

    return k


def kernel(coeffs, t_query):
    B, L, C = coeffs.shape
    T = t_query.shape[0]
    x = (coeffs.reshape(B, L // 128, 128, C // 8, 8)
         .transpose(0, 3, 1, 4, 2)
         .reshape(B * (C // 8) // _PAIR, _PAIR * (L // 128) * 8 * 128))
    y = _interp_kernel(B, L, C, T)(x, t_query)
    out = (y.reshape(B, C // 8, T // 128, 8, 128)
           .transpose(0, 2, 4, 1, 3)
           .reshape(B, T, C))
    return out

# --- scband reference (transcript-rebuilt; emitter-appended) ---
"""Pipeline reference for scband-linear-interpolation-13769665151462 (READ-ONLY COPY).

The authoritative reference and input builder live on the scoring server;
editing this copy changes nothing except your own understanding.
"""

import jax, jax.numpy as jnp
import numpy as np

B, L, C, T = 1024, 2048, 32, 512

def setup_inputs(seed: int = 0):
    key = jax.random.key(seed)
    k1, k2 = jax.random.split(key)
    coeffs = jax.random.normal(k1, (B, L, C), dtype=jnp.float32)
    # query times uniform over the grid interval [0, L-1]
    t_query = jax.random.uniform(k2, (T,), dtype=jnp.float32) * (L - 1)
    return {"coeffs": coeffs, "t_query": t_query}

def reference(coeffs, t_query):
    # t grid defaults to linspace(0, L-1, L) as in __init__ when t is None
    Lk = coeffs.shape[-2]
    t_grid = jnp.linspace(0.0, Lk - 1, Lk, dtype=coeffs.dtype)
    # derivs has size L-1 along the knot axis, so maxlen = (L-1) - 1
    maxlen = Lk - 2
    # torch.bucketize(t, boundaries) (right=False) == searchsorted side='left'
    index = jnp.clip(
        jnp.searchsorted(t_grid, jax.lax.stop_gradient(t_query), side='left') - 1,
        0, maxlen)
    fractional_part = t_query - t_grid[index]
    frac = fractional_part[..., None]
    prev_coeff = jnp.take(coeffs, index, axis=-2)
    next_coeff = jnp.take(coeffs, index + 1, axis=-2)
    prev_t = t_grid[index]
    next_t = t_grid[index + 1]
    diff_t = next_t - prev_t
    # reparameterise == 'none'
    return prev_coeff + frac * (next_coeff - prev_coeff) / diff_t[..., None]

if __name__ == "__main__":
    import jax
    _d = setup_inputs()
    print(jax.jit(kernel)(*tuple(_d.values())))

</pallas_src>

<mosaic_0001>
#map = affine_map<(d0, d1) -> (0, 0)>
#map1 = affine_map<(d0, d1) -> (0)>
module attributes {stable_mosaic.version = 14 : i64} {
  func.func @k(%arg0: i32, %arg1: i32, %arg2: memref<4096x16384xf32, #tpu.memory_space<hbm>>, %arg3: memref<512xf32, #tpu.memory_space<hbm>>, %arg4: memref<4096x4096xf32, #tpu.memory_space<hbm>>, %arg5: memref<512xf32, #tpu.memory_space<vmem>>, %arg6: memref<512xi32, #tpu.memory_space<vmem>>, %arg7: memref<512xi32, #tpu.memory_space<vmem>>, %arg8: memref<512xf32, #tpu.memory_space<vmem>>, %arg9: memref<16384xf32, #tpu.memory_space<vmem>>, %arg10: memref<16384xf32, #tpu.memory_space<vmem>>, %arg11: memref<16384xf32, #tpu.memory_space<vmem>>, %arg12: memref<16384xf32, #tpu.memory_space<vmem>>, %arg13: memref<4096xf32, #tpu.memory_space<vmem>>, %arg14: memref<4096xf32, #tpu.memory_space<vmem>>, %arg15: memref<4096xf32, #tpu.memory_space<vmem>>, %arg16: memref<4096xf32, #tpu.memory_space<vmem>>, %arg17: memref<!tpu.dma_semaphore, #tpu.memory_space<semaphore_mem>>, %arg18: memref<!tpu.dma_semaphore, #tpu.memory_space<semaphore_mem>>, %arg19: memref<!tpu.dma_semaphore, #tpu.memory_space<semaphore_mem>>, %arg20: memref<!tpu.dma_semaphore, #tpu.memory_space<semaphore_mem>>, %arg21: memref<!tpu.dma_semaphore, #tpu.memory_space<semaphore_mem>>, %arg22: memref<!tpu.dma_semaphore, #tpu.memory_space<semaphore_mem>>, %arg23: memref<!tpu.dma_semaphore, #tpu.memory_space<semaphore_mem>>, %arg24: memref<!tpu.dma_semaphore, #tpu.memory_space<semaphore_mem>>) attributes {dimension_semantics = [#tpu.dimension_semantics<core_parallel>, #tpu.dimension_semantics<subcore_parallel>], iteration_bounds = array<i64: 2, 16>, scalar_prefetch = 0 : i64, scratch_operands = 20 : i64, tpu.core_type = #tpu.core_type<sc_vector_subcore>, window_params = [{transform_indices = #map}, {transform_indices = #map1}, {transform_indices = #map}]} {
    %mul3A = arith.constant 16 : i32
    %mul3A_0 = arith.muli %arg0, %mul3A : i32
    %add3A = arith.addi %mul3A_0, %arg1 : i32
    %mul3A_1 = arith.constant 128 : i32
    %mul3A_2 = arith.muli %add3A, %mul3A_1 : i32
    "tpu.region"() ({
      %run_scoped3A = tpu.sem_alloc : memref<!tpu.dma_semaphore, #tpu.memory_space<semaphore_mem>>
      tpu.enqueue_dma source(%arg3 : memref<512xf32, #tpu.memory_space<hbm>>) target(%arg5 : memref<512xf32, #tpu.memory_space<vmem>>) target_semaphore(%run_scoped3A : memref<!tpu.dma_semaphore, #tpu.memory_space<semaphore_mem>>)
      tpu.wait_dma2 semaphore(%run_scoped3A : memref<!tpu.dma_semaphore, #tpu.memory_space<semaphore_mem>>) src(%arg3 : memref<512xf32, #tpu.memory_space<hbm>>) dst(%arg5 : memref<512xf32, #tpu.memory_space<vmem>>)
      tpu.yield
    }) : () -> ()
    %scan3A = arith.constant 0 : i32
    %scan3A_3 = arith.constant 32 : i32
    %scan3A_4 = arith.addi %scan3A, %scan3A_3 : i32
    %scan3A_5 = arith.constant 1 : i32
    scf.for %scan3A_74 = %scan3A to %scan3A_4 step %scan3A_5  : i32 {
      %mul3A_75 = arith.constant 1 : i32
      %mul3A_76 = arith.muli %scan3A_74, %mul3A_75 : i32
      %add3A_77 = arith.constant 0 : i32
      %add3A_78 = arith.addi %add3A_77, %mul3A_76 : i32
      %mul3A_79 = arith.constant 16 : i32
      %mul3A_80 = arith.muli %add3A_78, %mul3A_79 : i32
      %get3A = arith.index_cast %mul3A_80 : i32 to index
      %get3A_81 = tpu.vector_load %arg5[%get3A] {strides = array<i32>} : memref<512xf32, #tpu.memory_space<vmem>>, vector<16xf32>,
      %convert_element_type3A = arith.fptosi %get3A_81 : vector<16xf32> to vector<16xi32>
      %max3A = arith.constant 0 : i32
      %max3A_82 = vector.broadcast %max3A : i32 to vector<16xi32>
      %max3A_83 = arith.maxsi %convert_element_type3A, %max3A_82 : vector<16xi32>
      %min3A = arith.constant 2046 : i32
      %min3A_84 = vector.broadcast %min3A : i32 to vector<16xi32>
      %min3A_85 = arith.minsi %max3A_83, %min3A_84 : vector<16xi32>
      %add3A_86 = arith.constant 1 : i32
      %add3A_87 = vector.broadcast %add3A_86 : i32 to vector<16xi32>
      %add3A_88 = arith.addi %min3A_85, %add3A_87 : vector<16xi32>
      %convert_element_type3A_89 = arith.sitofp %min3A_85 : vector<16xi32> to vector<16xf32>
      %sub3A = arith.subf %get3A_81, %convert_element_type3A_89 : vector<16xf32>
      %swap3A = arith.index_cast %mul3A_80 : i32 to index
      %swap3A_90 = tpu.vector_load %arg8[%swap3A] {strides = array<i32>} : memref<512xf32, #tpu.memory_space<vmem>>, vector<16xf32>,
      tpu.vector_store %arg8[%swap3A], %sub3A {strides = array<i32>} : memref<512xf32, #tpu.memory_space<vmem>>, vector<16xf32>,
      %shift_right_arithmetic3A = arith.constant 7 : i32
      %shift_right_arithmetic3A_91 = vector.broadcast %shift_right_arithmetic3A : i32 to vector<16xi32>
      %shift_right_arithmetic3A_92 = arith.shrsi %min3A_85, %shift_right_arithmetic3A_91 : vector<16xi32>
      %shift_left3A = arith.constant 10 : i32
      %shift_left3A_93 = vector.broadcast %shift_left3A : i32 to vector<16xi32>
      %shift_left3A_94 = arith.shli %shift_right_arithmetic3A_92, %shift_left3A_93 : vector<16xi32>
      %and3A = arith.constant 127 : i32
      %and3A_95 = vector.broadcast %and3A : i32 to vector<16xi32>
      %and3A_96 = arith.andi %min3A_85, %and3A_95 : vector<16xi32>
      %or3A = arith.ori %shift_left3A_94, %and3A_96 : vector<16xi32>
      %swap3A_97 = arith.index_cast %mul3A_80 : i32 to index
      %swap3A_98 = tpu.vector_load %arg6[%swap3A_97] {strides = array<i32>} : memref<512xi32, #tpu.memory_space<vmem>>, vector<16xi32>,
      tpu.vector_store %arg6[%swap3A_97], %or3A {strides = array<i32>} : memref<512xi32, #tpu.memory_space<vmem>>, vector<16xi32>,
      %shift_right_arithmetic3A_99 = arith.constant 7 : i32
      %shift_right_arithmetic3A_100 = vector.broadcast %shift_right_arithmetic3A_99 : i32 to vector<16xi32>
      %shift_right_arithmetic3A_101 = arith.shrsi %add3A_88, %shift_right_arithmetic3A_100 : vector<16xi32>
      %shift_left3A_102 = arith.constant 10 : i32
      %shift_left3A_103 = vector.broadcast %shift_left3A_102 : i32 to vector<16xi32>
      %shift_left3A_104 = arith.shli %shift_right_arithmetic3A_101, %shift_left3A_103 : vector<16xi32>
      %and3A_105 = arith.constant 127 : i32
      %and3A_106 = vector.broadcast %and3A_105 : i32 to vector<16xi32>
      %and3A_107 = arith.andi %add3A_88, %and3A_106 : vector<16xi32>
      %or3A_108 = arith.ori %shift_left3A_104, %and3A_107 : vector<16xi32>
      %swap3A_109 = arith.index_cast %mul3A_80 : i32 to index
      %swap3A_110 = tpu.vector_load %arg7[%swap3A_109] {strides = array<i32>} : memref<512xi32, #tpu.memory_space<vmem>>, vector<16xi32>,
      tpu.vector_store %arg7[%swap3A_109], %or3A_108 {strides = array<i32>} : memref<512xi32, #tpu.memory_space<vmem>>, vector<16xi32>,
    }
    %scan3A_6 = arith.constant 32 : i32
    %add3A_7 = arith.constant 0 : i32
    %add3A_8 = arith.addi %mul3A_2, %add3A_7 : i32
    %dma_start3A = arith.constant 0 : i32
    %dma_start3A_9 = tpu.memref_slice %arg2[%add3A_8, %dma_start3A] : memref<4096x16384xf32, #tpu.memory_space<hbm>> -> memref<1x16384xf32, #tpu.memory_space<hbm>>
    %dma_start3A_10 = tpu.memref_squeeze %dma_start3A_9 : memref<1x16384xf32, #tpu.memory_space<hbm>> -> memref<16384xf32, #tpu.memory_space<hbm>>
    %dma_start3A_11 = arith.constant 0 : i32
    %dma_start3A_12 = tpu.memref_slice %arg2[%add3A_8, %dma_start3A_11] : memref<4096x16384xf32, #tpu.memory_space<hbm>> -> memref<1x16384xf32, #tpu.memory_space<hbm>>
    %dma_start3A_13 = tpu.memref_squeeze %dma_start3A_12 : memref<1x16384xf32, #tpu.memory_space<hbm>> -> memref<16384xf32, #tpu.memory_space<hbm>>
    tpu.enqueue_dma source(%dma_start3A_13 : memref<16384xf32, #tpu.memory_space<hbm>>) target(%arg9 : memref<16384xf32, #tpu.memory_space<vmem>>) target_semaphore(%arg17 : memref<!tpu.dma_semaphore, #tpu.memory_space<semaphore_mem>>)
    %add3A_14 = arith.constant 1 : i32
    %add3A_15 = arith.addi %mul3A_2, %add3A_14 : i32
    %dma_start3A_16 = arith.constant 0 : i32
    %dma_start3A_17 = tpu.memref_slice %arg2[%add3A_15, %dma_start3A_16] : memref<4096x16384xf32, #tpu.memory_space<hbm>> -> memref<1x16384xf32, #tpu.memory_space<hbm>>
    %dma_start3A_18 = tpu.memref_squeeze %dma_start3A_17 : memref<1x16384xf32, #tpu.memory_space<hbm>> -> memref<16384xf32, #tpu.memory_space<hbm>>
    %dma_start3A_19 = arith.constant 0 : i32
    %dma_start3A_20 = tpu.memref_slice %arg2[%add3A_15, %dma_start3A_19] : memref<4096x16384xf32, #tpu.memory_space<hbm>> -> memref<1x16384xf32, #tpu.memory_space<hbm>>
    %dma_start3A_21 = tpu.memref_squeeze %dma_start3A_20 : memref<1x16384xf32, #tpu.memory_space<hbm>> -> memref<16384xf32, #tpu.memory_space<hbm>>
    tpu.enqueue_dma source(%dma_start3A_21 : memref<16384xf32, #tpu.memory_space<hbm>>) target(%arg10 : memref<16384xf32, #tpu.memory_space<vmem>>) target_semaphore(%arg18 : memref<!tpu.dma_semaphore, #tpu.memory_space<semaphore_mem>>)
    %add3A_22 = arith.constant 2 : i32
    %add3A_23 = arith.addi %mul3A_2, %add3A_22 : i32
    %dma_start3A_24 = arith.constant 0 : i32
    %dma_start3A_25 = tpu.memref_slice %arg2[%add3A_23, %dma_start3A_24] : memref<4096x16384xf32, #tpu.memory_space<hbm>> -> memref<1x16384xf32, #tpu.memory_space<hbm>>
    %dma_start3A_26 = tpu.memref_squeeze %dma_start3A_25 : memref<1x16384xf32, #tpu.memory_space<hbm>> -> memref<16384xf32, #tpu.memory_space<hbm>>
    %dma_start3A_27 = arith.constant 0 : i32
    %dma_start3A_28 = tpu.memref_slice %arg2[%add3A_23, %dma_start3A_27] : memref<4096x16384xf32, #tpu.memory_space<hbm>> -> memref<1x16384xf32, #tpu.memory_space<hbm>>
    %dma_start3A_29 = tpu.memref_squeeze %dma_start3A_28 : memref<1x16384xf32, #tpu.memory_space<hbm>> -> memref<16384xf32, #tpu.memory_space<hbm>>
    tpu.enqueue_dma source(%dma_start3A_29 : memref<16384xf32, #tpu.memory_space<hbm>>) target(%arg11 : memref<16384xf32, #tpu.memory_space<vmem>>) target_semaphore(%arg19 : memref<!tpu.dma_semaphore, #tpu.memory_space<semaphore_mem>>)
    %add3A_30 = arith.constant 3 : i32
    %add3A_31 = arith.addi %mul3A_2, %add3A_30 : i32
    %dma_start3A_32 = arith.constant 0 : i32
    %dma_start3A_33 = tpu.memref_slice %arg2[%add3A_31, %dma_start3A_32] : memref<4096x16384xf32, #tpu.memory_space<hbm>> -> memref<1x16384xf32, #tpu.memory_space<hbm>>
    %dma_start3A_34 = tpu.memref_squeeze %dma_start3A_33 : memref<1x16384xf32, #tpu.memory_space<hbm>> -> memref<16384xf32, #tpu.memory_space<hbm>>
    %dma_start3A_35 = arith.constant 0 : i32
    %dma_start3A_36 = tpu.memref_slice %arg2[%add3A_31, %dma_start3A_35] : memref<4096x16384xf32, #tpu.memory_space<hbm>> -> memref<1x16384xf32, #tpu.memory_space<hbm>>
    %dma_start3A_37 = tpu.memref_squeeze %dma_start3A_36 : memref<1x16384xf32, #tpu.memory_space<hbm>> -> memref<16384xf32, #tpu.memory_space<hbm>>
    tpu.enqueue_dma source(%dma_start3A_37 : memref<16384xf32, #tpu.memory_space<hbm>>) target(%arg12 : memref<16384xf32, #tpu.memory_space<vmem>>) target_semaphore(%arg20 : memref<!tpu.dma_semaphore, #tpu.memory_space<semaphore_mem>>)
    %scan3A_38 = arith.constant 0 : i32
    %scan3A_39 = arith.constant 32 : i32
    %scan3A_40 = arith.addi %scan3A_38, %scan3A_39 : i32
    %scan3A_41 = arith.constant 1 : i32
    scf.for %scan3A_74 = %scan3A_38 to %scan3A_40 step %scan3A_41  : i32 {
      %mul3A_75 = arith.constant 4 : i32
      %mul3A_76 = arith.muli %scan3A_74, %mul3A_75 : i32
      %add3A_77 = arith.constant 0 : i32
      %add3A_78 = arith.addi %add3A_77, %mul3A_76 : i32
      %add3A_79 = arith.constant 0 : i32
      %add3A_80 = arith.addi %add3A_78, %add3A_79 : i32
      %add3A_81 = arith.addi %mul3A_2, %add3A_80 : i32
      %dma_wait3A_82 = arith.constant 0 : i32
      %dma_wait3A_83 = tpu.memref_slice %arg2[%add3A_81, %dma_wait3A_82] : memref<4096x16384xf32, #tpu.memory_space<hbm>> -> memref<1x16384xf32, #tpu.memory_space<hbm>>
      %dma_wait3A_84 = tpu.memref_squeeze %dma_wait3A_83 : memref<1x16384xf32, #tpu.memory_space<hbm>> -> memref<16384xf32, #tpu.memory_space<hbm>>
      %dma_wait3A_85 = arith.constant 0 : i32
      %dma_wait3A_86 = tpu.memref_slice %arg2[%add3A_81, %dma_wait3A_85] : memref<4096x16384xf32, #tpu.memory_space<hbm>> -> memref<1x16384xf32, #tpu.memory_space<hbm>>
      %dma_wait3A_87 = tpu.memref_squeeze %dma_wait3A_86 : memref<1x16384xf32, #tpu.memory_space<hbm>> -> memref<16384xf32, #tpu.memory_space<hbm>>
      tpu.wait_dma2 semaphore(%arg17 : memref<!tpu.dma_semaphore, #tpu.memory_space<semaphore_mem>>) src(%dma_wait3A_87 : memref<16384xf32, #tpu.memory_space<hbm>>) dst(%arg9 : memref<16384xf32, #tpu.memory_space<vmem>>)
      %ge3A = arith.constant 4 : i32
      %ge3A_88 = arith.cmpi sge, %add3A_78, %ge3A : i32
      %convert_element_type3A = arith.extui %ge3A_88 : i1 to i32
      %cond3A = arith.constant 0 : i32
      %cond3A_89 = arith.cmpi ne, %convert_element_type3A, %cond3A : i32
      scf.if %cond3A_89 {
        %add3A_214 = arith.constant 0 : i32
        %add3A_215 = arith.addi %add3A_78, %add3A_214 : i32
        %sub3A = arith.constant 4 : i32
        %sub3A_216 = arith.subi %add3A_215, %sub3A : i32
        %add3A_217 = arith.addi %mul3A_2, %sub3A_216 : i32
        %dma_wait3A_218 = arith.constant 0 : i32
        %dma_wait3A_219 = tpu.memref_slice %arg4[%add3A_217, %dma_wait3A_218] : memref<4096x4096xf32, #tpu.memory_space<hbm>> -> memref<1x4096xf32, #tpu.memory_space<hbm>>
        %dma_wait3A_220 = tpu.memref_squeeze %dma_wait3A_219 : memref<1x4096xf32, #tpu.memory_space<hbm>> -> memref<4096xf32, #tpu.memory_space<hbm>>
        %dma_wait3A_221 = arith.constant 0 : i32
        %dma_wait3A_222 = tpu.memref_slice %arg4[%add3A_217, %dma_wait3A_221] : memref<4096x4096xf32, #tpu.memory_space<hbm>> -> memref<1x4096xf32, #tpu.memory_space<hbm>>
        %dma_wait3A_223 = tpu.memref_squeeze %dma_wait3A_222 : memref<1x4096xf32, #tpu.memory_space<hbm>> -> memref<4096xf32, #tpu.memory_space<hbm>>
        tpu.wait_dma2 semaphore(%arg21 : memref<!tpu.dma_semaphore, #tpu.memory_space<semaphore_mem>>) src(%arg13 : memref<4096xf32, #tpu.memory_space<vmem>>) dst(%dma_wait3A_223 : memref<4096xf32, #tpu.memory_space<hbm>>)
      } else {
      }
      %add3A_90 = arith.constant 0 : i32
      %add3A_91 = arith.addi %add3A_78, %add3A_90 : i32
      %parallel_loop3A = arith.constant 0 : i32
      %parallel_loop3A_92 = arith.constant 32 : i32
      %parallel_loop3A_93 = arith.constant 1 : i32
      scf.for %parallel_loop3A_214 = %parallel_loop3A to %parallel_loop3A_92 step %parallel_loop3A_93  : i32 {
        %parallel_loop3A_215 = arith.constant 16 : i32
        %parallel_loop3A_216 = arith.muli %parallel_loop3A_214, %parallel_loop3A_215 : i32
        %parallel_loop3A_217 = arith.index_cast %parallel_loop3A_216 : i32 to index
        %parallel_loop3A_218 = tpu.vector_load %arg6[%parallel_loop3A_217] {strides = array<i32>} : memref<512xi32, #tpu.memory_space<vmem>>, vector<16xi32>,
        %parallel_loop3A_219 = arith.index_cast %parallel_loop3A_216 : i32 to index
        %parallel_loop3A_220 = tpu.vector_load %arg7[%parallel_loop3A_219] {strides = array<i32>} : memref<512xi32, #tpu.memory_space<vmem>>, vector<16xi32>,
        %parallel_loop3A_221 = arith.index_cast %parallel_loop3A_216 : i32 to index
        %parallel_loop3A_222 = tpu.vector_load %arg8[%parallel_loop3A_221] {strides = array<i32>} : memref<512xf32, #tpu.memory_space<vmem>>, vector<16xf32>,
        %parallel_loop3A_223 = arith.constant 8 : i32
        %parallel_loop3A_224 = arith.divsi %parallel_loop3A_214, %parallel_loop3A_223 : i32
        %parallel_loop3A_225 = arith.constant 0 : i32
        %parallel_loop3A_226 = arith.cmpi sgt, %parallel_loop3A_214, %parallel_loop3A_225 : i32
        %parallel_loop3A_227 = arith.extui %parallel_loop3A_226 : i1 to i32
        %parallel_loop3A_228 = arith.constant 0 : i32
        %parallel_loop3A_229 = arith.cmpi slt, %parallel_loop3A_214, %parallel_loop3A_228 : i32
        %parallel_loop3A_230 = arith.extui %parallel_loop3A_229 : i1 to i32
        %parallel_loop3A_231 = arith.subi %parallel_loop3A_227, %parallel_loop3A_230 : i32
        %parallel_loop3A_232 = arith.constant 0 : i32
        %parallel_loop3A_233 = arith.cmpi sgt, %parallel_loop3A_223, %parallel_loop3A_232 : i32
        %parallel_loop3A_234 = arith.extui %parallel_loop3A_233 : i1 to i32
        %parallel_loop3A_235 = arith.constant 0 : i32
        %parallel_loop3A_236 = arith.cmpi slt, %parallel_loop3A_223, %parallel_loop3A_235 : i32
        %parallel_loop3A_237 = arith.extui %parallel_loop3A_236 : i1 to i32
        %parallel_loop3A_238 = arith.subi %parallel_loop3A_234, %parallel_loop3A_237 : i32
        %parallel_loop3A_239 = arith.cmpi ne, %parallel_loop3A_231, %parallel_loop3A_238 : i32
        %parallel_loop3A_240 = arith.remsi %parallel_loop3A_214, %parallel_loop3A_223 : i32
        %parallel_loop3A_241 = arith.constant 0 : i32
        %parallel_loop3A_242 = arith.cmpi ne, %parallel_loop3A_240, %parallel_loop3A_241 : i32
        %parallel_loop3A_243 = arith.andi %parallel_loop3A_239, %parallel_loop3A_242 : i1
        %parallel_loop3A_244 = arith.constant 1 : i32
        %parallel_loop3A_245 = arith.subi %parallel_loop3A_224, %parallel_loop3A_244 : i32
        %parallel_loop3A_246 = arith.select %parallel_loop3A_243, %parallel_loop3A_245, %parallel_loop3A_224 : i32
        %parallel_loop3A_247 = arith.constant 1024 : i32
        %parallel_loop3A_248 = arith.muli %parallel_loop3A_246, %parallel_loop3A_247 : i32
        %parallel_loop3A_249 = arith.constant 8 : i32
        %parallel_loop3A_250 = arith.constant 0 : i32
        %parallel_loop3A_251 = arith.cmpi eq, %parallel_loop3A_249, %parallel_loop3A_250 : i32
        %parallel_loop3A_252 = arith.constant 1 : i32
        %parallel_loop3A_253 = arith.select %parallel_loop3A_251, %parallel_loop3A_252, %parallel_loop3A_249 : i32
        %parallel_loop3A_254 = arith.remsi %parallel_loop3A_214, %parallel_loop3A_253 : i32
        %parallel_loop3A_255 = arith.constant 0 : i32
        %parallel_loop3A_256 = arith.cmpi ne, %parallel_loop3A_254, %parallel_loop3A_255 : i32
        %parallel_loop3A_257 = arith.constant 0 : i32
        %parallel_loop3A_258 = arith.cmpi slt, %parallel_loop3A_254, %parallel_loop3A_257 : i32
        %parallel_loop3A_259 = arith.constant 0 : i32
        %parallel_loop3A_260 = arith.cmpi slt, %parallel_loop3A_253, %parallel_loop3A_259 : i32
        %parallel_loop3A_261 = arith.xori %parallel_loop3A_258, %parallel_loop3A_260 : i1
        %parallel_loop3A_262 = arith.andi %parallel_loop3A_261, %parallel_loop3A_256 : i1
        %parallel_loop3A_263 = arith.addi %parallel_loop3A_254, %parallel_loop3A_253 : i32
        %parallel_loop3A_264 = arith.select %parallel_loop3A_262, %parallel_loop3A_263, %parallel_loop3A_254 : i32
        %parallel_loop3A_265 = arith.constant 16 : i32
        %parallel_loop3A_266 = arith.muli %parallel_loop3A_264, %parallel_loop3A_265 : i32
        %parallel_loop3A_267 = arith.addi %parallel_loop3A_248, %parallel_loop3A_266 : i32
        %parallel_loop3A_268 = arith.constant 0 : i32
        %parallel_loop3A_269 = vector.broadcast %parallel_loop3A_268 : i32 to vector<16xi32>
        %parallel_loop3A_270 = arith.addi %parallel_loop3A_218, %parallel_loop3A_269 : vector<16xi32>
        %parallel_loop3A_271 = tpu.vector_load_idx %arg9[%parallel_loop3A_270] : memref<16384xf32, #tpu.memory_space<vmem>>[vector<16xi32>], vector<16xf32>,
        %parallel_loop3A_272 = arith.constant 0 : i32
        %parallel_loop3A_273 = vector.broadcast %parallel_loop3A_272 : i32 to vector<16xi32>
        %parallel_loop3A_274 = arith.addi %parallel_loop3A_220, %parallel_loop3A_273 : vector<16xi32>
        %parallel_loop3A_275 = tpu.vector_load_idx %arg9[%parallel_loop3A_274] : memref<16384xf32, #tpu.memory_space<vmem>>[vector<16xi32>], vector<16xf32>,
        %parallel_loop3A_276 = arith.subf %parallel_loop3A_275, %parallel_loop3A_271 : vector<16xf32>
        %parallel_loop3A_277 = arith.mulf %parallel_loop3A_222, %parallel_loop3A_276 : vector<16xf32>
        %parallel_loop3A_278 = arith.addf %parallel_loop3A_271, %parallel_loop3A_277 : vector<16xf32>
        %parallel_loop3A_279 = arith.constant 0 : i32
        %parallel_loop3A_280 = arith.addi %parallel_loop3A_279, %parallel_loop3A_267 : i32
        %parallel_loop3A_281 = arith.constant 0 : i32
        %parallel_loop3A_282 = arith.addi %parallel_loop3A_280, %parallel_loop3A_281 : i32
        %parallel_loop3A_283 = arith.index_cast %parallel_loop3A_282 : i32 to index
        %parallel_loop3A_284 = tpu.vector_load %arg13[%parallel_loop3A_283] {strides = array<i32>} : memref<4096xf32, #tpu.memory_space<vmem>>, vector<16xf32>,
        tpu.vector_store %arg13[%parallel_loop3A_283], %parallel_loop3A_278 {strides = array<i32>} : memref<4096xf32, #tpu.memory_space<vmem>>, vector<16xf32>,
        %parallel_loop3A_285 = arith.constant 128 : i32
        %parallel_loop3A_286 = vector.broadcast %parallel_loop3A_285 : i32 to vector<16xi32>
        %parallel_loop3A_287 = arith.addi %parallel_loop3A_218, %parallel_loop3A_286 : vector<16xi32>
        %parallel_loop3A_288 = tpu.vector_load_idx %arg9[%parallel_loop3A_287] : memref<16384xf32, #tpu.memory_space<vmem>>[vector<16xi32>], vector<16xf32>,
        %parallel_loop3A_289 = arith.constant 128 : i32
        %parallel_loop3A_290 = vector.broadcast %parallel_loop3A_289 : i32 to vector<16xi32>
        %parallel_loop3A_291 = arith.addi %parallel_loop3A_220, %parallel_loop3A_290 : vector<16xi32>
        %parallel_loop3A_292 = tpu.vector_load_idx %arg9[%parallel_loop3A_291] : memref<16384xf32, #tpu.memory_space<vmem>>[vector<16xi32>], vector<16xf32>,
        %parallel_loop3A_293 = arith.subf %parallel_loop3A_292, %parallel_loop3A_288 : vector<16xf32>
        %parallel_loop3A_294 = arith.mulf %parallel_loop3A_222, %parallel_loop3A_293 : vector<16xf32>
        %parallel_loop3A_295 = arith.addf %parallel_loop3A_288, %parallel_loop3A_294 : vector<16xf32>
        %parallel_loop3A_296 = arith.constant 0 : i32
        %parallel_loop3A_297 = arith.addi %parallel_loop3A_296, %parallel_loop3A_267 : i32
        %parallel_loop3A_298 = arith.constant 128 : i32
        %parallel_loop3A_299 = arith.addi %parallel_loop3A_297, %parallel_loop3A_298 : i32
        %parallel_loop3A_300 = arith.index_cast %parallel_loop3A_299 : i32 to index
        %parallel_loop3A_301 = tpu.vector_load %arg13[%parallel_loop3A_300] {strides = array<i32>} : memref<4096xf32, #tpu.memory_space<vmem>>, vector<16xf32>,
        tpu.vector_store %arg13[%parallel_loop3A_300], %parallel_loop3A_295 {strides = array<i32>} : memref<4096xf32, #tpu.memory_space<vmem>>, vector<16xf32>,
        %parallel_loop3A_302 = arith.constant 256 : i32
        %parallel_loop3A_303 = vector.broadcast %parallel_loop3A_302 : i32 to vector<16xi32>
        %parallel_loop3A_304 = arith.addi %parallel_loop3A_218, %parallel_loop3A_303 : vector<16xi32>
        %parallel_loop3A_305 = tpu.vector_load_idx %arg9[%parallel_loop3A_304] : memref<16384xf32, #tpu.memory_space<vmem>>[vector<16xi32>], vector<16xf32>,
        %parallel_loop3A_306 = arith.constant 256 : i32
        %parallel_loop3A_307 = vector.broadcast %parallel_loop3A_306 : i32 to vector<16xi32>
        %parallel_loop3A_308 = arith.addi %parallel_loop3A_220, %parallel_loop3A_307 : vector<16xi32>
        %parallel_loop3A_309 = tpu.vector_load_idx %arg9[%parallel_loop3A_308] : memref<16384xf32, #tpu.memory_space<vmem>>[vector<16xi32>], vector<16xf32>,
        %parallel_loop3A_310 = arith.subf %parallel_loop3A_309, %parallel_loop3A_305 : vector<16xf32>
        %parallel_loop3A_311 = arith.mulf %parallel_loop3A_222, %parallel_loop3A_310 : vector<16xf32>
        %parallel_loop3A_312 = arith.addf %parallel_loop3A_305, %parallel_loop3A_311 : vector<16xf32>
        %parallel_loop3A_313 = arith.constant 0 : i32
        %parallel_loop3A_314 = arith.addi %parallel_loop3A_313, %parallel_loop3A_267 : i32
        %parallel_loop3A_315 = arith.constant 256 : i32
        %parallel_loop3A_316 = arith.addi %parallel_loop3A_314, %parallel_loop3A_315 : i32
        %parallel_loop3A_317 = arith.index_cast %parallel_loop3A_316 : i32 to index
        %parallel_loop3A_318 = tpu.vector_load %arg13[%parallel_loop3A_317] {strides = array<i32>} : memref<4096xf32, #tpu.memory_space<vmem>>, vector<16xf32>,
        tpu.vector_store %arg13[%parallel_loop3A_317], %parallel_loop3A_312 {strides = array<i32>} : memref<4096xf32, #tpu.memory_space<vmem>>, vector<16xf32>,
        %parallel_loop3A_319 = arith.constant 384 : i32
        %parallel_loop3A_320 = vector.broadcast %parallel_loop3A_319 : i32 to vector<16xi32>
        %parallel_loop3A_321 = arith.addi %parallel_loop3A_218, %parallel_loop3A_320 : vector<16xi32>
        %parallel_loop3A_322 = tpu.vector_load_idx %arg9[%parallel_loop3A_321] : memref<16384xf32, #tpu.memory_space<vmem>>[vector<16xi32>], vector<16xf32>,
        %parallel_loop3A_323 = arith.constant 384 : i32
        %parallel_loop3A_324 = vector.broadcast %parallel_loop3A_323 : i32 to vector<16xi32>
        %parallel_loop3A_325 = arith.addi %parallel_loop3A_220, %parallel_loop3A_324 : vector<16xi32>
        %parallel_loop3A_326 = tpu.vector_load_idx %arg9[%parallel_loop3A_325] : memref<16384xf32, #tpu.memory_space<vmem>>[vector<16xi32>], vector<16xf32>,
        %parallel_loop3A_327 = arith.subf %parallel_loop3A_326, %parallel_loop3A_322 : vector<16xf32>
        %parallel_loop3A_328 = arith.mulf %parallel_loop3A_222, %parallel_loop3A_327 : vector<16xf32>
        %parallel_loop3A_329 = arith.addf %parallel_loop3A_322, %parallel_loop3A_328 : vector<16xf32>
        %parallel_loop3A_330 = arith.constant 0 : i32
        %parallel_loop3A_331 = arith.addi %parallel_loop3A_330, %parallel_loop3A_267 : i32
        %parallel_loop3A_332 = arith.constant 384 : i32
        %parallel_loop3A_333 = arith.addi %parallel_loop3A_331, %parallel_loop3A_332 : i32
        %parallel_loop3A_334 = arith.index_cast %parallel_loop3A_333 : i32 to index
        %parallel_loop3A_335 = tpu.vector_load %arg13[%parallel_loop3A_334] {strides = array<i32>} : memref<4096xf32, #tpu.memory_space<vmem>>, vector<16xf32>,
        tpu.vector_store %arg13[%parallel_loop3A_334], %parallel_loop3A_329 {strides = array<i32>} : memref<4096xf32, #tpu.memory_space<vmem>>, vector<16xf32>,
        %parallel_loop3A_336 = arith.constant 512 : i32
        %parallel_loop3A_337 = vector.broadcast %parallel_loop3A_336 : i32 to vector<16xi32>
        %parallel_loop3A_338 = arith.addi %parallel_loop3A_218, %parallel_loop3A_337 : vector<16xi32>
        %parallel_loop3A_339 = tpu.vector_load_idx %arg9[%parallel_loop3A_338] : memref<16384xf32, #tpu.memory_space<vmem>>[vector<16xi32>], vector<16xf32>,
        %parallel_loop3A_340 = arith.constant 512 : i32
        %parallel_loop3A_341 = vector.broadcast %parallel_loop3A_340 : i32 to vector<16xi32>
        %parallel_loop3A_342 = arith.addi %parallel_loop3A_220, %parallel_loop3A_341 : vector<16xi32>
        %parallel_loop3A_343 = tpu.vector_load_idx %arg9[%parallel_loop3A_342] : memref<16384xf32, #tpu.memory_space<vmem>>[vector<16xi32>], vector<16xf32>,
        %parallel_loop3A_344 = arith.subf %parallel_loop3A_343, %parallel_loop3A_339 : vector<16xf32>
        %parallel_loop3A_345 = arith.mulf %parallel_loop3A_222, %parallel_loop3A_344 : vector<16xf32>
        %parallel_loop3A_346 = arith.addf %parallel_loop3A_339, %parallel_loop3A_345 : vector<16xf32>
        %parallel_loop3A_347 = arith.constant 0 : i32
        %parallel_loop3A_348 = arith.addi %parallel_loop3A_347, %parallel_loop3A_267 : i32
        %parallel_loop3A_349 = arith.constant 512 : i32
        %parallel_loop3A_350 = arith.addi %parallel_loop3A_348, %parallel_loop3A_349 : i32
        %parallel_loop3A_351 = arith.index_cast %parallel_loop3A_350 : i32 to index
        %parallel_loop3A_352 = tpu.vector_load %arg13[%parallel_loop3A_351] {strides = array<i32>} : memref<4096xf32, #tpu.memory_space<vmem>>, vector<16xf32>,
        tpu.vector_store %arg13[%parallel_loop3A_351], %parallel_loop3A_346 {strides = array<i32>} : memref<4096xf32, #tpu.memory_space<vmem>>, vector<16xf32>,
        %parallel_loop3A_353 = arith.constant 640 : i32
        %parallel_loop3A_354 = vector.broadcast %parallel_loop3A_353 : i32 to vector<16xi32>
        %parallel_loop3A_355 = arith.addi %parallel_loop3A_218, %parallel_loop3A_354 : vector<16xi32>
        %parallel_loop3A_356 = tpu.vector_load_idx %arg9[%parallel_loop3A_355] : memref<16384xf32, #tpu.memory_space<vmem>>[vector<16xi32>], vector<16xf32>,
        %parallel_loop3A_357 = arith.constant 640 : i32
        %parallel_loop3A_358 = vector.broadcast %parallel_loop3A_357 : i32 to vector<16xi32>
        %parallel_loop3A_359 = arith.addi %parallel_loop3A_220, %parallel_loop3A_358 : vector<16xi32>
        %parallel_loop3A_360 = tpu.vector_load_idx %arg9[%parallel_loop3A_359] : memref<16384xf32, #tpu.memory_space<vmem>>[vector<16xi32>], vector<16xf32>,
        %parallel_loop3A_361 = arith.subf %parallel_loop3A_360, %parallel_loop3A_356 : vector<16xf32>
        %parallel_loop3A_362 = arith.mulf %parallel_loop3A_222, %parallel_loop3A_361 : vector<16xf32>
        %parallel_loop3A_363 = arith.addf %parallel_loop3A_356, %parallel_loop3A_362 : vector<16xf32>
        %parallel_loop3A_364 = arith.constant 0 : i32
        %parallel_loop3A_365 = arith.addi %parallel_loop3A_364, %parallel_loop3A_267 : i32
        %parallel_loop3A_366 = arith.constant 640 : i32
        %parallel_loop3A_367 = arith.addi %parallel_loop3A_365, %parallel_loop3A_366 : i32
        %parallel_loop3A_368 = arith.index_cast %parallel_loop3A_367 : i32 to index
        %parallel_loop3A_369 = tpu.vector_load %arg13[%parallel_loop3A_368] {strides = array<i32>} : memref<4096xf32, #tpu.memory_space<vmem>>, vector<16xf32>,
        tpu.vector_store %arg13[%parallel_loop3A_368], %parallel_loop3A_363 {strides = array<i32>} : memref<4096xf32, #tpu.memory_space<vmem>>, vector<16xf32>,
        %parallel_loop3A_370 = arith.constant 768 : i32
        %parallel_loop3A_371 = vector.broadcast %parallel_loop3A_370 : i32 to vector<16xi32>
        %parallel_loop3A_372 = arith.addi %parallel_loop3A_218, %parallel_loop3A_371 : vector<16xi32>
        %parallel_loop3A_373 = tpu.vector_load_idx %arg9[%parallel_loop3A_372] : memref<16384xf32, #tpu.memory_space<vmem>>[vector<16xi32>], vector<16xf32>,
        %parallel_loop3A_374 = arith.constant 768 : i32
        %parallel_loop3A_375 = vector.broadcast %parallel_loop3A_374 : i32 to vector<16xi32>
        %parallel_loop3A_376 = arith.addi %parallel_loop3A_220, %parallel_loop3A_375 : vector<16xi32>
        %parallel_loop3A_377 = tpu.vector_load_idx %arg9[%parallel_loop3A_376] : memref<16384xf32, #tpu.memory_space<vmem>>[vector<16xi32>], vector<16xf32>,
        %parallel_loop3A_378 = arith.subf %parallel_loop3A_377, %parallel_loop3A_373 : vector<16xf32>
        %parallel_loop3A_379 = arith.mulf %parallel_loop3A_222, %parallel_loop3A_378 : vector<16xf32>
        %parallel_loop3A_380 = arith.addf %parallel_loop3A_373, %parallel_loop3A_379 : vector<16xf32>
        %parallel_loop3A_381 = arith.constant 0 : i32
        %parallel_loop3A_382 = arith.addi %parallel_loop3A_381, %parallel_loop3A_267 : i32
        %parallel_loop3A_383 = arith.constant 768 : i32
        %parallel_loop3A_384 = arith.addi %parallel_loop3A_382, %parallel_loop3A_383 : i32
        %parallel_loop3A_385 = arith.index_cast %parallel_loop3A_384 : i32 to index
        %parallel_loop3A_386 = tpu.vector_load %arg13[%parallel_loop3A_385] {strides = array<i32>} : memref<4096xf32, #tpu.memory_space<vmem>>, vector<16xf32>,
        tpu.vector_store %arg13[%parallel_loop3A_385], %parallel_loop3A_380 {strides = array<i32>} : memref<4096xf32, #tpu.memory_space<vmem>>, vector<16xf32>,
        %parallel_loop3A_387 = arith.constant 896 : i32
        %parallel_loop3A_388 = vector.broadcast %parallel_loop3A_387 : i32 to vector<16xi32>
        %parallel_loop3A_389 = arith.addi %parallel_loop3A_218, %parallel_loop3A_388 : vector<16xi32>
        %parallel_loop3A_390 = tpu.vector_load_idx %arg9[%parallel_loop3A_389] : memref<16384xf32, #tpu.memory_space<vmem>>[vector<16xi32>], vector<16xf32>,
        %parallel_loop3A_391 = arith.constant 896 : i32
        %parallel_loop3A_392 = vector.broadcast %parallel_loop3A_391 : i32 to vector<16xi32>
        %parallel_loop3A_393 = arith.addi %parallel_loop3A_220, %parallel_loop3A_392 : vector<16xi32>
        %parallel_loop3A_394 = tpu.vector_load_idx %arg9[%parallel_loop3A_393] : memref<16384xf32, #tpu.memory_space<vmem>>[vector<16xi32>], vector<16xf32>,
        %parallel_loop3A_395 = arith.subf %parallel_loop3A_394, %parallel_loop3A_390 : vector<16xf32>
        %parallel_loop3A_396 = arith.mulf %parallel_loop3A_222, %parallel_loop3A_395 : vector<16xf32>
        %parallel_loop3A_397 = arith.addf %parallel_loop3A_390, %parallel_loop3A_396 : vector<16xf32>
        %parallel_loop3A_398 = arith.constant 0 : i32
        %parallel_loop3A_399 = arith.addi %parallel_loop3A_398, %parallel_loop3A_267 : i32
        %parallel_loop3A_400 = arith.constant 896 : i32
        %parallel_loop3A_401 = arith.addi %parallel_loop3A_399, %parallel_loop3A_400 : i32
        %parallel_loop3A_402 = arith.index_cast %parallel_loop3A_401 : i32 to index
        %parallel_loop3A_403 = tpu.vector_load %arg13[%parallel_loop3A_402] {strides = array<i32>} : memref<4096xf32, #tpu.memory_space<vmem>>, vector<16xf32>,
        tpu.vector_store %arg13[%parallel_loop3A_402], %parallel_loop3A_397 {strides = array<i32>} : memref<4096xf32, #tpu.memory_space<vmem>>, vector<16xf32>,
      } {sc.loop_unroll_factor = 4 : i64, sc.parallel_access}
      %add3A_94 = arith.addi %mul3A_2, %add3A_91 : i32
      %dma_start3A_95 = arith.constant 0 : i32
      %dma_start3A_96 = tpu.memref_slice %arg4[%add3A_94, %dma_start3A_95] : memref<4096x4096xf32, #tpu.memory_space<hbm>> -> memref<1x4096xf32, #tpu.memory_space<hbm>>
      %dma_start3A_97 = tpu.memref_squeeze %dma_start3A_96 : memref<1x4096xf32, #tpu.memory_space<hbm>> -> memref<4096xf32, #tpu.memory_space<hbm>>
      %dma_start3A_98 = arith.constant 0 : i32
      %dma_start3A_99 = tpu.memref_slice %arg4[%add3A_94, %dma_start3A_98] : memref<4096x4096xf32, #tpu.memory_space<hbm>> -> memref<1x4096xf32, #tpu.memory_space<hbm>>
      %dma_start3A_100 = tpu.memref_squeeze %dma_start3A_99 : memref<1x4096xf32, #tpu.memory_space<hbm>> -> memref<4096xf32, #tpu.memory_space<hbm>>
      tpu.enqueue_dma source(%arg13 : memref<4096xf32, #tpu.memory_space<vmem>>) target(%dma_start3A_100 : memref<4096xf32, #tpu.memory_space<hbm>>) target_semaphore(%arg21 : memref<!tpu.dma_semaphore, #tpu.memory_space<semaphore_mem>>)
      %add3A_101 = arith.constant 0 : i32
      %add3A_102 = arith.addi %add3A_78, %add3A_101 : i32
      %add3A_103 = arith.constant 4 : i32
      %add3A_104 = arith.addi %add3A_102, %add3A_103 : i32
      %lt3A = arith.constant 128 : i32
      %lt3A_105 = arith.cmpi slt, %add3A_104, %lt3A : i32
      %convert_element_type3A_106 = arith.extui %lt3A_105 : i1 to i32
      %cond3A_107 = arith.constant 0 : i32
      %cond3A_108 = arith.cmpi ne, %convert_element_type3A_106, %cond3A_107 : i32
      scf.if %cond3A_108 {
        %add3A_214 = arith.constant 0 : i32
        %add3A_215 = arith.addi %add3A_78, %add3A_214 : i32
        %add3A_216 = arith.constant 4 : i32
        %add3A_217 = arith.addi %add3A_215, %add3A_216 : i32
        %add3A_218 = arith.addi %mul3A_2, %add3A_217 : i32
        %dma_start3A_219 = arith.constant 0 : i32
        %dma_start3A_220 = tpu.memref_slice %arg2[%add3A_218, %dma_start3A_219] : memref<4096x16384xf32, #tpu.memory_space<hbm>> -> memref<1x16384xf32, #tpu.memory_space<hbm>>
        %dma_start3A_221 = tpu.memref_squeeze %dma_start3A_220 : memref<1x16384xf32, #tpu.memory_space<hbm>> -> memref<16384xf32, #tpu.memory_space<hbm>>
        %dma_start3A_222 = arith.constant 0 : i32
        %dma_start3A_223 = tpu.memref_slice %arg2[%add3A_218, %dma_start3A_222] : memref<4096x16384xf32, #tpu.memory_space<hbm>> -> memref<1x16384xf32, #tpu.memory_space<hbm>>
        %dma_start3A_224 = tpu.memref_squeeze %dma_start3A_223 : memref<1x16384xf32, #tpu.memory_space<hbm>> -> memref<16384xf32, #tpu.memory_space<hbm>>
        tpu.enqueue_dma source(%dma_start3A_224 : memref<16384xf32, #tpu.memory_space<hbm>>) target(%arg9 : memref<16384xf32, #tpu.memory_space<vmem>>) target_semaphore(%arg17 : memref<!tpu.dma_semaphore, #tpu.memory_space<semaphore_mem>>)
      } else {
      }
      %add3A_109 = arith.constant 1 : i32
      %add3A_110 = arith.addi %add3A_78, %add3A_109 : i32
      %add3A_111 = arith.addi %mul3A_2, %add3A_110 : i32
      %dma_wait3A_112 = arith.constant 0 : i32
      %dma_wait3A_113 = tpu.memref_slice %arg2[%add3A_111, %dma_wait3A_112] : memref<4096x16384xf32, #tpu.memory_space<hbm>> -> memref<1x16384xf32, #tpu.memory_space<hbm>>
      %dma_wait3A_114 = tpu.memref_squeeze %dma_wait3A_113 : memref<1x16384xf32, #tpu.memory_space<hbm>> -> memref<16384xf32, #tpu.memory_space<hbm>>
      %dma_wait3A_115 = arith.constant 0 : i32
      %dma_wait3A_116 = tpu.memref_slice %arg2[%add3A_111, %dma_wait3A_115] : memref<4096x16384xf32, #tpu.memory_space<hbm>> -> memref<1x16384xf32, #tpu.memory_space<hbm>>
      %dma_wait3A_117 = tpu.memref_squeeze %dma_wait3A_116 : memref<1x16384xf32, #tpu.memory_space<hbm>> -> memref<16384xf32, #tpu.memory_space<hbm>>
      tpu.wait_dma2 semaphore(%arg18 : memref<!tpu.dma_semaphore, #tpu.memory_space<semaphore_mem>>) src(%dma_wait3A_117 : memref<16384xf32, #tpu.memory_space<hbm>>) dst(%arg10 : memref<16384xf32, #tpu.memory_space<vmem>>)
      %ge3A_118 = arith.constant 4 : i32
      %ge3A_119 = arith.cmpi sge, %add3A_78, %ge3A_118 : i32
      %convert_element_type3A_120 = arith.extui %ge3A_119 : i1 to i32
      %cond3A_121 = arith.constant 0 : i32
      %cond3A_122 = arith.cmpi ne, %convert_element_type3A_120, %cond3A_121 : i32
      scf.if %cond3A_122 {
        %add3A_214 = arith.constant 1 : i32
        %add3A_215 = arith.addi %add3A_78, %add3A_214 : i32
        %sub3A = arith.constant 4 : i32
        %sub3A_216 = arith.subi %add3A_215, %sub3A : i32
        %add3A_217 = arith.addi %mul3A_2, %sub3A_216 : i32
        %dma_wait3A_218 = arith.constant 0 : i32
        %dma_wait3A_219 = tpu.memref_slice %arg4[%add3A_217, %dma_wait3A_218] : memref<4096x4096xf32, #tpu.memory_space<hbm>> -> memref<1x4096xf32, #tpu.memory_space<hbm>>
        %dma_wait3A_220 = tpu.memref_squeeze %dma_wait3A_219 : memref<1x4096xf32, #tpu.memory_space<hbm>> -> memref<4096xf32, #tpu.memory_space<hbm>>
        %dma_wait3A_221 = arith.constant 0 : i32
        %dma_wait3A_222 = tpu.memref_slice %arg4[%add3A_217, %dma_wait3A_221] : memref<4096x4096xf32, #tpu.memory_space<hbm>> -> memref<1x4096xf32, #tpu.memory_space<hbm>>
        %dma_wait3A_223 = tpu.memref_squeeze %dma_wait3A_222 : memref<1x4096xf32, #tpu.memory_space<hbm>> -> memref<4096xf32, #tpu.memory_space<hbm>>
        tpu.wait_dma2 semaphore(%arg22 : memref<!tpu.dma_semaphore, #tpu.memory_space<semaphore_mem>>) src(%arg14 : memref<4096xf32, #tpu.memory_space<vmem>>) dst(%dma_wait3A_223 : memref<4096xf32, #tpu.memory_space<hbm>>)
      } else {
      }
      %add3A_123 = arith.constant 1 : i32
      %add3A_124 = arith.addi %add3A_78, %add3A_123 : i32
      %parallel_loop3A_125 = arith.constant 0 : i32
      %parallel_loop3A_126 = arith.constant 32 : i32
      %parallel_loop3A_127 = arith.constant 1 : i32
      scf.for %parallel_loop3A_214 = %parallel_loop3A_125 to %parallel_loop3A_126 step %parallel_loop3A_127  : i32 {
        %parallel_loop3A_215 = arith.constant 16 : i32
        %parallel_loop3A_216 = arith.muli %parallel_loop3A_214, %parallel_loop3A_215 : i32
        %parallel_loop3A_217 = arith.index_cast %parallel_loop3A_216 : i32 to index
        %parallel_loop3A_218 = tpu.vector_load %arg6[%parallel_loop3A_217] {strides = array<i32>} : memref<512xi32, #tpu.memory_space<vmem>>, vector<16xi32>,
        %parallel_loop3A_219 = arith.index_cast %parallel_loop3A_216 : i32 to index
        %parallel_loop3A_220 = tpu.vector_load %arg7[%parallel_loop3A_219] {strides = array<i32>} : memref<512xi32, #tpu.memory_space<vmem>>, vector<16xi32>,
        %parallel_loop3A_221 = arith.index_cast %parallel_loop3A_216 : i32 to index
        %parallel_loop3A_222 = tpu.vector_load %arg8[%parallel_loop3A_221] {strides = array<i32>} : memref<512xf32, #tpu.memory_space<vmem>>, vector<16xf32>,
        %parallel_loop3A_223 = arith.constant 8 : i32
        %parallel_loop3A_224 = arith.divsi %parallel_loop3A_214, %parallel_loop3A_223 : i32
        %parallel_loop3A_225 = arith.constant 0 : i32
        %parallel_loop3A_226 = arith.cmpi sgt, %parallel_loop3A_214, %parallel_loop3A_225 : i32
        %parallel_loop3A_227 = arith.extui %parallel_loop3A_226 : i1 to i32
        %parallel_loop3A_228 = arith.constant 0 : i32
        %parallel_loop3A_229 = arith.cmpi slt, %parallel_loop3A_214, %parallel_loop3A_228 : i32
        %parallel_loop3A_230 = arith.extui %parallel_loop3A_229 : i1 to i32
        %parallel_loop3A_231 = arith.subi %parallel_loop3A_227, %parallel_loop3A_230 : i32
        %parallel_loop3A_232 = arith.constant 0 : i32
        %parallel_loop3A_233 = arith.cmpi sgt, %parallel_loop3A_223, %parallel_loop3A_232 : i32
        %parallel_loop3A_234 = arith.extui %parallel_loop3A_233 : i1 to i32
        %parallel_loop3A_235 = arith.constant 0 : i32
        %parallel_loop3A_236 = arith.cmpi slt, %parallel_loop3A_223, %parallel_loop3A_235 : i32
        %parallel_loop3A_237 = arith.extui %parallel_loop3A_236 : i1 to i32
        %parallel_loop3A_238 = arith.subi %parallel_loop3A_234, %parallel_loop3A_237 : i32
        %parallel_loop3A_239 = arith.cmpi ne, %parallel_loop3A_231, %parallel_loop3A_238 : i32
        %parallel_loop3A_240 = arith.remsi %parallel_loop3A_214, %parallel_loop3A_223 : i32
        %parallel_loop3A_241 = arith.constant 0 : i32
        %parallel_loop3A_242 = arith.cmpi ne, %parallel_loop3A_240, %parallel_loop3A_241 : i32
        %parallel_loop3A_243 = arith.andi %parallel_loop3A_239, %parallel_loop3A_242 : i1
        %parallel_loop3A_244 = arith.constant 1 : i32
        %parallel_loop3A_245 = arith.subi %parallel_loop3A_224, %parallel_loop3A_244 : i32
        %parallel_loop3A_246 = arith.select %parallel_loop3A_243, %parallel_loop3A_245, %parallel_loop3A_224 : i32
        %parallel_loop3A_247 = arith.constant 1024 : i32
        %parallel_loop3A_248 = arith.muli %parallel_loop3A_246, %parallel_loop3A_247 : i32
        %parallel_loop3A_249 = arith.constant 8 : i32
        %parallel_loop3A_250 = arith.constant 0 : i32
        %parallel_loop3A_251 = arith.cmpi eq, %parallel_loop3A_249, %parallel_loop3A_250 : i32
        %parallel_loop3A_252 = arith.constant 1 : i32
        %parallel_loop3A_253 = arith.select %parallel_loop3A_251, %parallel_loop3A_252, %parallel_loop3A_249 : i32
        %parallel_loop3A_254 = arith.remsi %parallel_loop3A_214, %parallel_loop3A_253 : i32
        %parallel_loop3A_255 = arith.constant 0 : i32
        %parallel_loop3A_256 = arith.cmpi ne, %parallel_loop3A_254, %parallel_loop3A_255 : i32
        %parallel_loop3A_257 = arith.constant 0 : i32
        %parallel_loop3A_258 = arith.cmpi slt, %parallel_loop3A_254, %parallel_loop3A_257 : i32
        %parallel_loop3A_259 = arith.constant 0 : i32
        %parallel_loop3A_260 = arith.cmpi slt, %parallel_loop3A_253, %parallel_loop3A_259 : i32
        %parallel_loop3A_261 = arith.xori %parallel_loop3A_258, %parallel_loop3A_260 : i1
        %parallel_loop3A_262 = arith.andi %parallel_loop3A_261, %parallel_loop3A_256 : i1
        %parallel_loop3A_263 = arith.addi %parallel_loop3A_254, %parallel_loop3A_253 : i32
        %parallel_loop3A_264 = arith.select %parallel_loop3A_262, %parallel_loop3A_263, %parallel_loop3A_254 : i32
        %parallel_loop3A_265 = arith.constant 16 : i32
        %parallel_loop3A_266 = arith.muli %parallel_loop3A_264, %parallel_loop3A_265 : i32
        %parallel_loop3A_267 = arith.addi %parallel_loop3A_248, %parallel_loop3A_266 : i32
        %parallel_loop3A_268 = arith.constant 0 : i32
        %parallel_loop3A_269 = vector.broadcast %parallel_loop3A_268 : i32 to vector<16xi32>
        %parallel_loop3A_270 = arith.addi %parallel_loop3A_218, %parallel_loop3A_269 : vector<16xi32>
        %parallel_loop3A_271 = tpu.vector_load_idx %arg10[%parallel_loop3A_270] : memref<16384xf32, #tpu.memory_space<vmem>>[vector<16xi32>], vector<16xf32>,
        %parallel_loop3A_272 = arith.constant 0 : i32
        %parallel_loop3A_273 = vector.broadcast %parallel_loop3A_272 : i32 to vector<16xi32>
        %parallel_loop3A_274 = arith.addi %parallel_loop3A_220, %parallel_loop3A_273 : vector<16xi32>
        %parallel_loop3A_275 = tpu.vector_load_idx %arg10[%parallel_loop3A_274] : memref<16384xf32, #tpu.memory_space<vmem>>[vector<16xi32>], vector<16xf32>,
        %parallel_loop3A_276 = arith.subf %parallel_loop3A_275, %parallel_loop3A_271 : vector<16xf32>
        %parallel_loop3A_277 = arith.mulf %parallel_loop3A_222, %parallel_loop3A_276 : vector<16xf32>
        %parallel_loop3A_278 = arith.addf %parallel_loop3A_271, %parallel_loop3A_277 : vector<16xf32>
        %parallel_loop3A_279 = arith.constant 0 : i32
        %parallel_loop3A_280 = arith.addi %parallel_loop3A_279, %parallel_loop3A_267 : i32
        %parallel_loop3A_281 = arith.constant 0 : i32
        %parallel_loop3A_282 = arith.addi %parallel_loop3A_280, %parallel_loop3A_281 : i32
        %parallel_loop3A_283 = arith.index_cast %parallel_loop3A_282 : i32 to index
        %parallel_loop3A_284 = tpu.vector_load %arg14[%parallel_loop3A_283] {strides = array<i32>} : memref<4096xf32, #tpu.memory_space<vmem>>, vector<16xf32>,
        tpu.vector_store %arg14[%parallel_loop3A_283], %parallel_loop3A_278 {strides = array<i32>} : memref<4096xf32, #tpu.memory_space<vmem>>, vector<16xf32>,
        %parallel_loop3A_285 = arith.constant 128 : i32
        %parallel_loop3A_286 = vector.broadcast %parallel_loop3A_285 : i32 to vector<16xi32>
        %parallel_loop3A_287 = arith.addi %parallel_loop3A_218, %parallel_loop3A_286 : vector<16xi32>
        %parallel_loop3A_288 = tpu.vector_load_idx %arg10[%parallel_loop3A_287] : memref<16384xf32, #tpu.memory_space<vmem>>[vector<16xi32>], vector<16xf32>,
        %parallel_loop3A_289 = arith.constant 128 : i32
        %parallel_loop3A_290 = vector.broadcast %parallel_loop3A_289 : i32 to vector<16xi32>
        %parallel_loop3A_291 = arith.addi %parallel_loop3A_220, %parallel_loop3A_290 : vector<16xi32>
        %parallel_loop3A_292 = tpu.vector_load_idx %arg10[%parallel_loop3A_291] : memref<16384xf32, #tpu.memory_space<vmem>>[vector<16xi32>], vector<16xf32>,
        %parallel_loop3A_293 = arith.subf %parallel_loop3A_292, %parallel_loop3A_288 : vector<16xf32>
        %parallel_loop3A_294 = arith.mulf %parallel_loop3A_222, %parallel_loop3A_293 : vector<16xf32>
        %parallel_loop3A_295 = arith.addf %parallel_loop3A_288, %parallel_loop3A_294 : vector<16xf32>
        %parallel_loop3A_296 = arith.constant 0 : i32
        %parallel_loop3A_297 = arith.addi %parallel_loop3A_296, %parallel_loop3A_267 : i32
        %parallel_loop3A_298 = arith.constant 128 : i32
        %parallel_loop3A_299 = arith.addi %parallel_loop3A_297, %parallel_loop3A_298 : i32
        %parallel_loop3A_300 = arith.index_cast %parallel_loop3A_299 : i32 to index
        %parallel_loop3A_301 = tpu.vector_load %arg14[%parallel_loop3A_300] {strides = array<i32>} : memref<4096xf32, #tpu.memory_space<vmem>>, vector<16xf32>,
        tpu.vector_store %arg14[%parallel_loop3A_300], %parallel_loop3A_295 {strides = array<i32>} : memref<4096xf32, #tpu.memory_space<vmem>>, vector<16xf32>,
        %parallel_loop3A_302 = arith.constant 256 : i32
        %parallel_loop3A_303 = vector.broadcast %parallel_loop3A_302 : i32 to vector<16xi32>
        %parallel_loop3A_304 = arith.addi %parallel_loop3A_218, %parallel_loop3A_303 : vector<16xi32>
        %parallel_loop3A_305 = tpu.vector_load_idx %arg10[%parallel_loop3A_304] : memref<16384xf32, #tpu.memory_space<vmem>>[vector<16xi32>], vector<16xf32>,
        %parallel_loop3A_306 = arith.constant 256 : i32
        %parallel_loop3A_307 = vector.broadcast %parallel_loop3A_306 : i32 to vector<16xi32>
        %parallel_loop3A_308 = arith.addi %parallel_loop3A_220, %parallel_loop3A_307 : vector<16xi32>
        %parallel_loop3A_309 = tpu.vector_load_idx %arg10[%parallel_loop3A_308] : memref<16384xf32, #tpu.memory_space<vmem>>[vector<16xi32>], vector<16xf32>,
        %parallel_loop3A_310 = arith.subf %parallel_loop3A_309, %parallel_loop3A_305 : vector<16xf32>
        %parallel_loop3A_311 = arith.mulf %parallel_loop3A_222, %parallel_loop3A_310 : vector<16xf32>
        %parallel_loop3A_312 = arith.addf %parallel_loop3A_305, %parallel_loop3A_311 : vector<16xf32>
        %parallel_loop3A_313 = arith.constant 0 : i32
        %parallel_loop3A_314 = arith.addi %parallel_loop3A_313, %parallel_loop3A_267 : i32
        %parallel_loop3A_315 = arith.constant 256 : i32
        %parallel_loop3A_316 = arith.addi %parallel_loop3A_314, %parallel_loop3A_315 : i32
        %parallel_loop3A_317 = arith.index_cast %parallel_loop3A_316 : i32 to index
        %parallel_loop3A_318 = tpu.vector_load %arg14[%parallel_loop3A_317] {strides = array<i32>} : memref<4096xf32, #tpu.memory_space<vmem>>, vector<16xf32>,
        tpu.vector_store %arg14[%parallel_loop3A_317], %parallel_loop3A_312 {strides = array<i32>} : memref<4096xf32, #tpu.memory_space<vmem>>, vector<16xf32>,
        %parallel_loop3A_319 = arith.constant 384 : i32
        %parallel_loop3A_320 = vector.broadcast %parallel_loop3A_319 : i32 to vector<16xi32>
        %parallel_loop3A_321 = arith.addi %parallel_loop3A_218, %parallel_loop3A_320 : vector<16xi32>
        %parallel_loop3A_322 = tpu.vector_load_idx %arg10[%parallel_loop3A_321] : memref<16384xf32, #tpu.memory_space<vmem>>[vector<16xi32>], vector<16xf32>,
        %parallel_loop3A_323 = arith.constant 384 : i32
        %parallel_loop3A_324 = vector.broadcast %parallel_loop3A_323 : i32 to vector<16xi32>
        %parallel_loop3A_325 = arith.addi %parallel_loop3A_220, %parallel_loop3A_324 : vector<16xi32>
        %parallel_loop3A_326 = tpu.vector_load_idx %arg10[%parallel_loop3A_325] : memref<16384xf32, #tpu.memory_space<vmem>>[vector<16xi32>], vector<16xf32>,
        %parallel_loop3A_327 = arith.subf %parallel_loop3A_326, %parallel_loop3A_322 : vector<16xf32>
        %parallel_loop3A_328 = arith.mulf %parallel_loop3A_222, %parallel_loop3A_327 : vector<16xf32>
        %parallel_loop3A_329 = arith.addf %parallel_loop3A_322, %parallel_loop3A_328 : vector<16xf32>
        %parallel_loop3A_330 = arith.constant 0 : i32
        %parallel_loop3A_331 = arith.addi %parallel_loop3A_330, %parallel_loop3A_267 : i32
        %parallel_loop3A_332 = arith.constant 384 : i32
        %parallel_loop3A_333 = arith.addi %parallel_loop3A_331, %parallel_loop3A_332 : i32
        %parallel_loop3A_334 = arith.index_cast %parallel_loop3A_333 : i32 to index
        %parallel_loop3A_335 = tpu.vector_load %arg14[%parallel_loop3A_334] {strides = array<i32>} : memref<4096xf32, #tpu.memory_space<vmem>>, vector<16xf32>,
        tpu.vector_store %arg14[%parallel_loop3A_334], %parallel_loop3A_329 {strides = array<i32>} : memref<4096xf32, #tpu.memory_space<vmem>>, vector<16xf32>,
        %parallel_loop3A_336 = arith.constant 512 : i32
        %parallel_loop3A_337 = vector.broadcast %parallel_loop3A_336 : i32 to vector<16xi32>
        %parallel_loop3A_338 = arith.addi %parallel_loop3A_218, %parallel_loop3A_337 : vector<16xi32>
        %parallel_loop3A_339 = tpu.vector_load_idx %arg10[%parallel_loop3A_338] : memref<16384xf32, #tpu.memory_space<vmem>>[vector<16xi32>], vector<16xf32>,
        %parallel_loop3A_340 = arith.constant 512 : i32
        %parallel_loop3A_341 = vector.broadcast %parallel_loop3A_340 : i32 to vector<16xi32>
        %parallel_loop3A_342 = arith.addi %parallel_loop3A_220, %parallel_loop3A_341 : vector<16xi32>
        %parallel_loop3A_343 = tpu.vector_load_idx %arg10[%parallel_loop3A_342] : memref<16384xf32, #tpu.memory_space<vmem>>[vector<16xi32>], vector<16xf32>,
        %parallel_loop3A_344 = arith.subf %parallel_loop3A_343, %parallel_loop3A_339 : vector<16xf32>
        %parallel_loop3A_345 = arith.mulf %parallel_loop3A_222, %parallel_loop3A_344 : vector<16xf32>
        %parallel_loop3A_346 = arith.addf %parallel_loop3A_339, %parallel_loop3A_345 : vector<16xf32>
        %parallel_loop3A_347 = arith.constant 0 : i32
        %parallel_loop3A_348 = arith.addi %parallel_loop3A_347, %parallel_loop3A_267 : i32
        %parallel_loop3A_349 = arith.constant 512 : i32
        %parallel_loop3A_350 = arith.addi %parallel_loop3A_348, %parallel_loop3A_349 : i32
        %parallel_loop3A_351 = arith.index_cast %parallel_loop3A_350 : i32 to index
        %parallel_loop3A_352 = tpu.vector_load %arg14[%parallel_loop3A_351] {strides = array<i32>} : memref<4096xf32, #tpu.memory_space<vmem>>, vector<16xf32>,
        tpu.vector_store %arg14[%parallel_loop3A_351], %parallel_loop3A_346 {strides = array<i32>} : memref<4096xf32, #tpu.memory_space<vmem>>, vector<16xf32>,
        %parallel_loop3A_353 = arith.constant 640 : i32
        %parallel_loop3A_354 = vector.broadcast %parallel_loop3A_353 : i32 to vector<16xi32>
        %parallel_loop3A_355 = arith.addi %parallel_loop3A_218, %parallel_loop3A_354 : vector<16xi32>
        %parallel_loop3A_356 = tpu.vector_load_idx %arg10[%parallel_loop3A_355] : memref<16384xf32, #tpu.memory_space<vmem>>[vector<16xi32>], vector<16xf32>,
        %parallel_loop3A_357 = arith.constant 640 : i32
        %parallel_loop3A_358 = vector.broadcast %parallel_loop3A_357 : i32 to vector<16xi32>
        %parallel_loop3A_359 = arith.addi %parallel_loop3A_220, %parallel_loop3A_358 : vector<16xi32>
        %parallel_loop3A_360 = tpu.vector_load_idx %arg10[%parallel_loop3A_359] : memref<16384xf32, #tpu.memory_space<vmem>>[vector<16xi32>], vector<16xf32>,
        %parallel_loop3A_361 = arith.subf %parallel_loop3A_360, %parallel_loop3A_356 : vector<16xf32>
        %parallel_loop3A_362 = arith.mulf %parallel_loop3A_222, %parallel_loop3A_361 : vector<16xf32>
        %parallel_loop3A_363 = arith.addf %parallel_loop3A_356, %parallel_loop3A_362 : vector<16xf32>
        %parallel_loop3A_364 = arith.constant 0 : i32
        %parallel_loop3A_365 = arith.addi %parallel_loop3A_364, %parallel_loop3A_267 : i32
        %parallel_loop3A_366 = arith.constant 640 : i32
        %parallel_loop3A_367 = arith.addi %parallel_loop3A_365, %parallel_loop3A_366 : i32
        %parallel_loop3A_368 = arith.index_cast %parallel_loop3A_367 : i32 to index
        %parallel_loop3A_369 = tpu.vector_load %arg14[%parallel_loop3A_368] {strides = array<i32>} : memref<4096xf32, #tpu.memory_space<vmem>>, vector<16xf32>,
        tpu.vector_store %arg14[%parallel_loop3A_368], %parallel_loop3A_363 {strides = array<i32>} : memref<4096xf32, #tpu.memory_space<vmem>>, vector<16xf32>,
        %parallel_loop3A_370 = arith.constant 768 : i32
        %parallel_loop3A_371 = vector.broadcast %parallel_loop3A_370 : i32 to vector<16xi32>
        %parallel_loop3A_372 = arith.addi %parallel_loop3A_218, %parallel_loop3A_371 : vector<16xi32>
        %parallel_loop3A_373 = tpu.vector_load_idx %arg10[%parallel_loop3A_372] : memref<16384xf32, #tpu.memory_space<vmem>>[vector<16xi32>], vector<16xf32>,
        %parallel_loop3A_374 = arith.constant 768 : i32
        %parallel_loop3A_375 = vector.broadcast %parallel_loop3A_374 : i32 to vector<16xi32>
        %parallel_loop3A_376 = arith.addi %parallel_loop3A_220, %parallel_loop3A_375 : vector<16xi32>
        %parallel_loop3A_377 = tpu.vector_load_idx %arg10[%parallel_loop3A_376] : memref<16384xf32, #tpu.memory_space<vmem>>[vector<16xi32>], vector<16xf32>,
        %parallel_loop3A_378 = arith.subf %parallel_loop3A_377, %parallel_loop3A_373 : vector<16xf32>
        %parallel_loop3A_379 = arith.mulf %parallel_loop3A_222, %parallel_loop3A_378 : vector<16xf32>
        %parallel_loop3A_380 = arith.addf %parallel_loop3A_373, %parallel_loop3A_379 : vector<16xf32>
        %parallel_loop3A_381 = arith.constant 0 : i32
        %parallel_loop3A_382 = arith.addi %parallel_loop3A_381, %parallel_loop3A_267 : i32
        %parallel_loop3A_383 = arith.constant 768 : i32
        %parallel_loop3A_384 = arith.addi %parallel_loop3A_382, %parallel_loop3A_383 : i32
        %parallel_loop3A_385 = arith.index_cast %parallel_loop3A_384 : i32 to index
        %parallel_loop3A_386 = tpu.vector_load %arg14[%parallel_loop3A_385] {strides = array<i32>} : memref<4096xf32, #tpu.memory_space<vmem>>, vector<16xf32>,
        tpu.vector_store %arg14[%parallel_loop3A_385], %parallel_loop3A_380 {strides = array<i32>} : memref<4096xf32, #tpu.memory_space<vmem>>, vector<16xf32>,
        %parallel_loop3A_387 = arith.constant 896 : i32
        %parallel_loop3A_388 = vector.broadcast %parallel_loop3A_387 : i32 to vector<16xi32>
        %parallel_loop3A_389 = arith.addi %parallel_loop3A_218, %parallel_loop3A_388 : vector<16xi32>
        %parallel_loop3A_390 = tpu.vector_load_idx %arg10[%parallel_loop3A_389] : memref<16384xf32, #tpu.memory_space<vmem>>[vector<16xi32>], vector<16xf32>,
        %parallel_loop3A_391 = arith.constant 896 : i32
        %parallel_loop3A_392 = vector.broadcast %parallel_loop3A_391 : i32 to vector<16xi32>
        %parallel_loop3A_393 = arith.addi %parallel_loop3A_220, %parallel_loop3A_392 : vector<16xi32>
        %parallel_loop3A_394 = tpu.vector_load_idx %arg10[%parallel_loop3A_393] : memref<16384xf32, #tpu.memory_space<vmem>>[vector<16xi32>], vector<16xf32>,
        %parallel_loop3A_395 = arith.subf %parallel_loop3A_394, %parallel_loop3A_390 : vector<16xf32>
        %parallel_loop3A_396 = arith.mulf %parallel_loop3A_222, %parallel_loop3A_395 : vector<16xf32>
        %parallel_loop3A_397 = arith.addf %parallel_loop3A_390, %parallel_loop3A_396 : vector<16xf32>
        %parallel_loop3A_398 = arith.constant 0 : i32
        %parallel_loop3A_399 = arith.addi %parallel_loop3A_398, %parallel_loop3A_267 : i32
        %parallel_loop3A_400 = arith.constant 896 : i32
        %parallel_loop3A_401 = arith.addi %parallel_loop3A_399, %parallel_loop3A_400 : i32
        %parallel_loop3A_402 = arith.index_cast %parallel_loop3A_401 : i32 to index
        %parallel_loop3A_403 = tpu.vector_load %arg14[%parallel_loop3A_402] {strides = array<i32>} : memref<4096xf32, #tpu.memory_space<vmem>>, vector<16xf32>,
        tpu.vector_store %arg14[%parallel_loop3A_402], %parallel_loop3A_397 {strides = array<i32>} : memref<4096xf32, #tpu.memory_space<vmem>>, vector<16xf32>,
      } {sc.loop_unroll_factor = 4 : i64, sc.parallel_access}
      %add3A_128 = arith.addi %mul3A_2, %add3A_124 : i32
      %dma_start3A_129 = arith.constant 0 : i32
      %dma_start3A_130 = tpu.memref_slice %arg4[%add3A_128, %dma_start3A_129] : memref<4096x4096xf32, #tpu.memory_space<hbm>> -> memref<1x4096xf32, #tpu.memory_space<hbm>>
      %dma_start3A_131 = tpu.memref_squeeze %dma_start3A_130 : memref<1x4096xf32, #tpu.memory_space<hbm>> -> memref<4096xf32, #tpu.memory_space<hbm>>
      %dma_start3A_132 = arith.constant 0 : i32
      %dma_start3A_133 = tpu.memref_slice %arg4[%add3A_128, %dma_start3A_132] : memref<4096x4096xf32, #tpu.memory_space<hbm>> -> memref<1x4096xf32, #tpu.memory_space<hbm>>
      %dma_start3A_134 = tpu.memref_squeeze %dma_start3A_133 : memref<1x4096xf32, #tpu.memory_space<hbm>> -> memref<4096xf32, #tpu.memory_space<hbm>>
      tpu.enqueue_dma source(%arg14 : memref<4096xf32, #tpu.memory_space<vmem>>) target(%dma_start3A_134 : memref<4096xf32, #tpu.memory_space<hbm>>) target_semaphore(%arg22 : memref<!tpu.dma_semaphore, #tpu.memory_space<semaphore_mem>>)
      %add3A_135 = arith.constant 1 : i32
      %add3A_136 = arith.addi %add3A_78, %add3A_135 : i32
      %add3A_137 = arith.constant 4 : i32
      %add3A_138 = arith.addi %add3A_136, %add3A_137 : i32
      %lt3A_139 = arith.constant 128 : i32
      %lt3A_140 = arith.cmpi slt, %add3A_138, %lt3A_139 : i32
      %convert_element_type3A_141 = arith.extui %lt3A_140 : i1 to i32
      %cond3A_142 = arith.constant 0 : i32
      %cond3A_143 = arith.cmpi ne, %convert_element_type3A_141, %cond3A_142 : i32
      scf.if %cond3A_143 {
        %add3A_214 = arith.constant 1 : i32
        %add3A_215 = arith.addi %add3A_78, %add3A_214 : i32
        %add3A_216 = arith.constant 4 : i32
        %add3A_217 = arith.addi %add3A_215, %add3A_216 : i32
        %add3A_218 = arith.addi %mul3A_2, %add3A_217 : i32
        %dma_start3A_219 = arith.constant 0 : i32
        %dma_start3A_220 = tpu.memref_slice %arg2[%add3A_218, %dma_start3A_219] : memref<4096x16384xf32, #tpu.memory_space<hbm>> -> memref<1x16384xf32, #tpu.memory_space<hbm>>
        %dma_start3A_221 = tpu.memref_squeeze %dma_start3A_220 : memref<1x16384xf32, #tpu.memory_space<hbm>> -> memref<16384xf32, #tpu.memory_space<hbm>>
        %dma_start3A_222 = arith.constant 0 : i32
        %dma_start3A_223 = tpu.memref_slice %arg2[%add3A_218, %dma_start3A_222] : memref<4096x16384xf32, #tpu.memory_space<hbm>> -> memref<1x16384xf32, #tpu.memory_space<hbm>>
        %dma_start3A_224 = tpu.memref_squeeze %dma_start3A_223 : memref<1x16384xf32, #tpu.memory_space<hbm>> -> memref<16384xf32, #tpu.memory_space<hbm>>
        tpu.enqueue_dma source(%dma_start3A_224 : memref<16384xf32, #tpu.memory_space<hbm>>) target(%arg10 : memref<16384xf32, #tpu.memory_space<vmem>>) target_semaphore(%arg18 : memref<!tpu.dma_semaphore, #tpu.memory_space<semaphore_mem>>)
      } else {
      }
      %add3A_144 = arith.constant 2 : i32
      %add3A_145 = arith.addi %add3A_78, %add3A_144 : i32
      %add3A_146 = arith.addi %mul3A_2, %add3A_145 : i32
      %dma_wait3A_147 = arith.constant 0 : i32
      %dma_wait3A_148 = tpu.memref_slice %arg2[%add3A_146, %dma_wait3A_147] : memref<4096x16384xf32, #tpu.memory_space<hbm>> -> memref<1x16384xf32, #tpu.memory_space<hbm>>
      %dma_wait3A_149 = tpu.memref_squeeze %dma_wait3A_148 : memref<1x16384xf32, #tpu.memory_space<hbm>> -> memref<16384xf32, #tpu.memory_space<hbm>>
      %dma_wait3A_150 = arith.constant 0 : i32
      %dma_wait3A_151 = tpu.memref_slice %arg2[%add3A_146, %dma_wait3A_150] : memref<4096x16384xf32, #tpu.memory_space<hbm>> -> memref<1x16384xf32, #tpu.memory_space<hbm>>
      %dma_wait3A_152 = tpu.memref_squeeze %dma_wait3A_151 : memref<1x16384xf32, #tpu.memory_space<hbm>> -> memref<16384xf32, #tpu.memory_space<hbm>>
      tpu.wait_dma2 semaphore(%arg19 : memref<!tpu.dma_semaphore, #tpu.memory_space<semaphore_mem>>) src(%dma_wait3A_152 : memref<16384xf32, #tpu.memory_space<hbm>>) dst(%arg11 : memref<16384xf32, #tpu.memory_space<vmem>>)
      %ge3A_153 = arith.constant 4 : i32
      %ge3A_154 = arith.cmpi sge, %add3A_78, %ge3A_153 : i32
      %convert_element_type3A_155 = arith.extui %ge3A_154 : i1 to i32
      %cond3A_156 = arith.constant 0 : i32
      %cond3A_157 = arith.cmpi ne, %convert_element_type3A_155, %cond3A_156 : i32
      scf.if %cond3A_157 {
        %add3A_214 = arith.constant 2 : i32
        %add3A_215 = arith.addi %add3A_78, %add3A_214 : i32
        %sub3A = arith.constant 4 : i32
        %sub3A_216 = arith.subi %add3A_215, %sub3A : i32
        %add3A_217 = arith.addi %mul3A_2, %sub3A_216 : i32
        %dma_wait3A_218 = arith.constant 0 : i32
        %dma_wait3A_219 = tpu.memref_slice %arg4[%add3A_217, %dma_wait3A_218] : memref<4096x4096xf32, #tpu.memory_space<hbm>> -> memref<1x4096xf32, #tpu.memory_space<hbm>>
        %dma_wait3A_220 = tpu.memref_squeeze %dma_wait3A_219 : memref<1x4096xf32, #tpu.memory_space<hbm>> -> memref<4096xf32, #tpu.memory_space<hbm>>
        %dma_wait3A_221 = arith.constant 0 : i32
        %dma_wait3A_222 = tpu.memref_slice %arg4[%add3A_217, %dma_wait3A_221] : memref<4096x4096xf32, #tpu.memory_space<hbm>> -> memref<1x4096xf32, #tpu.memory_space<hbm>>
        %dma_wait3A_223 = tpu.memref_squeeze %dma_wait3A_222 : memref<1x4096xf32, #tpu.memory_space<hbm>> -> memref<4096xf32, #tpu.memory_space<hbm>>
        tpu.wait_dma2 semaphore(%arg23 : memref<!tpu.dma_semaphore, #tpu.memory_space<semaphore_mem>>) src(%arg15 : memref<4096xf32, #tpu.memory_space<vmem>>) dst(%dma_wait3A_223 : memref<4096xf32, #tpu.memory_space<hbm>>)
      } else {
      }
      %add3A_158 = arith.constant 2 : i32
      %add3A_159 = arith.addi %add3A_78, %add3A_158 : i32
      %parallel_loop3A_160 = arith.constant 0 : i32
      %parallel_loop3A_161 = arith.constant 32 : i32
      %parallel_loop3A_162 = arith.constant 1 : i32
      scf.for %parallel_loop3A_214 = %parallel_loop3A_160 to %parallel_loop3A_161 step %parallel_loop3A_162  : i32 {
        %parallel_loop3A_215 = arith.constant 16 : i32
        %parallel_loop3A_216 = arith.muli %parallel_loop3A_214, %parallel_loop3A_215 : i32
        %parallel_loop3A_217 = arith.index_cast %parallel_loop3A_216 : i32 to index
        %parallel_loop3A_218 = tpu.vector_load %arg6[%parallel_loop3A_217] {strides = array<i32>} : memref<512xi32, #tpu.memory_space<vmem>>, vector<16xi32>,
        %parallel_loop3A_219 = arith.index_cast %parallel_loop3A_216 : i32 to index
        %parallel_loop3A_220 = tpu.vector_load %arg7[%parallel_loop3A_219] {strides = array<i32>} : memref<512xi32, #tpu.memory_space<vmem>>, vector<16xi32>,
        %parallel_loop3A_221 = arith.index_cast %parallel_loop3A_216 : i32 to index
        %parallel_loop3A_222 = tpu.vector_load %arg8[%parallel_loop3A_221] {strides = array<i32>} : memref<512xf32, #tpu.memory_space<vmem>>, vector<16xf32>,
        %parallel_loop3A_223 = arith.constant 8 : i32
        %parallel_loop3A_224 = arith.divsi %parallel_loop3A_214, %parallel_loop3A_223 : i32
        %parallel_loop3A_225 = arith.constant 0 : i32
        %parallel_loop3A_226 = arith.cmpi sgt, %parallel_loop3A_214, %parallel_loop3A_225 : i32
        %parallel_loop3A_227 = arith.extui %parallel_loop3A_226 : i1 to i32
        %parallel_loop3A_228 = arith.constant 0 : i32
        %parallel_loop3A_229 = arith.cmpi slt, %parallel_loop3A_214, %parallel_loop3A_228 : i32
        %parallel_loop3A_230 = arith.extui %parallel_loop3A_229 : i1 to i32
        %parallel_loop3A_231 = arith.subi %parallel_loop3A_227, %parallel_loop3A_230 : i32
        %parallel_loop3A_232 = arith.constant 0 : i32
        %parallel_loop3A_233 = arith.cmpi sgt, %parallel_loop3A_223, %parallel_loop3A_232 : i32
        %parallel_loop3A_234 = arith.extui %parallel_loop3A_233 : i1 to i32
        %parallel_loop3A_235 = arith.constant 0 : i32
        %parallel_loop3A_236 = arith.cmpi slt, %parallel_loop3A_223, %parallel_loop3A_235 : i32
        %parallel_loop3A_237 = arith.extui %parallel_loop3A_236 : i1 to i32
        %parallel_loop3A_238 = arith.subi %parallel_loop3A_234, %parallel_loop3A_237 : i32
        %parallel_loop3A_239 = arith.cmpi ne, %parallel_loop3A_231, %parallel_loop3A_238 : i32
        %parallel_loop3A_240 = arith.remsi %parallel_loop3A_214, %parallel_loop3A_223 : i32
        %parallel_loop3A_241 = arith.constant 0 : i32
        %parallel_loop3A_242 = arith.cmpi ne, %parallel_loop3A_240, %parallel_loop3A_241 : i32
        %parallel_loop3A_243 = arith.andi %parallel_loop3A_239, %parallel_loop3A_242 : i1
        %parallel_loop3A_244 = arith.constant 1 : i32
        %parallel_loop3A_245 = arith.subi %parallel_loop3A_224, %parallel_loop3A_244 : i32
        %parallel_loop3A_246 = arith.select %parallel_loop3A_243, %parallel_loop3A_245, %parallel_loop3A_224 : i32
        %parallel_loop3A_247 = arith.constant 1024 : i32
        %parallel_loop3A_248 = arith.muli %parallel_loop3A_246, %parallel_loop3A_247 : i32
        %parallel_loop3A_249 = arith.constant 8 : i32
        %parallel_loop3A_250 = arith.constant 0 : i32
        %parallel_loop3A_251 = arith.cmpi eq, %parallel_loop3A_249, %parallel_loop3A_250 : i32
        %parallel_loop3A_252 = arith.constant 1 : i32
        %parallel_loop3A_253 = arith.select %parallel_loop3A_251, %parallel_loop3A_252, %parallel_loop3A_249 : i32
        %parallel_loop3A_254 = arith.remsi %parallel_loop3A_214, %parallel_loop3A_253 : i32
        %parallel_loop3A_255 = arith.constant 0 : i32
        %parallel_loop3A_256 = arith.cmpi ne, %parallel_loop3A_254, %parallel_loop3A_255 : i32
        %parallel_loop3A_257 = arith.constant 0 : i32
        %parallel_loop3A_258 = arith.cmpi slt, %parallel_loop3A_254, %parallel_loop3A_257 : i32
        %parallel_loop3A_259 = arith.constant 0 : i32
        %parallel_loop3A_260 = arith.cmpi slt, %parallel_loop3A_253, %parallel_loop3A_259 : i32
        %parallel_loop3A_261 = arith.xori %parallel_loop3A_258, %parallel_loop3A_260 : i1
        %parallel_loop3A_262 = arith.andi %parallel_loop3A_261, %parallel_loop3A_256 : i1
        %parallel_loop3A_263 = arith.addi %parallel_loop3A_254, %parallel_loop3A_253 : i32
        %parallel_loop3A_264 = arith.select %parallel_loop3A_262, %parallel_loop3A_263, %parallel_loop3A_254 : i32
        %parallel_loop3A_265 = arith.constant 16 : i32
        %parallel_loop3A_266 = arith.muli %parallel_loop3A_264, %parallel_loop3A_265 : i32
        %parallel_loop3A_267 = arith.addi %parallel_loop3A_248, %parallel_loop3A_266 : i32
        %parallel_loop3A_268 = arith.constant 0 : i32
        %parallel_loop3A_269 = vector.broadcast %parallel_loop3A_268 : i32 to vector<16xi32>
        %parallel_loop3A_270 = arith.addi %parallel_loop3A_218, %parallel_loop3A_269 : vector<16xi32>
        %parallel_loop3A_271 = tpu.vector_load_idx %arg11[%parallel_loop3A_270] : memref<16384xf32, #tpu.memory_space<vmem>>[vector<16xi32>], vector<16xf32>,
        %parallel_loop3A_272 = arith.constant 0 : i32
        %parallel_loop3A_273 = vector.broadcast %parallel_loop3A_272 : i32 to vector<16xi32>
        %parallel_loop3A_274 = arith.addi %parallel_loop3A_220, %parallel_loop3A_273 : vector<16xi32>
        %parallel_loop3A_275 = tpu.vector_load_idx %arg11[%parallel_loop3A_274] : memref<16384xf32, #tpu.memory_space<vmem>>[vector<16xi32>], vector<16xf32>,
        %parallel_loop3A_276 = arith.subf %parallel_loop3A_275, %parallel_loop3A_271 : vector<16xf32>
        %parallel_loop3A_277 = arith.mulf %parallel_loop3A_222, %parallel_loop3A_276 : vector<16xf32>
        %parallel_loop3A_278 = arith.addf %parallel_loop3A_271, %parallel_loop3A_277 : vector<16xf32>
        %parallel_loop3A_279 = arith.constant 0 : i32
        %parallel_loop3A_280 = arith.addi %parallel_loop3A_279, %parallel_loop3A_267 : i32
        %parallel_loop3A_281 = arith.constant 0 : i32
        %parallel_loop3A_282 = arith.addi %parallel_loop3A_280, %parallel_loop3A_281 : i32
        %parallel_loop3A_283 = arith.index_cast %parallel_loop3A_282 : i32 to index
        %parallel_loop3A_284 = tpu.vector_load %arg15[%parallel_loop3A_283] {strides = array<i32>} : memref<4096xf32, #tpu.memory_space<vmem>>, vector<16xf32>,
        tpu.vector_store %arg15[%parallel_loop3A_283], %parallel_loop3A_278 {strides = array<i32>} : memref<4096xf32, #tpu.memory_space<vmem>>, vector<16xf32>,
        %parallel_loop3A_285 = arith.constant 128 : i32
        %parallel_loop3A_286 = vector.broadcast %parallel_loop3A_285 : i32 to vector<16xi32>
        %parallel_loop3A_287 = arith.addi %parallel_loop3A_218, %parallel_loop3A_286 : vector<16xi32>
        %parallel_loop3A_288 = tpu.vector_load_idx %arg11[%parallel_loop3A_287] : memref<16384xf32, #tpu.memory_space<vmem>>[vector<16xi32>], vector<16xf32>,
        %parallel_loop3A_289 = arith.constant 128 : i32
        %parallel_loop3A_290 = vector.broadcast %parallel_loop3A_289 : i32 to vector<16xi32>
        %parallel_loop3A_291 = arith.addi %parallel_loop3A_220, %parallel_loop3A_290 : vector<16xi32>
        %parallel_loop3A_292 = tpu.vector_load_idx %arg11[%parallel_loop3A_291] : memref<16384xf32, #tpu.memory_space<vmem>>[vector<16xi32>], vector<16xf32>,
        %parallel_loop3A_293 = arith.subf %parallel_loop3A_292, %parallel_loop3A_288 : vector<16xf32>
        %parallel_loop3A_294 = arith.mulf %parallel_loop3A_222, %parallel_loop3A_293 : vector<16xf32>
        %parallel_loop3A_295 = arith.addf %parallel_loop3A_288, %parallel_loop3A_294 : vector<16xf32>
        %parallel_loop3A_296 = arith.constant 0 : i32
        %parallel_loop3A_297 = arith.addi %parallel_loop3A_296, %parallel_loop3A_267 : i32
        %parallel_loop3A_298 = arith.constant 128 : i32
        %parallel_loop3A_299 = arith.addi %parallel_loop3A_297, %parallel_loop3A_298 : i32
        %parallel_loop3A_300 = arith.index_cast %parallel_loop3A_299 : i32 to index
        %parallel_loop3A_301 = tpu.vector_load %arg15[%parallel_loop3A_300] {strides = array<i32>} : memref<4096xf32, #tpu.memory_space<vmem>>, vector<16xf32>,
        tpu.vector_store %arg15[%parallel_loop3A_300], %parallel_loop3A_295 {strides = array<i32>} : memref<4096xf32, #tpu.memory_space<vmem>>, vector<16xf32>,
        %parallel_loop3A_302 = arith.constant 256 : i32
        %parallel_loop3A_303 = vector.broadcast %parallel_loop3A_302 : i32 to vector<16xi32>
        %parallel_loop3A_304 = arith.addi %parallel_loop3A_218, %parallel_loop3A_303 : vector<16xi32>
        %parallel_loop3A_305 = tpu.vector_load_idx %arg11[%parallel_loop3A_304] : memref<16384xf32, #tpu.memory_space<vmem>>[vector<16xi32>], vector<16xf32>,
        %parallel_loop3A_306 = arith.constant 256 : i32
        %parallel_loop3A_307 = vector.broadcast %parallel_loop3A_306 : i32 to vector<16xi32>
        %parallel_loop3A_308 = arith.addi %parallel_loop3A_220, %parallel_loop3A_307 : vector<16xi32>
        %parallel_loop3A_309 = tpu.vector_load_idx %arg11[%parallel_loop3A_308] : memref<16384xf32, #tpu.memory_space<vmem>>[vector<16xi32>], vector<16xf32>,
        %parallel_loop3A_310 = arith.subf %parallel_loop3A_309, %parallel_loop3A_305 : vector<16xf32>
        %parallel_loop3A_311 = arith.mulf %parallel_loop3A_222, %parallel_loop3A_310 : vector<16xf32>
        %parallel_loop3A_312 = arith.addf %parallel_loop3A_305, %parallel_loop3A_311 : vector<16xf32>
        %parallel_loop3A_313 = arith.constant 0 : i32
        %parallel_loop3A_314 = arith.addi %parallel_loop3A_313, %parallel_loop3A_267 : i32
        %parallel_loop3A_315 = arith.constant 256 : i32
        %parallel_loop3A_316 = arith.addi %parallel_loop3A_314, %parallel_loop3A_315 : i32
        %parallel_loop3A_317 = arith.index_cast %parallel_loop3A_316 : i32 to index
        %parallel_loop3A_318 = tpu.vector_load %arg15[%parallel_loop3A_317] {strides = array<i32>} : memref<4096xf32, #tpu.memory_space<vmem>>, vector<16xf32>,
        tpu.vector_store %arg15[%parallel_loop3A_317], %parallel_loop3A_312 {strides = array<i32>} : memref<4096xf32, #tpu.memory_space<vmem>>, vector<16xf32>,
        %parallel_loop3A_319 = arith.constant 384 : i32
        %parallel_loop3A_320 = vector.broadcast %parallel_loop3A_319 : i32 to vector<16xi32>
        %parallel_loop3A_321 = arith.addi %parallel_loop3A_218, %parallel_loop3A_320 : vector<16xi32>
        %parallel_loop3A_322 = tpu.vector_load_idx %arg11[%parallel_loop3A_321] : memref<16384xf32, #tpu.memory_space<vmem>>[vector<16xi32>], vector<16xf32>,
        %parallel_loop3A_323 = arith.constant 384 : i32
        %parallel_loop3A_324 = vector.broadcast %parallel_loop3A_323 : i32 to vector<16xi32>
        %parallel_loop3A_325 = arith.addi %parallel_loop3A_220, %parallel_loop3A_324 : vector<16xi32>
        %parallel_loop3A_326 = tpu.vector_load_idx %arg11[%parallel_loop3A_325] : memref<16384xf32, #tpu.memory_space<vmem>>[vector<16xi32>], vector<16xf32>,
        %parallel_loop3A_327 = arith.subf %parallel_loop3A_326, %parallel_loop3A_322 : vector<16xf32>
        %parallel_loop3A_328 = arith.mulf %parallel_loop3A_222, %parallel_loop3A_327 : vector<16xf32>
        %parallel_loop3A_329 = arith.addf %parallel_loop3A_322, %parallel_loop3A_328 : vector<16xf32>
        %parallel_loop3A_330 = arith.constant 0 : i32
        %parallel_loop3A_331 = arith.addi %parallel_loop3A_330, %parallel_loop3A_267 : i32
        %parallel_loop3A_332 = arith.constant 384 : i32
        %parallel_loop3A_333 = arith.addi %parallel_loop3A_331, %parallel_loop3A_332 : i32
        %parallel_loop3A_334 = arith.index_cast %parallel_loop3A_333 : i32 to index
        %parallel_loop3A_335 = tpu.vector_load %arg15[%parallel_loop3A_334] {strides = array<i32>} : memref<4096xf32, #tpu.memory_space<vmem>>, vector<16xf32>,
        tpu.vector_store %arg15[%parallel_loop3A_334], %parallel_loop3A_329 {strides = array<i32>} : memref<4096xf32, #tpu.memory_space<vmem>>, vector<16xf32>,
        %parallel_loop3A_336 = arith.constant 512 : i32
        %parallel_loop3A_337 = vector.broadcast %parallel_loop3A_336 : i32 to vector<16xi32>
        %parallel_loop3A_338 = arith.addi %parallel_loop3A_218, %parallel_loop3A_337 : vector<16xi32>
        %parallel_loop3A_339 = tpu.vector_load_idx %arg11[%parallel_loop3A_338] : memref<16384xf32, #tpu.memory_space<vmem>>[vector<16xi32>], vector<16xf32>,
        %parallel_loop3A_340 = arith.constant 512 : i32
        %parallel_loop3A_341 = vector.broadcast %parallel_loop3A_340 : i32 to vector<16xi32>
        %parallel_loop3A_342 = arith.addi %parallel_loop3A_220, %parallel_loop3A_341 : vector<16xi32>
        %parallel_loop3A_343 = tpu.vector_load_idx %arg11[%parallel_loop3A_342] : memref<16384xf32, #tpu.memory_space<vmem>>[vector<16xi32>], vector<16xf32>,
        %parallel_loop3A_344 = arith.subf %parallel_loop3A_343, %parallel_loop3A_339 : vector<16xf32>
        %parallel_loop3A_345 = arith.mulf %parallel_loop3A_222, %parallel_loop3A_344 : vector<16xf32>
        %parallel_loop3A_346 = arith.addf %parallel_loop3A_339, %parallel_loop3A_345 : vector<16xf32>
        %parallel_loop3A_347 = arith.constant 0 : i32
        %parallel_loop3A_348 = arith.addi %parallel_loop3A_347, %parallel_loop3A_267 : i32
        %parallel_loop3A_349 = arith.constant 512 : i32
        %parallel_loop3A_350 = arith.addi %parallel_loop3A_348, %parallel_loop3A_349 : i32
        %parallel_loop3A_351 = arith.index_cast %parallel_loop3A_350 : i32 to index
        %parallel_loop3A_352 = tpu.vector_load %arg15[%parallel_loop3A_351] {strides = array<i32>} : memref<4096xf32, #tpu.memory_space<vmem>>, vector<16xf32>,
        tpu.vector_store %arg15[%parallel_loop3A_351], %parallel_loop3A_346 {strides = array<i32>} : memref<4096xf32, #tpu.memory_space<vmem>>, vector<16xf32>,
        %parallel_loop3A_353 = arith.constant 640 : i32
        %parallel_loop3A_354 = vector.broadcast %parallel_loop3A_353 : i32 to vector<16xi32>
        %parallel_loop3A_355 = arith.addi %parallel_loop3A_218, %parallel_loop3A_354 : vector<16xi32>
        %parallel_loop3A_356 = tpu.vector_load_idx %arg11[%parallel_loop3A_355] : memref<16384xf32, #tpu.memory_space<vmem>>[vector<16xi32>], vector<16xf32>,
        %parallel_loop3A_357 = arith.constant 640 : i32
        %parallel_loop3A_358 = vector.broadcast %parallel_loop3A_357 : i32 to vector<16xi32>
        %parallel_loop3A_359 = arith.addi %parallel_loop3A_220, %parallel_loop3A_358 : vector<16xi32>
        %parallel_loop3A_360 = tpu.vector_load_idx %arg11[%parallel_loop3A_359] : memref<16384xf32, #tpu.memory_space<vmem>>[vector<16xi32>], vector<16xf32>,
        %parallel_loop3A_361 = arith.subf %parallel_loop3A_360, %parallel_loop3A_356 : vector<16xf32>
        %parallel_loop3A_362 = arith.mulf %parallel_loop3A_222, %parallel_loop3A_361 : vector<16xf32>
        %parallel_loop3A_363 = arith.addf %parallel_loop3A_356, %parallel_loop3A_362 : vector<16xf32>
        %parallel_loop3A_364 = arith.constant 0 : i32
        %parallel_loop3A_365 = arith.addi %parallel_loop3A_364, %parallel_loop3A_267 : i32
        %parallel_loop3A_366 = arith.constant 640 : i32
        %parallel_loop3A_367 = arith.addi %parallel_loop3A_365, %parallel_loop3A_366 : i32
        %parallel_loop3A_368 = arith.index_cast %parallel_loop3A_367 : i32 to index
        %parallel_loop3A_369 = tpu.vector_load %arg15[%parallel_loop3A_368] {strides = array<i32>} : memref<4096xf32, #tpu.memory_space<vmem>>, vector<16xf32>,
        tpu.vector_store %arg15[%parallel_loop3A_368], %parallel_loop3A_363 {strides = array<i32>} : memref<4096xf32, #tpu.memory_space<vmem>>, vector<16xf32>,
        %parallel_loop3A_370 = arith.constant 768 : i32
        %parallel_loop3A_371 = vector.broadcast %parallel_loop3A_370 : i32 to vector<16xi32>
        %parallel_loop3A_372 = arith.addi %parallel_loop3A_218, %parallel_loop3A_371 : vector<16xi32>
        %parallel_loop3A_373 = tpu.vector_load_idx %arg11[%parallel_loop3A_372] : memref<16384xf32, #tpu.memory_space<vmem>>[vector<16xi32>], vector<16xf32>,
        %parallel_loop3A_374 = arith.constant 768 : i32
        %parallel_loop3A_375 = vector.broadcast %parallel_loop3A_374 : i32 to vector<16xi32>
        %parallel_loop3A_376 = arith.addi %parallel_loop3A_220, %parallel_loop3A_375 : vector<16xi32>
        %parallel_loop3A_377 = tpu.vector_load_idx %arg11[%parallel_loop3A_376] : memref<16384xf32, #tpu.memory_space<vmem>>[vector<16xi32>], vector<16xf32>,
        %parallel_loop3A_378 = arith.subf %parallel_loop3A_377, %parallel_loop3A_373 : vector<16xf32>
        %parallel_loop3A_379 = arith.mulf %parallel_loop3A_222, %parallel_loop3A_378 : vector<16xf32>
        %parallel_loop3A_380 = arith.addf %parallel_loop3A_373, %parallel_loop3A_379 : vector<16xf32>
        %parallel_loop3A_381 = arith.constant 0 : i32
        %parallel_loop3A_382 = arith.addi %parallel_loop3A_381, %parallel_loop3A_267 : i32
        %parallel_loop3A_383 = arith.constant 768 : i32
        %parallel_loop3A_384 = arith.addi %parallel_loop3A_382, %parallel_loop3A_383 : i32
        %parallel_loop3A_385 = arith.index_cast %parallel_loop3A_384 : i32 to index
        %parallel_loop3A_386 = tpu.vector_load %arg15[%parallel_loop3A_385] {strides = array<i32>} : memref<4096xf32, #tpu.memory_space<vmem>>, vector<16xf32>,
        tpu.vector_store %arg15[%parallel_loop3A_385], %parallel_loop3A_380 {strides = array<i32>} : memref<4096xf32, #tpu.memory_space<vmem>>, vector<16xf32>,
        %parallel_loop3A_387 = arith.constant 896 : i32
        %parallel_loop3A_388 = vector.broadcast %parallel_loop3A_387 : i32 to vector<16xi32>
        %parallel_loop3A_389 = arith.addi %parallel_loop3A_218, %parallel_loop3A_388 : vector<16xi32>
        %parallel_loop3A_390 = tpu.vector_load_idx %arg11[%parallel_loop3A_389] : memref<16384xf32, #tpu.memory_space<vmem>>[vector<16xi32>], vector<16xf32>,
        %parallel_loop3A_391 = arith.constant 896 : i32
        %parallel_loop3A_392 = vector.broadcast %parallel_loop3A_391 : i32 to vector<16xi32>
        %parallel_loop3A_393 = arith.addi %parallel_loop3A_220, %parallel_loop3A_392 : vector<16xi32>
        %parallel_loop3A_394 = tpu.vector_load_idx %arg11[%parallel_loop3A_393] : memref<16384xf32, #tpu.memory_space<vmem>>[vector<16xi32>], vector<16xf32>,
        %parallel_loop3A_395 = arith.subf %parallel_loop3A_394, %parallel_loop3A_390 : vector<16xf32>
        %parallel_loop3A_396 = arith.mulf %parallel_loop3A_222, %parallel_loop3A_395 : vector<16xf32>
        %parallel_loop3A_397 = arith.addf %parallel_loop3A_390, %parallel_loop3A_396 : vector<16xf32>
        %parallel_loop3A_398 = arith.constant 0 : i32
        %parallel_loop3A_399 = arith.addi %parallel_loop3A_398, %parallel_loop3A_267 : i32
        %parallel_loop3A_400 = arith.constant 896 : i32
        %parallel_loop3A_401 = arith.addi %parallel_loop3A_399, %parallel_loop3A_400 : i32
        %parallel_loop3A_402 = arith.index_cast %parallel_loop3A_401 : i32 to index
        %parallel_loop3A_403 = tpu.vector_load %arg15[%parallel_loop3A_402] {strides = array<i32>} : memref<4096xf32, #tpu.memory_space<vmem>>, vector<16xf32>,
        tpu.vector_store %arg15[%parallel_loop3A_402], %parallel_loop3A_397 {strides = array<i32>} : memref<4096xf32, #tpu.memory_space<vmem>>, vector<16xf32>,
      } {sc.loop_unroll_factor = 4 : i64, sc.parallel_access}
      %add3A_163 = arith.addi %mul3A_2, %add3A_159 : i32
      %dma_start3A_164 = arith.constant 0 : i32
      %dma_start3A_165 = tpu.memref_slice %arg4[%add3A_163, %dma_start3A_164] : memref<4096x4096xf32, #tpu.memory_space<hbm>> -> memref<1x4096xf32, #tpu.memory_space<hbm>>
      %dma_start3A_166 = tpu.memref_squeeze %dma_start3A_165 : memref<1x4096xf32, #tpu.memory_space<hbm>> -> memref<4096xf32, #tpu.memory_space<hbm>>
      %dma_start3A_167 = arith.constant 0 : i32
      %dma_start3A_168 = tpu.memref_slice %arg4[%add3A_163, %dma_start3A_167] : memref<4096x4096xf32, #tpu.memory_space<hbm>> -> memref<1x4096xf32, #tpu.memory_space<hbm>>
      %dma_start3A_169 = tpu.memref_squeeze %dma_start3A_168 : memref<1x4096xf32, #tpu.memory_space<hbm>> -> memref<4096xf32, #tpu.memory_space<hbm>>
      tpu.enqueue_dma source(%arg15 : memref<4096xf32, #tpu.memory_space<vmem>>) target(%dma_start3A_169 : memref<4096xf32, #tpu.memory_space<hbm>>) target_semaphore(%arg23 : memref<!tpu.dma_semaphore, #tpu.memory_space<semaphore_mem>>)
      %add3A_170 = arith.constant 2 : i32
      %add3A_171 = arith.addi %add3A_78, %add3A_170 : i32
      %add3A_172 = arith.constant 4 : i32
      %add3A_173 = arith.addi %add3A_171, %add3A_172 : i32
      %lt3A_174 = arith.constant 128 : i32
      %lt3A_175 = arith.cmpi slt, %add3A_173, %lt3A_174 : i32
      %convert_element_type3A_176 = arith.extui %lt3A_175 : i1 to i32
      %cond3A_177 = arith.constant 0 : i32
      %cond3A_178 = arith.cmpi ne, %convert_element_type3A_176, %cond3A_177 : i32
      scf.if %cond3A_178 {
        %add3A_214 = arith.constant 2 : i32
        %add3A_215 = arith.addi %add3A_78, %add3A_214 : i32
        %add3A_216 = arith.constant 4 : i32
        %add3A_217 = arith.addi %add3A_215, %add3A_216 : i32
        %add3A_218 = arith.addi %mul3A_2, %add3A_217 : i32
        %dma_start3A_219 = arith.constant 0 : i32
        %dma_start3A_220 = tpu.memref_slice %arg2[%add3A_218, %dma_start3A_219] : memref<4096x16384xf32, #tpu.memory_space<hbm>> -> memref<1x16384xf32, #tpu.memory_space<hbm>>
        %dma_start3A_221 = tpu.memref_squeeze %dma_start3A_220 : memref<1x16384xf32, #tpu.memory_space<hbm>> -> memref<16384xf32, #tpu.memory_space<hbm>>
        %dma_start3A_222 = arith.constant 0 : i32
        %dma_start3A_223 = tpu.memref_slice %arg2[%add3A_218, %dma_start3A_222] : memref<4096x16384xf32, #tpu.memory_space<hbm>> -> memref<1x16384xf32, #tpu.memory_space<hbm>>
        %dma_start3A_224 = tpu.memref_squeeze %dma_start3A_223 : memref<1x16384xf32, #tpu.memory_space<hbm>> -> memref<16384xf32, #tpu.memory_space<hbm>>
        tpu.enqueue_dma source(%dma_start3A_224 : memref<16384xf32, #tpu.memory_space<hbm>>) target(%arg11 : memref<16384xf32, #tpu.memory_space<vmem>>) target_semaphore(%arg19 : memref<!tpu.dma_semaphore, #tpu.memory_space<semaphore_mem>>)
      } else {
      }
      %add3A_179 = arith.constant 3 : i32
      %add3A_180 = arith.addi %add3A_78, %add3A_179 : i32
      %add3A_181 = arith.addi %mul3A_2, %add3A_180 : i32
      %dma_wait3A_182 = arith.constant 0 : i32
      %dma_wait3A_183 = tpu.memref_slice %arg2[%add3A_181, %dma_wait3A_182] : memref<4096x16384xf32, #tpu.memory_space<hbm>> -> memref<1x16384xf32, #tpu.memory_space<hbm>>
      %dma_wait3A_184 = tpu.memref_squeeze %dma_wait3A_183 : memref<1x16384xf32, #tpu.memory_space<hbm>> -> memref<16384xf32, #tpu.memory_space<hbm>>
      %dma_wait3A_185 = arith.constant 0 : i32
      %dma_wait3A_186 = tpu.memref_slice %arg2[%add3A_181, %dma_wait3A_185] : memref<4096x16384xf32, #tpu.memory_space<hbm>> -> memref<1x16384xf32, #tpu.memory_space<hbm>>
      %dma_wait3A_187 = tpu.memref_squeeze %dma_wait3A_186 : memref<1x16384xf32, #tpu.memory_space<hbm>> -> memref<16384xf32, #tpu.memory_space<hbm>>
      tpu.wait_dma2 semaphore(%arg20 : memref<!tpu.dma_semaphore, #tpu.memory_space<semaphore_mem>>) src(%dma_wait3A_187 : memref<16384xf32, #tpu.memory_space<hbm>>) dst(%arg12 : memref<16384xf32, #tpu.memory_space<vmem>>)
      %ge3A_188 = arith.constant 4 : i32
      %ge3A_189 = arith.cmpi sge, %add3A_78, %ge3A_188 : i32
      %convert_element_type3A_190 = arith.extui %ge3A_189 : i1 to i32
      %cond3A_191 = arith.constant 0 : i32
      %cond3A_192 = arith.cmpi ne, %convert_element_type3A_190, %cond3A_191 : i32
      scf.if %cond3A_192 {
        %add3A_214 = arith.constant 3 : i32
        %add3A_215 = arith.addi %add3A_78, %add3A_214 : i32
        %sub3A = arith.constant 4 : i32
        %sub3A_216 = arith.subi %add3A_215, %sub3A : i32
        %add3A_217 = arith.addi %mul3A_2, %sub3A_216 : i32
        %dma_wait3A_218 = arith.constant 0 : i32
        %dma_wait3A_219 = tpu.memref_slice %arg4[%add3A_217, %dma_wait3A_218] : memref<4096x4096xf32, #tpu.memory_space<hbm>> -> memref<1x4096xf32, #tpu.memory_space<hbm>>
        %dma_wait3A_220 = tpu.memref_squeeze %dma_wait3A_219 : memref<1x4096xf32, #tpu.memory_space<hbm>> -> memref<4096xf32, #tpu.memory_space<hbm>>
        %dma_wait3A_221 = arith.constant 0 : i32
        %dma_wait3A_222 = tpu.memref_slice %arg4[%add3A_217, %dma_wait3A_221] : memref<4096x4096xf32, #tpu.memory_space<hbm>> -> memref<1x4096xf32, #tpu.memory_space<hbm>>
        %dma_wait3A_223 = tpu.memref_squeeze %dma_wait3A_222 : memref<1x4096xf32, #tpu.memory_space<hbm>> -> memref<4096xf32, #tpu.memory_space<hbm>>
        tpu.wait_dma2 semaphore(%arg24 : memref<!tpu.dma_semaphore, #tpu.memory_space<semaphore_mem>>) src(%arg16 : memref<4096xf32, #tpu.memory_space<vmem>>) dst(%dma_wait3A_223 : memref<4096xf32, #tpu.memory_space<hbm>>)
      } else {
      }
      %add3A_193 = arith.constant 3 : i32
      %add3A_194 = arith.addi %add3A_78, %add3A_193 : i32
      %parallel_loop3A_195 = arith.constant 0 : i32
      %parallel_loop3A_196 = arith.constant 32 : i32
      %parallel_loop3A_197 = arith.constant 1 : i32
      scf.for %parallel_loop3A_214 = %parallel_loop3A_195 to %parallel_loop3A_196 step %parallel_loop3A_197  : i32 {
        %parallel_loop3A_215 = arith.constant 16 : i32
        %parallel_loop3A_216 = arith.muli %parallel_loop3A_214, %parallel_loop3A_215 : i32
        %parallel_loop3A_217 = arith.index_cast %parallel_loop3A_216 : i32 to index
        %parallel_loop3A_218 = tpu.vector_load %arg6[%parallel_loop3A_217] {strides = array<i32>} : memref<512xi32, #tpu.memory_space<vmem>>, vector<16xi32>,
        %parallel_loop3A_219 = arith.index_cast %parallel_loop3A_216 : i32 to index
        %parallel_loop3A_220 = tpu.vector_load %arg7[%parallel_loop3A_219] {strides = array<i32>} : memref<512xi32, #tpu.memory_space<vmem>>, vector<16xi32>,
        %parallel_loop3A_221 = arith.index_cast %parallel_loop3A_216 : i32 to index
        %parallel_loop3A_222 = tpu.vector_load %arg8[%parallel_loop3A_221] {strides = array<i32>} : memref<512xf32, #tpu.memory_space<vmem>>, vector<16xf32>,
        %parallel_loop3A_223 = arith.constant 8 : i32
        %parallel_loop3A_224 = arith.divsi %parallel_loop3A_214, %parallel_loop3A_223 : i32
        %parallel_loop3A_225 = arith.constant 0 : i32
        %parallel_loop3A_226 = arith.cmpi sgt, %parallel_loop3A_214, %parallel_loop3A_225 : i32
        %parallel_loop3A_227 = arith.extui %parallel_loop3A_226 : i1 to i32
        %parallel_loop3A_228 = arith.constant 0 : i32
        %parallel_loop3A_229 = arith.cmpi slt, %parallel_loop3A_214, %parallel_loop3A_228 : i32
        %parallel_loop3A_230 = arith.extui %parallel_loop3A_229 : i1 to i32
        %parallel_loop3A_231 = arith.subi %parallel_loop3A_227, %parallel_loop3A_230 : i32
        %parallel_loop3A_232 = arith.constant 0 : i32
        %parallel_loop3A_233 = arith.cmpi sgt, %parallel_loop3A_223, %parallel_loop3A_232 : i32
        %parallel_loop3A_234 = arith.extui %parallel_loop3A_233 : i1 to i32
        %parallel_loop3A_235 = arith.constant 0 : i32
        %parallel_loop3A_236 = arith.cmpi slt, %parallel_loop3A_223, %parallel_loop3A_235 : i32
        %parallel_loop3A_237 = arith.extui %parallel_loop3A_236 : i1 to i32
        %parallel_loop3A_238 = arith.subi %parallel_loop3A_234, %parallel_loop3A_237 : i32
        %parallel_loop3A_239 = arith.cmpi ne, %parallel_loop3A_231, %parallel_loop3A_238 : i32
        %parallel_loop3A_240 = arith.remsi %parallel_loop3A_214, %parallel_loop3A_223 : i32
        %parallel_loop3A_241 = arith.constant 0 : i32
        %parallel_loop3A_242 = arith.cmpi ne, %parallel_loop3A_240, %parallel_loop3A_241 : i32
        %parallel_loop3A_243 = arith.andi %parallel_loop3A_239, %parallel_loop3A_242 : i1
        %parallel_loop3A_244 = arith.constant 1 : i32
        %parallel_loop3A_245 = arith.subi %parallel_loop3A_224, %parallel_loop3A_244 : i32
        %parallel_loop3A_246 = arith.select %parallel_loop3A_243, %parallel_loop3A_245, %parallel_loop3A_224 : i32
        %parallel_loop3A_247 = arith.constant 1024 : i32
        %parallel_loop3A_248 = arith.muli %parallel_loop3A_246, %parallel_loop3A_247 : i32
        %parallel_loop3A_249 = arith.constant 8 : i32
        %parallel_loop3A_250 = arith.constant 0 : i32
        %parallel_loop3A_251 = arith.cmpi eq, %parallel_loop3A_249, %parallel_loop3A_250 : i32
        %parallel_loop3A_252 = arith.constant 1 : i32
        %parallel_loop3A_253 = arith.select %parallel_loop3A_251, %parallel_loop3A_252, %parallel_loop3A_249 : i32
        %parallel_loop3A_254 = arith.remsi %parallel_loop3A_214, %parallel_loop3A_253 : i32
        %parallel_loop3A_255 = arith.constant 0 : i32
        %parallel_loop3A_256 = arith.cmpi ne, %parallel_loop3A_254, %parallel_loop3A_255 : i32
        %parallel_loop3A_257 = arith.constant 0 : i32
        %parallel_loop3A_258 = arith.cmpi slt, %parallel_loop3A_254, %parallel_loop3A_257 : i32
        %parallel_loop3A_259 = arith.constant 0 : i32
        %parallel_loop3A_260 = arith.cmpi slt, %parallel_loop3A_253, %parallel_loop3A_259 : i32
        %parallel_loop3A_261 = arith.xori %parallel_loop3A_258, %parallel_loop3A_260 : i1
        %parallel_loop3A_262 = arith.andi %parallel_loop3A_261, %parallel_loop3A_256 : i1
        %parallel_loop3A_263 = arith.addi %parallel_loop3A_254, %parallel_loop3A_253 : i32
        %parallel_loop3A_264 = arith.select %parallel_loop3A_262, %parallel_loop3A_263, %parallel_loop3A_254 : i32
        %parallel_loop3A_265 = arith.constant 16 : i32
        %parallel_loop3A_266 = arith.muli %parallel_loop3A_264, %parallel_loop3A_265 : i32
        %parallel_loop3A_267 = arith.addi %parallel_loop3A_248, %parallel_loop3A_266 : i32
        %parallel_loop3A_268 = arith.constant 0 : i32
        %parallel_loop3A_269 = vector.broadcast %parallel_loop3A_268 : i32 to vector<16xi32>
        %parallel_loop3A_270 = arith.addi %parallel_loop3A_218, %parallel_loop3A_269 : vector<16xi32>
        %parallel_loop3A_271 = tpu.vector_load_idx %arg12[%parallel_loop3A_270] : memref<16384xf32, #tpu.memory_space<vmem>>[vector<16xi32>], vector<16xf32>,
        %parallel_loop3A_272 = arith.constant 0 : i32
        %parallel_loop3A_273 = vector.broadcast %parallel_loop3A_272 : i32 to vector<16xi32>
        %parallel_loop3A_274 = arith.addi %parallel_loop3A_220, %parallel_loop3A_273 : vector<16xi32>
        %parallel_loop3A_275 = tpu.vector_load_idx %arg12[%parallel_loop3A_274] : memref<16384xf32, #tpu.memory_space<vmem>>[vector<16xi32>], vector<16xf32>,
        %parallel_loop3A_276 = arith.subf %parallel_loop3A_275, %parallel_loop3A_271 : vector<16xf32>
        %parallel_loop3A_277 = arith.mulf %parallel_loop3A_222, %parallel_loop3A_276 : vector<16xf32>
        %parallel_loop3A_278 = arith.addf %parallel_loop3A_271, %parallel_loop3A_277 : vector<16xf32>
        %parallel_loop3A_279 = arith.constant 0 : i32
        %parallel_loop3A_280 = arith.addi %parallel_loop3A_279, %parallel_loop3A_267 : i32
        %parallel_loop3A_281 = arith.constant 0 : i32
        %parallel_loop3A_282 = arith.addi %parallel_loop3A_280, %parallel_loop3A_281 : i32
        %parallel_loop3A_283 = arith.index_cast %parallel_loop3A_282 : i32 to index
        %parallel_loop3A_284 = tpu.vector_load %arg16[%parallel_loop3A_283] {strides = array<i32>} : memref<4096xf32, #tpu.memory_space<vmem>>, vector<16xf32>,
        tpu.vector_store %arg16[%parallel_loop3A_283], %parallel_loop3A_278 {strides = array<i32>} : memref<4096xf32, #tpu.memory_space<vmem>>, vector<16xf32>,
        %parallel_loop3A_285 = arith.constant 128 : i32
        %parallel_loop3A_286 = vector.broadcast %parallel_loop3A_285 : i32 to vector<16xi32>
        %parallel_loop3A_287 = arith.addi %parallel_loop3A_218, %parallel_loop3A_286 : vector<16xi32>
        %parallel_loop3A_288 = tpu.vector_load_idx %arg12[%parallel_loop3A_287] : memref<16384xf32, #tpu.memory_space<vmem>>[vector<16xi32>], vector<16xf32>,
        %parallel_loop3A_289 = arith.constant 128 : i32
        %parallel_loop3A_290 = vector.broadcast %parallel_loop3A_289 : i32 to vector<16xi32>
        %parallel_loop3A_291 = arith.addi %parallel_loop3A_220, %parallel_loop3A_290 : vector<16xi32>
        %parallel_loop3A_292 = tpu.vector_load_idx %arg12[%parallel_loop3A_291] : memref<16384xf32, #tpu.memory_space<vmem>>[vector<16xi32>], vector<16xf32>,
        %parallel_loop3A_293 = arith.subf %parallel_loop3A_292, %parallel_loop3A_288 : vector<16xf32>
        %parallel_loop3A_294 = arith.mulf %parallel_loop3A_222, %parallel_loop3A_293 : vector<16xf32>
        %parallel_loop3A_295 = arith.addf %parallel_loop3A_288, %parallel_loop3A_294 : vector<16xf32>
        %parallel_loop3A_296 = arith.constant 0 : i32
        %parallel_loop3A_297 = arith.addi %parallel_loop3A_296, %parallel_loop3A_267 : i32
        %parallel_loop3A_298 = arith.constant 128 : i32
        %parallel_loop3A_299 = arith.addi %parallel_loop3A_297, %parallel_loop3A_298 : i32
        %parallel_loop3A_300 = arith.index_cast %parallel_loop3A_299 : i32 to index
        %parallel_loop3A_301 = tpu.vector_load %arg16[%parallel_loop3A_300] {strides = array<i32>} : memref<4096xf32, #tpu.memory_space<vmem>>, vector<16xf32>,
        tpu.vector_store %arg16[%parallel_loop3A_300], %parallel_loop3A_295 {strides = array<i32>} : memref<4096xf32, #tpu.memory_space<vmem>>, vector<16xf32>,
        %parallel_loop3A_302 = arith.constant 256 : i32
        %parallel_loop3A_303 = vector.broadcast %parallel_loop3A_302 : i32 to vector<16xi32>
        %parallel_loop3A_304 = arith.addi %parallel_loop3A_218, %parallel_loop3A_303 : vector<16xi32>
        %parallel_loop3A_305 = tpu.vector_load_idx %arg12[%parallel_loop3A_304] : memref<16384xf32, #tpu.memory_space<vmem>>[vector<16xi32>], vector<16xf32>,
        %parallel_loop3A_306 = arith.constant 256 : i32
        %parallel_loop3A_307 = vector.broadcast %parallel_loop3A_306 : i32 to vector<16xi32>
        %parallel_loop3A_308 = arith.addi %parallel_loop3A_220, %parallel_loop3A_307 : vector<16xi32>
        %parallel_loop3A_309 = tpu.vector_load_idx %arg12[%parallel_loop3A_308] : memref<16384xf32, #tpu.memory_space<vmem>>[vector<16xi32>], vector<16xf32>,
        %parallel_loop3A_310 = arith.subf %parallel_loop3A_309, %parallel_loop3A_305 : vector<16xf32>
        %parallel_loop3A_311 = arith.mulf %parallel_loop3A_222, %parallel_loop3A_310 : vector<16xf32>
        %parallel_loop3A_312 = arith.addf %parallel_loop3A_305, %parallel_loop3A_311 : vector<16xf32>
        %parallel_loop3A_313 = arith.constant 0 : i32
        %parallel_loop3A_314 = arith.addi %parallel_loop3A_313, %parallel_loop3A_267 : i32
        %parallel_loop3A_315 = arith.constant 256 : i32
        %parallel_loop3A_316 = arith.addi %parallel_loop3A_314, %parallel_loop3A_315 : i32
        %parallel_loop3A_317 = arith.index_cast %parallel_loop3A_316 : i32 to index
        %parallel_loop3A_318 = tpu.vector_load %arg16[%parallel_loop3A_317] {strides = array<i32>} : memref<4096xf32, #tpu.memory_space<vmem>>, vector<16xf32>,
        tpu.vector_store %arg16[%parallel_loop3A_317], %parallel_loop3A_312 {strides = array<i32>} : memref<4096xf32, #tpu.memory_space<vmem>>, vector<16xf32>,
        %parallel_loop3A_319 = arith.constant 384 : i32
        %parallel_loop3A_320 = vector.broadcast %parallel_loop3A_319 : i32 to vector<16xi32>
        %parallel_loop3A_321 = arith.addi %parallel_loop3A_218, %parallel_loop3A_320 : vector<16xi32>
        %parallel_loop3A_322 = tpu.vector_load_idx %arg12[%parallel_loop3A_321] : memref<16384xf32, #tpu.memory_space<vmem>>[vector<16xi32>], vector<16xf32>,
        %parallel_loop3A_323 = arith.constant 384 : i32
        %parallel_loop3A_324 = vector.broadcast %parallel_loop3A_323 : i32 to vector<16xi32>
        %parallel_loop3A_325 = arith.addi %parallel_loop3A_220, %parallel_loop3A_324 : vector<16xi32>
        %parallel_loop3A_326 = tpu.vector_load_idx %arg12[%parallel_loop3A_325] : memref<16384xf32, #tpu.memory_space<vmem>>[vector<16xi32>], vector<16xf32>,
        %parallel_loop3A_327 = arith.subf %parallel_loop3A_326, %parallel_loop3A_322 : vector<16xf32>
        %parallel_loop3A_328 = arith.mulf %parallel_loop3A_222, %parallel_loop3A_327 : vector<16xf32>
        %parallel_loop3A_329 = arith.addf %parallel_loop3A_322, %parallel_loop3A_328 : vector<16xf32>
        %parallel_loop3A_330 = arith.constant 0 : i32
        %parallel_loop3A_331 = arith.addi %parallel_loop3A_330, %parallel_loop3A_267 : i32
        %parallel_loop3A_332 = arith.constant 384 : i32
        %parallel_loop3A_333 = arith.addi %parallel_loop3A_331, %parallel_loop3A_332 : i32
        %parallel_loop3A_334 = arith.index_cast %parallel_loop3A_333 : i32 to index
        %parallel_loop3A_335 = tpu.vector_load %arg16[%parallel_loop3A_334] {strides = array<i32>} : memref<4096xf32, #tpu.memory_space<vmem>>, vector<16xf32>,
        tpu.vector_store %arg16[%parallel_loop3A_334], %parallel_loop3A_329 {strides = array<i32>} : memref<4096xf32, #tpu.memory_space<vmem>>, vector<16xf32>,
        %parallel_loop3A_336 = arith.constant 512 : i32
        %parallel_loop3A_337 = vector.broadcast %parallel_loop3A_336 : i32 to vector<16xi32>
        %parallel_loop3A_338 = arith.addi %parallel_loop3A_218, %parallel_loop3A_337 : vector<16xi32>
        %parallel_loop3A_339 = tpu.vector_load_idx %arg12[%parallel_loop3A_338] : memref<16384xf32, #tpu.memory_space<vmem>>[vector<16xi32>], vector<16xf32>,
        %parallel_loop3A_340 = arith.constant 512 : i32
        %parallel_loop3A_341 = vector.broadcast %parallel_loop3A_340 : i32 to vector<16xi32>
        %parallel_loop3A_342 = arith.addi %parallel_loop3A_220, %parallel_loop3A_341 : vector<16xi32>
        %parallel_loop3A_343 = tpu.vector_load_idx %arg12[%parallel_loop3A_342] : memref<16384xf32, #tpu.memory_space<vmem>>[vector<16xi32>], vector<16xf32>,
        %parallel_loop3A_344 = arith.subf %parallel_loop3A_343, %parallel_loop3A_339 : vector<16xf32>
        %parallel_loop3A_345 = arith.mulf %parallel_loop3A_222, %parallel_loop3A_344 : vector<16xf32>
        %parallel_loop3A_346 = arith.addf %parallel_loop3A_339, %parallel_loop3A_345 : vector<16xf32>
        %parallel_loop3A_347 = arith.constant 0 : i32
        %parallel_loop3A_348 = arith.addi %parallel_loop3A_347, %parallel_loop3A_267 : i32
        %parallel_loop3A_349 = arith.constant 512 : i32
        %parallel_loop3A_350 = arith.addi %parallel_loop3A_348, %parallel_loop3A_349 : i32
        %parallel_loop3A_351 = arith.index_cast %parallel_loop3A_350 : i32 to index
        %parallel_loop3A_352 = tpu.vector_load %arg16[%parallel_loop3A_351] {strides = array<i32>} : memref<4096xf32, #tpu.memory_space<vmem>>, vector<16xf32>,
        tpu.vector_store %arg16[%parallel_loop3A_351], %parallel_loop3A_346 {strides = array<i32>} : memref<4096xf32, #tpu.memory_space<vmem>>, vector<16xf32>,
        %parallel_loop3A_353 = arith.constant 640 : i32
        %parallel_loop3A_354 = vector.broadcast %parallel_loop3A_353 : i32 to vector<16xi32>
        %parallel_loop3A_355 = arith.addi %parallel_loop3A_218, %parallel_loop3A_354 : vector<16xi32>
        %parallel_loop3A_356 = tpu.vector_load_idx %arg12[%parallel_loop3A_355] : memref<16384xf32, #tpu.memory_space<vmem>>[vector<16xi32>], vector<16xf32>,
        %parallel_loop3A_357 = arith.constant 640 : i32
        %parallel_loop3A_358 = vector.broadcast %parallel_loop3A_357 : i32 to vector<16xi32>
        %parallel_loop3A_359 = arith.addi %parallel_loop3A_220, %parallel_loop3A_358 : vector<16xi32>
        %parallel_loop3A_360 = tpu.vector_load_idx %arg12[%parallel_loop3A_359] : memref<16384xf32, #tpu.memory_space<vmem>>[vector<16xi32>], vector<16xf32>,
        %parallel_loop3A_361 = arith.subf %parallel_loop3A_360, %parallel_loop3A_356 : vector<16xf32>
        %parallel_loop3A_362 = arith.mulf %parallel_loop3A_222, %parallel_loop3A_361 : vector<16xf32>
        %parallel_loop3A_363 = arith.addf %parallel_loop3A_356, %parallel_loop3A_362 : vector<16xf32>
        %parallel_loop3A_364 = arith.constant 0 : i32
        %parallel_loop3A_365 = arith.addi %parallel_loop3A_364, %parallel_loop3A_267 : i32
        %parallel_loop3A_366 = arith.constant 640 : i32
        %parallel_loop3A_367 = arith.addi %parallel_loop3A_365, %parallel_loop3A_366 : i32
        %parallel_loop3A_368 = arith.index_cast %parallel_loop3A_367 : i32 to index
        %parallel_loop3A_369 = tpu.vector_load %arg16[%parallel_loop3A_368] {strides = array<i32>} : memref<4096xf32, #tpu.memory_space<vmem>>, vector<16xf32>,
        tpu.vector_store %arg16[%parallel_loop3A_368], %parallel_loop3A_363 {strides = array<i32>} : memref<4096xf32, #tpu.memory_space<vmem>>, vector<16xf32>,
        %parallel_loop3A_370 = arith.constant 768 : i32
        %parallel_loop3A_371 = vector.broadcast %parallel_loop3A_370 : i32 to vector<16xi32>
        %parallel_loop3A_372 = arith.addi %parallel_loop3A_218, %parallel_loop3A_371 : vector<16xi32>
        %parallel_loop3A_373 = tpu.vector_load_idx %arg12[%parallel_loop3A_372] : memref<16384xf32, #tpu.memory_space<vmem>>[vector<16xi32>], vector<16xf32>,
        %parallel_loop3A_374 = arith.constant 768 : i32
        %parallel_loop3A_375 = vector.broadcast %parallel_loop3A_374 : i32 to vector<16xi32>
        %parallel_loop3A_376 = arith.addi %parallel_loop3A_220, %parallel_loop3A_375 : vector<16xi32>
        %parallel_loop3A_377 = tpu.vector_load_idx %arg12[%parallel_loop3A_376] : memref<16384xf32, #tpu.memory_space<vmem>>[vector<16xi32>], vector<16xf32>,
        %parallel_loop3A_378 = arith.subf %parallel_loop3A_377, %parallel_loop3A_373 : vector<16xf32>
        %parallel_loop3A_379 = arith.mulf %parallel_loop3A_222, %parallel_loop3A_378 : vector<16xf32>
        %parallel_loop3A_380 = arith.addf %parallel_loop3A_373, %parallel_loop3A_379 : vector<16xf32>
        %parallel_loop3A_381 = arith.constant 0 : i32
        %parallel_loop3A_382 = arith.addi %parallel_loop3A_381, %parallel_loop3A_267 : i32
        %parallel_loop3A_383 = arith.constant 768 : i32
        %parallel_loop3A_384 = arith.addi %parallel_loop3A_382, %parallel_loop3A_383 : i32
        %parallel_loop3A_385 = arith.index_cast %parallel_loop3A_384 : i32 to index
        %parallel_loop3A_386 = tpu.vector_load %arg16[%parallel_loop3A_385] {strides = array<i32>} : memref<4096xf32, #tpu.memory_space<vmem>>, vector<16xf32>,
        tpu.vector_store %arg16[%parallel_loop3A_385], %parallel_loop3A_380 {strides = array<i32>} : memref<4096xf32, #tpu.memory_space<vmem>>, vector<16xf32>,
        %parallel_loop3A_387 = arith.constant 896 : i32
        %parallel_loop3A_388 = vector.broadcast %parallel_loop3A_387 : i32 to vector<16xi32>
        %parallel_loop3A_389 = arith.addi %parallel_loop3A_218, %parallel_loop3A_388 : vector<16xi32>
        %parallel_loop3A_390 = tpu.vector_load_idx %arg12[%parallel_loop3A_389] : memref<16384xf32, #tpu.memory_space<vmem>>[vector<16xi32>], vector<16xf32>,
        %parallel_loop3A_391 = arith.constant 896 : i32
        %parallel_loop3A_392 = vector.broadcast %parallel_loop3A_391 : i32 to vector<16xi32>
        %parallel_loop3A_393 = arith.addi %parallel_loop3A_220, %parallel_loop3A_392 : vector<16xi32>
        %parallel_loop3A_394 = tpu.vector_load_idx %arg12[%parallel_loop3A_393] : memref<16384xf32, #tpu.memory_space<vmem>>[vector<16xi32>], vector<16xf32>,
        %parallel_loop3A_395 = arith.subf %parallel_loop3A_394, %parallel_loop3A_390 : vector<16xf32>
        %parallel_loop3A_396 = arith.mulf %parallel_loop3A_222, %parallel_loop3A_395 : vector<16xf32>
        %parallel_loop3A_397 = arith.addf %parallel_loop3A_390, %parallel_loop3A_396 : vector<16xf32>
        %parallel_loop3A_398 = arith.constant 0 : i32
        %parallel_loop3A_399 = arith.addi %parallel_loop3A_398, %parallel_loop3A_267 : i32
        %parallel_loop3A_400 = arith.constant 896 : i32
        %parallel_loop3A_401 = arith.addi %parallel_loop3A_399, %parallel_loop3A_400 : i32
        %parallel_loop3A_402 = arith.index_cast %parallel_loop3A_401 : i32 to index
        %parallel_loop3A_403 = tpu.vector_load %arg16[%parallel_loop3A_402] {strides = array<i32>} : memref<4096xf32, #tpu.memory_space<vmem>>, vector<16xf32>,
        tpu.vector_store %arg16[%parallel_loop3A_402], %parallel_loop3A_397 {strides = array<i32>} : memref<4096xf32, #tpu.memory_space<vmem>>, vector<16xf32>,
      } {sc.loop_unroll_factor = 4 : i64, sc.parallel_access}
      %add3A_198 = arith.addi %mul3A_2, %add3A_194 : i32
      %dma_start3A_199 = arith.constant 0 : i32
      %dma_start3A_200 = tpu.memref_slice %arg4[%add3A_198, %dma_start3A_199] : memref<4096x4096xf32, #tpu.memory_space<hbm>> -> memref<1x4096xf32, #tpu.memory_space<hbm>>
      %dma_start3A_201 = tpu.memref_squeeze %dma_start3A_200 : memref<1x4096xf32, #tpu.memory_space<hbm>> -> memref<4096xf32, #tpu.memory_space<hbm>>
      %dma_start3A_202 = arith.constant 0 : i32
      %dma_start3A_203 = tpu.memref_slice %arg4[%add3A_198, %dma_start3A_202] : memref<4096x4096xf32, #tpu.memory_space<hbm>> -> memref<1x4096xf32, #tpu.memory_space<hbm>>
      %dma_start3A_204 = tpu.memref_squeeze %dma_start3A_203 : memref<1x4096xf32, #tpu.memory_space<hbm>> -> memref<4096xf32, #tpu.memory_space<hbm>>
      tpu.enqueue_dma source(%arg16 : memref<4096xf32, #tpu.memory_space<vmem>>) target(%dma_start3A_204 : memref<4096xf32, #tpu.memory_space<hbm>>) target_semaphore(%arg24 : memref<!tpu.dma_semaphore, #tpu.memory_space<semaphore_mem>>)
      %add3A_205 = arith.constant 3 : i32
      %add3A_206 = arith.addi %add3A_78, %add3A_205 : i32
      %add3A_207 = arith.constant 4 : i32
      %add3A_208 = arith.addi %add3A_206, %add3A_207 : i32
      %lt3A_209 = arith.constant 128 : i32
      %lt3A_210 = arith.cmpi slt, %add3A_208, %lt3A_209 : i32
      %convert_element_type3A_211 = arith.extui %lt3A_210 : i1 to i32
      %cond3A_212 = arith.constant 0 : i32
      %cond3A_213 = arith.cmpi ne, %convert_element_type3A_211, %cond3A_212 : i32
      scf.if %cond3A_213 {
        %add3A_214 = arith.constant 3 : i32
        %add3A_215 = arith.addi %add3A_78, %add3A_214 : i32
        %add3A_216 = arith.constant 4 : i32
        %add3A_217 = arith.addi %add3A_215, %add3A_216 : i32
        %add3A_218 = arith.addi %mul3A_2, %add3A_217 : i32
        %dma_start3A_219 = arith.constant 0 : i32
        %dma_start3A_220 = tpu.memref_slice %arg2[%add3A_218, %dma_start3A_219] : memref<4096x16384xf32, #tpu.memory_space<hbm>> -> memref<1x16384xf32, #tpu.memory_space<hbm>>
        %dma_start3A_221 = tpu.memref_squeeze %dma_start3A_220 : memref<1x16384xf32, #tpu.memory_space<hbm>> -> memref<16384xf32, #tpu.memory_space<hbm>>
        %dma_start3A_222 = arith.constant 0 : i32
        %dma_start3A_223 = tpu.memref_slice %arg2[%add3A_218, %dma_start3A_222] : memref<4096x16384xf32, #tpu.memory_space<hbm>> -> memref<1x16384xf32, #tpu.memory_space<hbm>>
        %dma_start3A_224 = tpu.memref_squeeze %dma_start3A_223 : memref<1x16384xf32, #tpu.memory_space<hbm>> -> memref<16384xf32, #tpu.memory_space<hbm>>
        tpu.enqueue_dma source(%dma_start3A_224 : memref<16384xf32, #tpu.memory_space<hbm>>) target(%arg12 : memref<16384xf32, #tpu.memory_space<vmem>>) target_semaphore(%arg20 : memref<!tpu.dma_semaphore, #tpu.memory_space<semaphore_mem>>)
      } else {
      }
    }
    %scan3A_42 = arith.constant 32 : i32
    %add3A_43 = arith.constant 124 : i32
    %add3A_44 = arith.addi %mul3A_2, %add3A_43 : i32
    %dma_wait3A = arith.constant 0 : i32
    %dma_wait3A_45 = tpu.memref_slice %arg4[%add3A_44, %dma_wait3A] : memref<4096x4096xf32, #tpu.memory_space<hbm>> -> memref<1x4096xf32, #tpu.memory_space<hbm>>
    %dma_wait3A_46 = tpu.memref_squeeze %dma_wait3A_45 : memref<1x4096xf32, #tpu.memory_space<hbm>> -> memref<4096xf32, #tpu.memory_space<hbm>>
    %dma_wait3A_47 = arith.constant 0 : i32
    %dma_wait3A_48 = tpu.memref_slice %arg4[%add3A_44, %dma_wait3A_47] : memref<4096x4096xf32, #tpu.memory_space<hbm>> -> memref<1x4096xf32, #tpu.memory_space<hbm>>
    %dma_wait3A_49 = tpu.memref_squeeze %dma_wait3A_48 : memref<1x4096xf32, #tpu.memory_space<hbm>> -> memref<4096xf32, #tpu.memory_space<hbm>>
    tpu.wait_dma2 semaphore(%arg21 : memref<!tpu.dma_semaphore, #tpu.memory_space<semaphore_mem>>) src(%arg13 : memref<4096xf32, #tpu.memory_space<vmem>>) dst(%dma_wait3A_49 : memref<4096xf32, #tpu.memory_space<hbm>>)
    %add3A_50 = arith.constant 125 : i32
    %add3A_51 = arith.addi %mul3A_2, %add3A_50 : i32
    %dma_wait3A_52 = arith.constant 0 : i32
    %dma_wait3A_53 = tpu.memref_slice %arg4[%add3A_51, %dma_wait3A_52] : memref<4096x4096xf32, #tpu.memory_space<hbm>> -> memref<1x4096xf32, #tpu.memory_space<hbm>>
    %dma_wait3A_54 = tpu.memref_squeeze %dma_wait3A_53 : memref<1x4096xf32, #tpu.memory_space<hbm>> -> memref<4096xf32, #tpu.memory_space<hbm>>
    %dma_wait3A_55 = arith.constant 0 : i32
    %dma_wait3A_56 = tpu.memref_slice %arg4[%add3A_51, %dma_wait3A_55] : memref<4096x4096xf32, #tpu.memory_space<hbm>> -> memref<1x4096xf32, #tpu.memory_space<hbm>>
    %dma_wait3A_57 = tpu.memref_squeeze %dma_wait3A_56 : memref<1x4096xf32, #tpu.memory_space<hbm>> -> memref<4096xf32, #tpu.memory_space<hbm>>
    tpu.wait_dma2 semaphore(%arg22 : memref<!tpu.dma_semaphore, #tpu.memory_space<semaphore_mem>>) src(%arg14 : memref<4096xf32, #tpu.memory_space<vmem>>) dst(%dma_wait3A_57 : memref<4096xf32, #tpu.memory_space<hbm>>)
    %add3A_58 = arith.constant 126 : i32
    %add3A_59 = arith.addi %mul3A_2, %add3A_58 : i32
    %dma_wait3A_60 = arith.constant 0 : i32
    %dma_wait3A_61 = tpu.memref_slice %arg4[%add3A_59, %dma_wait3A_60] : memref<4096x4096xf32, #tpu.memory_space<hbm>> -> memref<1x4096xf32, #tpu.memory_space<hbm>>
    %dma_wait3A_62 = tpu.memref_squeeze %dma_wait3A_61 : memref<1x4096xf32, #tpu.memory_space<hbm>> -> memref<4096xf32, #tpu.memory_space<hbm>>
    %dma_wait3A_63 = arith.constant 0 : i32
    %dma_wait3A_64 = tpu.memref_slice %arg4[%add3A_59, %dma_wait3A_63] : memref<4096x4096xf32, #tpu.memory_space<hbm>> -> memref<1x4096xf32, #tpu.memory_space<hbm>>
    %dma_wait3A_65 = tpu.memref_squeeze %dma_wait3A_64 : memref<1x4096xf32, #tpu.memory_space<hbm>> -> memref<4096xf32, #tpu.memory_space<hbm>>
    tpu.wait_dma2 semaphore(%arg23 : memref<!tpu.dma_semaphore, #tpu.memory_space<semaphore_mem>>) src(%arg15 : memref<4096xf32, #tpu.memory_space<vmem>>) dst(%dma_wait3A_65 : memref<4096xf32, #tpu.memory_space<hbm>>)
    %add3A_66 = arith.constant 127 : i32
    %add3A_67 = arith.addi %mul3A_2, %add3A_66 : i32
    %dma_wait3A_68 = arith.constant 0 : i32
    %dma_wait3A_69 = tpu.memref_slice %arg4[%add3A_67, %dma_wait3A_68] : memref<4096x4096xf32, #tpu.memory_space<hbm>> -> memref<1x4096xf32, #tpu.memory_space<hbm>>
    %dma_wait3A_70 = tpu.memref_squeeze %dma_wait3A_69 : memref<1x4096xf32, #tpu.memory_space<hbm>> -> memref<4096xf32, #tpu.memory_space<hbm>>
    %dma_wait3A_71 = arith.constant 0 : i32
    %dma_wait3A_72 = tpu.memref_slice %arg4[%add3A_67, %dma_wait3A_71] : memref<4096x4096xf32, #tpu.memory_space<hbm>> -> memref<1x4096xf32, #tpu.memory_space<hbm>>
    %dma_wait3A_73 = tpu.memref_squeeze %dma_wait3A_72 : memref<1x4096xf32, #tpu.memory_space<hbm>> -> memref<4096xf32, #tpu.memory_space<hbm>>
    tpu.wait_dma2 semaphore(%arg24 : memref<!tpu.dma_semaphore, #tpu.memory_space<semaphore_mem>>) src(%arg16 : memref<4096xf32, #tpu.memory_space<vmem>>) dst(%dma_wait3A_73 : memref<4096xf32, #tpu.memory_space<hbm>>)
    return
  }
}

</mosaic_0001>

<sc_bundles>
// kernel: kernel.3.cloned.1.call-start
scs
__scs_entry_jumppad:
0x0: {  	(pc) =	sbr.rel $0x88, $3  }
0x1: {  	(tag) =	ssettag $0x0;
	lr =	simm.s32 $0x1  }
0x2: {  	[smem:$0x3F9F] =	sst lr;
	_ =	strace $0xD0000000  }
0x3: {  	_ = 	snop  }
0x4: {  	_ = 	snop  }
0x5: {  	_ = 	snop  }
0x6: {  	_ = 	snop  }
0x7: {  	_ = 	snop  }
__scs_overlays_trampoline_lowered:
0x8: {  	[smem:$0x3FAE] =	sst s0  }
0x9: {  	[smem:$0x3FAF] =	sst s1  }
0xa: {  	[smem:$0x3FB0] =	sst s2  }
0xb: {  	[smem:$0x3FB1] =	sst s3  }
0xc: {  	[smem:$0x3FB2] =	sst s4  }
0xd: {  	[smem:$0x3FB3] =	sst s5  }
0xe: {  	[smem:$0x3FB4] =	sst s6  }
0xf: {  	[smem:$0x3FB5] =	sst s7  }
0x10: {  	[smem:$0x3FB6] =	sst s8  }
0x11: {  	[smem:$0x3FB7] =	sst s9;
	s0 =	simm.s32 @!p0 $0x0  }
0x12: {  	s1 =	sld [smem:$0x3F9D];
	s0 =	simm.s32 @p0 $0x1  }
0x13: {  	[smem:$0x3FB8] =	sst s0;
	s0 =	simm.s32 @!p1 $0x0  }
0x14: {  	s2 =	sld [smem:$0x3F9C];
	s0 =	simm.s32 @p1 $0x1  }
0x15: {  	[smem:$0x3FB9] =	sst s0;
	s0 =	simm.s32 @!p2 $0x0  }
0x16: {  	s3 =	sld [smem:$0x3FDB];
	s0 =	simm.s32 @p2 $0x1  }
0x17: {  	s4 =	simm.s32 $0x1BF5;
	[smem:$0x3FBB] =	sst s0  }
0x18: {  	s0 =	sld [smem:$0x3F9E];
	_ =	swait.ge [sflag:s4], $0x0  }
0x19: {  	s7 =	sld [smem:$0x3F9F]  }
0x1a: {  	s8 =	sadd.s32 $0xFFFFE003, lr  }
0x1b: {  	s9 =	sadd.s32 $0xFFFFFEF7, lr;
	s5 =	simm.s32 $0xFFFFFFFF;
	p2 =	slt.u32 s8, $0xFFFFF086  }
0x1c: {  	p1 =	slt.u32 s9, $0xF7A;
	s5 =	simm.s32 @!p2 $0x0  }
0x1d: {  	s5 =	simm.s32 @p1 $0x1;
	p0 =	seq.s32 s7, s2  }
0x1e: {  	s7 =	smul.u32 @!p0 $0xF7A, s2;
	p2 =	seq.s32 @!p0 s5, $0x0  }
0x1f: {  	s9 =	smul.u32 $0xF7A, s1;
	s8 =	simm.s32 @!p0 $0x1BF5;
	p2 =	por !p2, p0  }
0x20: {  	[sflag:s8] =	ssyncset.s32 @!p0 $0xFFFFF086;
	s6 =	sadd.s32 @!p0 s3, s7;
	s7 =	simm.s32 @!p0 $0x108  }
0x21: {  	s3 =	sadd.s32 s3, s9;
	s6 =	sadd.s32 @!p0 $0x88, s6;
	s7 =	simm.s32 @p2 $0x1082  }
0x22: {  	[simem:s7], [sflag:s8] =	dma.local @!p0 [hbm:s6], $0xF7A  }
0x23: {  	s9 =	sor.u32 $0xD0000000, s2;
	s6 =	simm.s32 $0x108;
	_ =	swait.ge @!p0 [sflag:s8], $0x0  }
0x24: {  	s3 =	sadd.s32 $0x88, s3;
	s6 =	simm.s32 @!p1 $0x1082;
	[sflag:s4] =	ssyncset.s32 $0xFFFFF086  }
0x25: {  	[simem:s6], [sflag:s4] =	dma.local [hbm:s3], $0xF7A  }
0x26: {  	[smem:$0x3F9F] =	sst s1;
	(tag) =	ssettag s2;
	_ =	strace s9  }
0x27: {  	s1 =	sld [smem:$0x3FAF]  }
0x28: {  	s2 =	sld [smem:$0x3FB0]  }
0x29: {  	s4 =	sld [smem:$0x3FB2]  }
0x2a: {  	p0 =	seq.s32 s5, $0x0;
	s5 =	sld [smem:$0x3FB3]  }
0x2b: {  	s6 =	sld [smem:$0x3FB4]  }
0x2c: {  	s7 =	sld [smem:$0x3FB5]  }
0x2d: {  	s3 =	simm.s32 $0x108;
	s8 =	sld [smem:$0x3FB6]  }
0x2e: {  	s3 =	simm.s32 @!p0 $0x1082;
	s9 =	sld [smem:$0x3FB7]  }
0x2f: {  	lr =	sadd.s32 s0, s3;
	s0 =	sld [smem:$0x3FAE]  }
0x30: {  	s3 =	sld [smem:$0x3FB1]  }
0x31: {  	[smem:$0x3FBA] =	sst s10  }
0x32: {  	s10 =	sld [smem:$0x3FB8];
	_ =	sdelay $0x3  }
0x33: {  	p0 =	seq.s32 s10, $0x1;
	s10 =	sld [smem:$0x3FBA];
	_ =	sdelay $0x3  }
0x34: {  	[smem:$0x3FBA] =	sst s10  }
0x35: {  	s10 =	sld [smem:$0x3FB9];
	_ =	sdelay $0x3  }
0x36: {  	p1 =	seq.s32 s10, $0x1;
	s10 =	sld [smem:$0x3FBA];
	_ =	sdelay $0x3  }
0x37: {  	[smem:$0x3FBA] =	sst s10  }
0x38: {  	s10 =	sld [smem:$0x3FBB]  }
0x39: {  	_ = 	snop;
	(pc) =	sbr.ind lr, $3  }
0x3a: {  	_ = 	snop  }
0x3b: {  	_ = 	snop  }
0x3c: {  	p2 =	seq.s32 s10, $0x1;
	s10 =	sld [smem:$0x3FBA]  }
0x3d: {  	_ =	shalt  }
0x3e: {  	_ =	shalt  }
0x3f: {  	_ =	shalt  }
0x40: {  	_ =	shalt  }
0x41: {  	_ =	shalt  }
0x42: {  	_ =	shalt  }
0x43: {  	_ =	shalt  }
0x44: {  	_ =	shalt  }
0x45: {  	_ =	shalt  }
0x46: {  	_ =	shalt  }
0x47: {  	_ =	shalt  }
0x48: {  	_ =	shalt  }
0x49: {  	_ =	shalt  }
0x4a: {  	_ =	shalt  }
0x4b: {  	_ =	shalt  }
0x4c: {  	_ =	shalt  }
0x4d: {  	_ =	shalt  }
0x4e: {  	_ =	shalt  }
0x4f: {  	_ =	shalt  }
0x50: {  	_ =	shalt  }
0x51: {  	_ =	shalt  }
0x52: {  	_ =	shalt  }
0x53: {  	_ =	shalt  }
0x54: {  	_ =	shalt  }
0x55: {  	_ =	shalt  }
0x56: {  	_ =	shalt  }
0x57: {  	_ =	shalt  }
0x58: {  	_ =	shalt  }
0x59: {  	_ =	shalt  }
0x5a: {  	_ =	shalt  }
0x5b: {  	_ =	shalt  }
0x5c: {  	_ =	shalt  }
0x5d: {  	_ =	shalt  }
0x5e: {  	_ =	shalt  }
0x5f: {  	_ =	shalt  }
0x60: {  	_ =	shalt  }
0x61: {  	_ =	shalt  }
0x62: {  	_ =	shalt  }
0x63: {  	_ =	shalt  }
0x64: {  	_ =	shalt  }
0x65: {  	_ =	shalt  }
0x66: {  	_ =	shalt  }
0x67: {  	_ =	shalt  }
0x68: {  	_ =	shalt  }
0x69: {  	_ =	shalt  }
0x6a: {  	_ =	shalt  }
0x6b: {  	_ =	shalt  }
0x6c: {  	_ =	shalt  }
0x6d: {  	_ =	shalt  }
0x6e: {  	_ =	shalt  }
0x6f: {  	_ =	shalt  }
0x70: {  	_ =	shalt  }
0x71: {  	_ =	shalt  }
0x72: {  	_ =	shalt  }
0x73: {  	_ =	shalt  }
0x74: {  	_ =	shalt  }
0x75: {  	_ =	shalt  }
0x76: {  	_ =	shalt  }
0x77: {  	_ =	shalt  }
0x78: {  	_ =	shalt  }
0x79: {  	_ =	shalt  }
0x7a: {  	_ =	shalt  }
0x7b: {  	_ =	shalt  }
0x7c: {  	_ =	shalt  }
0x7d: {  	_ =	shalt  }
0x7e: {  	_ =	shalt  }
0x7f: {  	_ =	shalt  }
0x80: {  	_ =	shalt  }
0x81: {  	_ =	shalt  }
0x82: {  	_ =	shalt  }
0x83: {  	_ =	shalt  }
0x84: {  	_ =	shalt  }
0x85: {  	_ =	shalt  }
0x86: {  	_ =	shalt  }
0x87: {  	_ =	shalt  }
.Lfunc_end0:
.L_simem_size_0:
called_computation_lowered:
.L_overlay_start_0:
0x88: {  	s2 =	sld [smem:$0x3FD9]  }
0x89: {  	s3 =	sld [smem:$0x3FFE];
	_ =	sdelay $0x1  }
0x8a: {  	s1 =	srdreg.scid  }
0x8b: {  	s0 =	sand.u32 $0x1, s1  }
0x8c: {  	s18 =	sshll.u32 s0, $0xA;
	s2 =	sadd.s32 s3, s2  }
0x8d: {  	s2 =	sadd.s32 s2, s18  }
0x8e: {  	[smem:$0x3FC6] =	sst s2  }
0x8f: {  	_ = 	snop  }
0x90: {  	s2 =	sld [smem:$0x3FC9]  }
0x91: {  	s19 =	sld [smem:$0x3FC8]  }
0x92: {  	s4 =	sld [smem:$0x3FD0];
	(tm) =	ssettm $0x1  }
0x93: {  	s5 =	sld [smem:$0x3FFB];
	_ =	sdelay $0x3  }
0x94: {  	_ =	strace s5  }
0x95: {  	s5 =	sld [smem:$0x3FFC];
	_ =	sdelay $0x3  }
0x96: {  	_ =	strace s5  }
0x97: {  	s5 =	sld [smem:$0x3FFD];
	_ =	sdelay $0x3  }
0x98: {  	_ =	strace s5  }
0x99: {  	_ =	strace $0x8FFFFFFF  }
0x9a: {  	s20 =	sld [smem:$0x3FDB];
	_ =	sdelay $0x1  }
0x9b: {  	s6 =	simm.s32 $_scs_section_size  }
0x9c: {  	s7 =	simm.s32 $_size__tile_overlayer_lowered;
	s8 =	simm.s32 $_tile_overlayer_lowered  }
0x9d: {  	s23 =	simm.s32 $0x1BFF;
	s22 =	sshll.u32 s8, $0x1;
	s5 =	sadd.s32 s6, s20  }
0x9e: {  	s9 =	simm.s32 $0x0;
	s21 =	sshll.u32 s7, $0x1;
	s7 =	sadd.s32 s22, s5  }
0x9f: {  	[timem:s9], [sflag:s23] =	dma.local [hbm:s7], s21  }
0xa0: {  	_ =	swait.ge [sflag:s23], s21  }
0xa1: {  	s6 =	ssub.s32 $0x0, s21;
	[sflag:s23] =	ssyncset.done $0x0  }
0xa2: {  	[sflag:s23] =	ssyncadd.s32 s6;
	_ =	sdelay $0x1  }
0xa3: {  	s24 =	simm.s32 $0x1B8B  }
0xa4: {  	_ =	swait.ge [sflag:s24], $0x1  }
0xa5: {  	[sflag:s24] =	ssyncset.done $0x0  }
0xa6: {  	s25 =	simm.s32 $0x1B8E;
	[sflag:s24] =	ssyncadd.s32 $0xFFFFFFFF  }
0xa7: {  	s26 =	simm.s32 $execute0_lowered;
	[smem:$0x3FD2] =	sst s25  }
0xa8: {  	s6 =	sshll.u32 s26, $0x1;
	_ =	strace $0x80000046;
	[dreg:$0x1] =	wrdreg $0xFFFFFFFF  }
0xa9: {  	s28 =	simm.s32 $_size_execute0_lowered;
	s5 =	sadd.s32 s5, s6;
	[dreg:$0x0] =	wrdreg $0x0  }
0xaa: {  	s6 =	sshll.u32 s28, $0x1;
	[dreg:$0x2] =	wrdreg s5  }
0xab: {  	[dreg:$0x3] =	wrdreg s6  }
0xac: {  	[dreg:$0x4] =	wrdreg $0xC0  }
0xad: {  	_ =	task [dreg:s9], $0x5FFFF  }
0xae: {  	[dreg:$0x1] =	wrdreg $0xFFFFFFFF  }
0xaf: {  	[dreg:$0x0] =	wrdreg $0x60  }
0xb0: {  	[dreg:$0x2] =	wrdreg s2  }
0xb1: {  	[dreg:$0x3] =	wrdreg s19  }
0xb2: {  	[dreg:$0x4] =	wrdreg s4  }
0xb3: {  	[dreg:$0x5] =	wrdreg $0x9  }
0xb4: {  	_ =	task.clear_ibuf [dreg:s9], $0x6FFFF;
	_ =	strace $0x90000046  }
0xb5: {  	s29 =	simm.s32 $0x9;
	_ =	strace $0x80000048  }
0xb6: {  	_ =	swait.ge [sflag:s29], $0x1  }
0xb7: {  	[sflag:s29] =	ssyncadd.s32 $0xFFFFFFFF  }
0xb8: {  	_ =	strace $0x90000048  }
0xb9: {  	_ =	sfence  }
0xba: {  	s30 =	sld [smem:$0x0];
	_ =	sdelay $0x2  }
0xbb: {  	s31 =	sshll.u32 s1, $0xD;
	s1 =	sshrl.u32 s1, $0x2  }
0xbc: {  	s3 =	sand.u32 $0x4000, s31;
	s1 =	sadd.s32 s1, s30  }
0xbd: {  	s0 =	sor.u32 s3, s0;
	s1 =	sshll.u32 s1, $0x11  }
0xbe: {  	s0 =	sor.u32 s1, s0  }
0xbf: {  	s0 =	sadd.s32 $0x8F2B, s0  }
0xc0: {  	[sflag:s0] =	ssyncadd.remote.s32 $0x1  }
0xc1: {  	_ =	sfence.sel $0xFFFF  }
0xc2: {  	[dreg:$0x0] =	wrdreg $0xFFFFFFFF;
	(pc) =	sbr.abs _section_cstart, $3  }
0xc3: {  	[dreg:$0x1] =	wrdreg $0xFFFFFFFF  }
0xc4: {  	_ =	task.clear_ibuf [dreg:s9], $0x2FFFF;
	_ =	strace $0x9FFFFFFF  }
0xc5: {  	(tm) =	ssettm $0x7FFFFFFF  }
tec
execute0_lowered:
.L_overlay_start_1:
0x0: {  	(tag) =	ssettag $0x1  }
0x1: {  	s1 =	rddreg [dreg:$0x0]  }
0x2: {  	s0 =	srdreg.scid;
	s3 =	stileid.u32  }
0x3: {  	s4 =	rddreg [dreg:$0x2];
	s5 =	simm.s32 $0x0;
	s0 =	sand.u32 $0x1, s0  }
0x4: {  	s17 =	simm.s32 $0x800;
	s3 =	sshll.u32 s3, $0x7;
	s2 =	sshll.u32 s0, $0xB  }
0x5: {  	s18 =	simm.s32 $0x4800;
	s19 =	simm.s32 $0x8800;
	s6 =	sor.u32 s3, s2  }
0x6: {  	[smem:$0x7FF] =	sst s5;
	s0 =	ssub.s32 $0x2, s0;
	s26 =	sor.u32 $0x4, s6  }
0x7: {  	_ =	strace $0x80000047;
	s29 =	sor.u32 $0x5, s6;
	[dreg:$0x8] =	wrdreg s26  }
0x8: {  	s23 =	sshrl.u32 s0, $0x1;
	s30 =	sor.u32 $0x6, s6;
	[dreg:$0x9] =	wrdreg s29  }
0x9: {  	s2 =	sshll.u32 s6, $0xB;
	s31 =	sor.u32 $0x7, s6;
	[dreg:$0xa] =	wrdreg s30  }
0xa: {  	s0 =	ssub.s32 s0, s23;
	s2 =	sadd.s32 s1, s2;
	[dreg:$0xb] =	wrdreg s31  }
.Ltmp0:
0xb: {  	s0 =	smax.u32 s0, $0x1;
	[dreg:$0x4] =	wrdreg s2;
	(pc) =	sbr.rel .LBB2_1-.Ltmp0, $4  }
0xc: {  	s20 =	simm.s32 $0xC800;
	s24 =	sadd.s32 $0x800, s2;
	[dreg:$0xc] =	wrdreg s0  }
0xd: {  	s28 =	simm.s32 $0x4;
	s25 =	sadd.s32 $0x1000, s2;
	[dreg:$0x5] =	wrdreg s24  }
0xe: {  	s3 =	simm.s32 $0x0;
	s2 =	sadd.s32 $0x1800, s2;
	[dreg:$0x6] =	wrdreg s25  }
0xf: {  	s23 =	simm.s32 $0x2;
	[dreg:$0x7] =	wrdreg s2;
	s25 =	simm.s32 $0x3  }
.LBB2_14:
0x10: {  	s0 =	simm.s32 $0x5  }
0x11: {  	_ =	swait.ge [sflag:s0], $0x1000  }
0x12: {  	[sflag:s0] =	ssyncset.done $0x0  }
0x13: {  	s29 =	simm.s32 $0x6;
	[sflag:s0] =	ssyncadd.s32 $0xFFFFF000  }
0x14: {  	_ =	swait.ge [sflag:s29], $0x1000  }
0x15: {  	[sflag:s29] =	ssyncset.done $0x0  }
0x16: {  	s30 =	simm.s32 $0x7;
	[sflag:s29] =	ssyncadd.s32 $0xFFFFF000  }
0x17: {  	_ =	swait.ge [sflag:s30], $0x1000  }
0x18: {  	[sflag:s30] =	ssyncset.done $0x0  }
0x19: {  	s2 =	simm.s32 $0x8;
	[sflag:s30] =	ssyncadd.s32 $0xFFFFF000  }
0x1a: {  	_ =	swait.ge [sflag:s2], $0x1000  }
0x1b: {  	s3 =	rddreg [dreg:$0xd]  }
0x1c: {  	s31 =	rddreg [dreg:$0xc];
	s3 =	sadd.s32 $0x1, s3  }
0x1d: {  	p0 =	sne.s32 s3, s31  }
.Ltmp1:
0x1e: {  	_ = 	snop;
	(pc) =	sbr.rel @!p0 .LBB2_15-.Ltmp1, $3  }
0x1f: {  	_ =	sdelay $0x1  }
0x20: {  	[sflag:s2] =	ssyncset.done $0x0  }
0x21: {  	[sflag:s2] =	ssyncadd.s32 $0xFFFFF000  }
.LBB2_1:
0x22: {  	[dreg:$0xd] =	wrdreg s3  }
0x23: {  	s0 =	rddreg [dreg:$0x1];
	s31 =	simm.s32 $0x9  }
0x24: {  	[tilespmem:s5], [sflag:$0x9] =	stream.linear.gather [hbm4b:s0+s5], $0x200, $0x38;
	[tilespmem:$0x14800] =	vst v63  }
0x25: {  	_ =	swait.ge [sflag:s31], $0x200  }
0x26: {  	[sflag:s31] =	ssyncset.done $0x0  }
0x27: {  	s3 =	simm.s32 $0x0;
	[sflag:s31] =	ssyncadd.s32 $0xFFFFFE00  }
0x28: {  	v2 =	vld [tilespmem:s3+$0x0];
	_ =	sdelay $0x4  }
0x29: {  	s0 =	simm.s32 $0x10;
	v0 =	vtrunc.f32 v2  }
0x2a: {  	v1 =	vld [tilespmem:s0+$0x0];
	v0 =	vcvt.f32.s32 v0;
	_ =	sdelay $0x1  }
0x2b: {  	vm0 =	vgt.s32 v0, $0x0  }
0x2c: {  	v0 =	vnsel vm0, $0x0, v0  }
0x2d: {  	v3 =	vmin.u32 v0, $0x7FE  }
0x2e: {  	v0 =	vtrunc.f32 v1;
	v4 =	vadd.s32 $0x1, v3  }
0x2f: {  	s2 =	simm.s32 $0x20;
	v6 =	vcvt.f32.s32 v0;
	v0 =	vshll.u32 v4, $0x3  }
0x30: {  	v5 =	vcvt.s32.f32 v3;
	v8 =	vand.u32 $0x7C00, v0;
	v0 =	vld [tilespmem:s2+$0x0]  }
0x31: {  	v7 =	vshll.u32 v3, $0x3;
	v4 =	vand.u32 $0x7F, v4  }
0x32: {  	v5 =	vsub.f32 v2, v5;
	vm15 =	vgt.s32 v6, $0x0;
	v2 =	vor.u32 v4, v8  }
0x33: {  	v3 =	vand.u32 $0x7F, v3;
	v4 =	vand.u32 $0x3C00, v7;
	v6 =	vnsel vm15, $0x0, v6;
	[tilespmem:s3+$0x400] =	vst v2  }
0x34: {  	s7 =	simm.s32 $0xC0;
	v2 =	vmin.u32 v6, $0x7FE;
	[tilespmem:s3+$0x600] =	vst v5;
	v3 =	vor.u32 v3, v4  }
.LBB2_2:
0x35: {  	s8 =	sshra.s32 s7, $0x2;
	p0 =	sne.s32 s7, $0x7C0;
	s7 =	sadd.s32 $0x40, s7;
	v4 =	vtrunc.f32 v0;
	v5 =	vadd.s32 $0x1, v2;
	v6 =	vcvt.s32.f32 v2;
	[tilespmem:s3+$0x200] =	vst v3;
	v3 =	vmovc v0  }
.Ltmp2:
0x36: {  	v7 =	vshll.u32 v2, $0x3;
	s3 =	smov.u32 s0;
	s0 =	smov.u32 s2;
	v0 =	vld [tilespmem:s8+$0x0];
	v4 =	vcvt.f32.s32 v4;
	v8 =	vshll.u32 v5, $0x3;
	(pc) =	sbr.rel @p0 .LBB2_2-.Ltmp2, $4  }
0x37: {  	v5 =	vand.u32 $0x7F, v5;
	s2 =	smov.u32 s8;
	v6 =	vsub.f32 v1, v6;
	v8 =	vand.u32 $0x7C00, v8;
	v1 =	vmovc v3  }
0x38: {  	v3 =	vand.u32 $0x3C00, v7;
	vm0 =	vgt.s32 v4, $0x0;
	v5 =	vor.u32 v5, v8  }
0x39: {  	v7 =	vand.u32 $0x7F, v2;
	v4 =	vnsel vm0, $0x0, v4;
	[tilespmem:s3+$0x400] =	vst v5  }
0x3a: {  	v3 =	vor.u32 v7, v3;
	v2 =	vmin.u32 v4, $0x7FE;
	[tilespmem:s3+$0x600] =	vst v6  }
0x3b: {  	v4 =	vtrunc.f32 v0  }
0x3c: {  	v5 =	vcvt.s32.f32 v2;
	v6 =	vadd.s32 $0x1, v2;
	v4 =	vcvt.f32.s32 v4  }
0x3d: {  	v50 =	vshll.u32 v2, $0x3;
	v54 =	vand.u32 $0x7F, v2;
	v7 =	vshll.u32 v6, $0x3  }
0x3e: {  	v6 =	vand.u32 $0x7F, v6;
	v51 =	vand.u32 $0x3C00, v50;
	vm0 =	vgt.s32 v4, $0x0  }
0x3f: {  	v1 =	vsub.f32 v1, v5;
	v7 =	vand.u32 $0x7C00, v7;
	v4 =	vnsel vm0, $0x0, v4  }
0x40: {  	[tilespmem:s3+$0x200] =	vst v3;
	v57 =	vor.u32 v54, v51;
	v52 =	vor.u32 v6, v7;
	v4 =	vmin.u32 v4, $0x7FE  }
0x41: {  	[tilespmem:s0+$0x200] =	vst v57;
	v53 =	vadd.s32 $0x1, v4;
	v55 =	vcvt.s32.f32 v4;
	v60 =	vshll.u32 v4, $0x3  }
0x42: {  	[tilespmem:s0+$0x600] =	vst v1;
	v62 =	vand.u32 $0x7F, v4;
	v56 =	vshll.u32 v53, $0x3;
	v1 =	vand.u32 $0x3C00, v60  }
0x43: {  	[tilespmem:s0+$0x400] =	vst v52;
	v59 =	vand.u32 $0x7F, v53;
	v58 =	vand.u32 $0x7C00, v56;
	v63 =	vor.u32 v62, v1  }
0x44: {  	v61 =	vsub.f32 v0, v55;
	v2 =	vor.u32 v59, v58;
	[tilespmem:s2+$0x200] =	vst v63  }
0x45: {  	[tilespmem:s2+$0x400] =	vst v2  }
0x46: {  	s24 =	simm.s32 $0x0;
	s26 =	rddreg [dreg:$0x4];
	[tilespmem:s2+$0x600] =	vst v61  }
0x47: {  	[tilespmem:s17], [sflag:$0x1] =	stream.linear.gather [hbm4b:s26+s24], $0x4000, $0x38;
	[tilespmem:$0x14800] =	vst v63  }
0x48: {  	s29 =	rddreg [dreg:$0x5]  }
0x49: {  	[tilespmem:s18], [sflag:$0x2] =	stream.linear.gather [hbm4b:s29+s24], $0x4000, $0x38;
	[tilespmem:$0x14800] =	vst v63  }
0x4a: {  	s30 =	rddreg [dreg:$0x6]  }
0x4b: {  	[tilespmem:s19], [sflag:$0x3] =	stream.linear.gather [hbm4b:s30+s24], $0x4000, $0x38;
	[tilespmem:$0x14800] =	vst v63  }
0x4c: {  	s31 =	rddreg [dreg:$0x7];
	s9 =	simm.s32 $0x0  }
0x4d: {  	[tilespmem:s20], [sflag:$0x4] =	stream.linear.gather [hbm4b:s31+s24], $0x4000, $0x38;
	[tilespmem:$0x14800] =	vst v63  }
.LBB2_4:
0x4e: {  	s0 =	simm.s32 $0x1  }
0x4f: {  	_ =	swait.ge [sflag:s0], $0x4000  }
0x50: {  	p0 =	seq.s32 s9, $0x0;
	[sflag:s0] =	ssyncset.done $0x0  }
0x51: {  	[sflag:s0] =	ssyncadd.s32 $0xFFFFC000;
	s0 =	simm.s32 @!p0 $0x5  }
0x52: {  	_ =	swait.ge @!p0 [sflag:s0], $0x1000  }
0x53: {  	[sflag:s0] =	ssyncset.done @!p0 $0x0  }
0x54: {  	s22 =	simm.s32 $0x220;
	[sflag:s0] =	ssyncadd.s32 @!p0 $0xFFFFF000  }
0x55: {  	s2 =	simm.s32 $0x420;
	v4 =	vld [tilespmem:s22+$0x10]  }
0x56: {  	v5 =	vld [tilespmem:s2+$0x10];
	_ =	sdelay $0x1  }
0x57: {  	v11 =	vld [tilespmem:s22+$0xFFFFFFE0]  }
0x58: {  	s3 =	simm.s32 $0x620;
	v6 =	vld [tilespmem:s2+$0x0]  }
0x59: {  	v0 =	vld [tilespmem:s3+$0x10]  }
0x5a: {  	v16 =	vld [tilespmem:s2+$0xFFFFFFF0]  }
0x5b: {  	v9 =	vld [tilespmem:s2+$0xFFFFFFE0]  }
0x5c: {  	v3 =	vld.idx.msk [tilespmem:v4+s17+$0x0], $0xffff  }
0x5d: {  	v2 =	vld.idx.msk [tilespmem:v5+s17+$0x0], $0xffff  }
0x5e: {  	v18 =	vld [tilespmem:s22+$0xFFFFFFF0]  }
0x5f: {  	v8 =	vld [tilespmem:s22+$0x0]  }
0x60: {  	v1 =	vld [tilespmem:s3+$0x0]  }
0x61: {  	v7 =	vld.idx.msk [tilespmem:v6+s17+$0x0], $0xffff  }
0x62: {  	v10 =	vld.idx.msk [tilespmem:v11+s17+$0x0], $0xffff;
	v2 =	vsub.f32 v2, v3  }
0x63: {  	v12 =	vld.idx.msk [tilespmem:v9+s17+$0x0], $0xffff  }
0x64: {  	s7 =	simm.s32 $0x0;
	v15 =	vadd.s32 $0x80, v4;
	v14 =	vld.idx.msk [tilespmem:v16+s17+$0x0], $0xffff;
	v13 =	vmul.f32 v2, v0  }
0x65: {  	s26 =	simm.s32 $0x30;
	s24 =	sand.u32 $0xC00, s7;
	v17 =	vadd.s32 $0x80, v5;
	v2 =	vld [tilespmem:s3+$0xFFFFFFE0]  }
0x66: {  	s0 =	sadd.s32 $0x10800, s24;
	s2 =	sand.u32 $0x70, s26;
	v19 =	vld.idx.msk [tilespmem:v18+s17+$0x0], $0xffff;
	v13 =	vadd.f32 v13, v3  }
0x67: {  	s15 =	sor.u32 s2, s0;
	v20 =	vld.idx.msk [tilespmem:v8+s17+$0x0], $0xffff  }
0x68: {  	v12 =	vsub.f32 v12, v10;
	v3 =	vld [tilespmem:s3+$0xFFFFFFF0];
	[tilespmem:s15+$0x0] =	vst v13  }
0x69: {  	v13 =	vld.idx.msk [tilespmem:v15+s17+$0x0], $0xffff  }
0x6a: {  	v15 =	vadd.s32 $0x80, v11;
	v17 =	vld.idx.msk [tilespmem:v17+s17+$0x0], $0xffff;
	v12 =	vmul.f32 v12, v2  }
0x6b: {  	v21 =	vadd.s32 $0x80, v9;
	v14 =	vsub.f32 v14, v19  }
0x6c: {  	s7 =	sand.u32 $0x40, s7;
	v10 =	vadd.f32 v12, v10  }
0x6d: {  	s7 =	sor.u32 s7, s0;
	v7 =	vsub.f32 v7, v20;
	v12 =	vadd.s32 $0x80, v16;
	v14 =	vmul.f32 v14, v3  }
0x6e: {  	s8 =	simm.s32 $0x10;
	v22 =	vadd.s32 $0x80, v18;
	[tilespmem:s7+$0x0] =	vst v10  }
0x6f: {  	s2 =	sand.u32 $0x50, s8;
	v7 =	vmul.f32 v7, v1;
	v14 =	vadd.f32 v14, v19;
	v17 =	vsub.f32 v17, v13;
	v15 =	vld.idx.msk [tilespmem:v15+s17+$0x0], $0xffff  }
0x70: {  	s10 =	simm.s32 $0x20;
	s30 =	sor.u32 s2, s0;
	v10 =	vadd.s32 $0x80, v8;
	v21 =	vld.idx.msk [tilespmem:v21+s17+$0x0], $0xffff  }
0x71: {  	s11 =	sand.u32 $0x60, s10;
	v7 =	vadd.f32 v7, v20;
	v19 =	vadd.s32 $0x80, v6;
	[tilespmem:s30+$0x0] =	vst v14;
	v14 =	vmul.f32 v17, v0  }
0x72: {  	s16 =	sor.u32 s11, s0;
	v12 =	vld.idx.msk [tilespmem:v12+s17+$0x0], $0xffff  }
0x73: {  	[tilespmem:s16+$0x0] =	vst v7;
	v20 =	vld.idx.msk [tilespmem:v22+s17+$0x0], $0xffff;
	v7 =	vadd.f32 v14, v13  }
0x74: {  	v17 =	vadd.s32 $0x100, v4  }
0x75: {  	v22 =	vld.idx.msk [tilespmem:v10+s17+$0x0], $0xffff;
	[tilespmem:s15+$0x80] =	vst v7;
	v7 =	vsub.f32 v21, v15  }
0x76: {  	s24 =	simm.s32 $0x260;
	v10 =	vld.idx.msk [tilespmem:v19+s17+$0x0], $0xffff;
	v19 =	vadd.s32 $0x100, v5  }
0x77: {  	s26 =	simm.s32 $0x460;
	v23 =	vadd.s32 $0x100, v11;
	v14 =	vld [tilespmem:s24+$0xFFFFFFE0];
	v21 =	vmul.f32 v7, v2  }
0x78: {  	v24 =	vadd.s32 $0x100, v9;
	v13 =	vld [tilespmem:s26+$0x0];
	v12 =	vsub.f32 v12, v20  }
0x79: {  	s29 =	simm.s32 $0x660;
	v17 =	vld.idx.msk [tilespmem:v17+s17+$0x0], $0xffff;
	v15 =	vadd.f32 v21, v15  }
0x7a: {  	v26 =	vadd.s32 $0x100, v16;
	v7 =	vld [tilespmem:s29+$0x0];
	v12 =	vmul.f32 v12, v3  }
0x7b: {  	v19 =	vld.idx.msk [tilespmem:v19+s17+$0x0], $0xffff;
	v25 =	vsub.f32 v10, v22;
	v21 =	vadd.s32 $0x100, v18;
	[tilespmem:s7+$0x80] =	vst v15  }
0x7c: {  	v12 =	vadd.f32 v12, v20;
	v23 =	vld.idx.msk [tilespmem:v23+s17+$0x0], $0xffff  }
0x7d: {  	v20 =	vmul.f32 v25, v1;
	v24 =	vld.idx.msk [tilespmem:v24+s17+$0x0], $0xffff  }
0x7e: {  	v10 =	vld [tilespmem:s29+$0xFFFFFFF0];
	[tilespmem:s30+$0x80] =	vst v12  }
0x7f: {  	v20 =	vadd.f32 v20, v22;
	v22 =	vld.idx.msk [tilespmem:v26+s17+$0x0], $0xffff  }
0x80: {  	v19 =	vsub.f32 v19, v17;
	v21 =	vld.idx.msk [tilespmem:v21+s17+$0x0], $0xffff  }
0x81: {  	v15 =	vld [tilespmem:s24+$0x10]  }
0x82: {  	v29 =	vld.idx.msk [tilespmem:v13+s17+$0x0], $0xffff;
	v26 =	vadd.s32 $0x180, v4;
	[tilespmem:s16+$0x80] =	vst v20;
	v20 =	vmul.f32 v19, v0;
	v24 =	vsub.f32 v24, v23  }
0x83: {  	v27 =	vadd.s32 $0x180, v5;
	v52 =	vld.idx.msk [tilespmem:v14+s17+$0x0], $0xffff  }
0x84: {  	v12 =	vld [tilespmem:s29+$0x10];
	v17 =	vadd.f32 v20, v17;
	v24 =	vmul.f32 v24, v2  }
0x85: {  	v28 =	vadd.s32 $0x180, v11;
	v20 =	vld [tilespmem:s24+$0x0];
	v22 =	vsub.f32 v22, v21  }
0x86: {  	v30 =	vadd.s32 $0x180, v9;
	[tilespmem:s15+$0x100] =	vst v17;
	v17 =	vld [tilespmem:s26+$0x10];
	v23 =	vadd.f32 v24, v23  }
0x87: {  	v26 =	vld.idx.msk [tilespmem:v26+s17+$0x0], $0xffff;
	v22 =	vmul.f32 v22, v3;
	v24 =	vadd.s32 $0x180, v18  }
0x88: {  	[tilespmem:s7+$0x100] =	vst v23;
	v23 =	vld.idx.msk [tilespmem:v27+s17+$0x0], $0xffff;
	v27 =	vadd.s32 $0x180, v16  }
0x89: {  	v22 =	vadd.f32 v22, v21;
	v21 =	vld [tilespmem:s26+$0xFFFFFFF0]  }
0x8a: {  	v25 =	vadd.s32 $0x100, v8;
	v28 =	vld.idx.msk [tilespmem:v28+s17+$0x0], $0xffff  }
0x8b: {  	v30 =	vld.idx.msk [tilespmem:v30+s17+$0x0], $0xffff;
	[tilespmem:s30+$0x100] =	vst v22  }
0x8c: {  	v31 =	vadd.s32 $0x100, v6;
	v22 =	vld.idx.msk [tilespmem:v24+s17+$0x0], $0xffff  }
0x8d: {  	v24 =	vld.idx.msk [tilespmem:v27+s17+$0x0], $0xffff  }
0x8e: {  	v19 =	vld [tilespmem:s24+$0xFFFFFFF0]  }
0x8f: {  	v25 =	vld.idx.msk [tilespmem:v25+s17+$0x0], $0xffff  }
0x90: {  	v34 =	vld.idx.msk [tilespmem:v20+s17+$0x0], $0xffff;
	v23 =	vsub.f32 v23, v26  }
0x91: {  	v27 =	vld.idx.msk [tilespmem:v31+s17+$0x0], $0xffff;
	v30 =	vsub.f32 v30, v28  }
0x92: {  	v33 =	vadd.s32 $0x200, v5;
	v32 =	vld.idx.msk [tilespmem:v17+s17+$0x0], $0xffff;
	v23 =	vmul.f32 v23, v0;
	v24 =	vsub.f32 v24, v22  }
0x93: {  	v36 =	vadd.s32 $0x200, v4;
	v31 =	vld.idx.msk [tilespmem:v15+s17+$0x0], $0xffff;
	v30 =	vmul.f32 v30, v2  }
0x94: {  	v37 =	vadd.s32 $0x200, v18;
	v26 =	vadd.f32 v23, v26;
	v23 =	vld [tilespmem:s26+$0xFFFFFFE0];
	v24 =	vmul.f32 v24, v3  }
0x95: {  	v51 =	vadd.s32 $0x200, v16;
	v28 =	vadd.f32 v30, v28;
	v30 =	vld.idx.msk [tilespmem:v21+s17+$0x0], $0xffff  }
0x96: {  	v35 =	vadd.s32 $0x200, v11;
	v27 =	vsub.f32 v27, v25;
	[tilespmem:s15+$0x180] =	vst v26;
	v26 =	vld.idx.msk [tilespmem:v19+s17+$0x0], $0xffff;
	v22 =	vadd.f32 v24, v22  }
0x97: {  	[tilespmem:s7+$0x180] =	vst v28;
	v28 =	vld.idx.msk [tilespmem:v33+s17+$0x0], $0xffff  }
0x98: {  	v53 =	vadd.s32 $0x180, v6;
	v32 =	vsub.f32 v32, v31;
	v27 =	vmul.f32 v27, v1;
	v24 =	vld.idx.msk [tilespmem:v36+s17+$0x0], $0xffff;
	[tilespmem:s30+$0x180] =	vst v22  }
0x99: {  	v39 =	vadd.s32 $0x180, v8;
	v37 =	vld.idx.msk [tilespmem:v37+s17+$0x0], $0xffff  }
0x9a: {  	s14 =	simm.s32 $0x200;
	v25 =	vadd.f32 v27, v25;
	v27 =	vmul.f32 v32, v12;
	v33 =	vld.idx.msk [tilespmem:v51+s17+$0x0], $0xffff  }
0x9b: {  	s13 =	simm.s32 $0x70;
	s12 =	sand.u32 $0xC00, s14;
	v54 =	vadd.s32 $0x80, v15;
	v29 =	vsub.f32 v29, v34;
	v38 =	vld.idx.msk [tilespmem:v35+s17+$0x0], $0xffff  }
0x9c: {  	s0 =	sadd.s32 $0x10800, s12;
	s2 =	sand.u32 $0x70, s13;
	v27 =	vadd.f32 v27, v31;
	[tilespmem:s16+$0x100] =	vst v25;
	v31 =	vadd.s32 $0x200, v9;
	v25 =	vld.idx.msk [tilespmem:v23+s17+$0x0], $0xffff  }
0x9d: {  	s31 =	sor.u32 s2, s0;
	v40 =	vadd.s32 $0x80, v17;
	v29 =	vmul.f32 v29, v7;
	v30 =	vsub.f32 v30, v26;
	v36 =	vld.idx.msk [tilespmem:v53+s17+$0x0], $0xffff  }
0x9e: {  	s21 =	simm.s32 $0x60;
	v55 =	vadd.s32 $0x80, v13;
	v41 =	vadd.s32 $0x80, v20;
	[tilespmem:s31+$0x0] =	vst v27;
	v27 =	vld.idx.msk [tilespmem:v39+s17+$0x0], $0xffff;
	v28 =	vsub.f32 v28, v24  }
0x9f: {  	s2 =	sand.u32 $0x60, s21;
	v29 =	vadd.f32 v29, v34;
	v22 =	vld [tilespmem:s29+$0xFFFFFFE0];
	v30 =	vmul.f32 v30, v10;
	v33 =	vsub.f32 v33, v37  }
0xa0: {  	s22 =	simm.s32 $0x50;
	s2 =	sor.u32 s2, s0;
	v56 =	vadd.s32 $0x280, v4;
	v32 =	vld.idx.msk [tilespmem:v54+s17+$0x0], $0xffff;
	v28 =	vmul.f32 v28, v0  }
0xa1: {  	s10 =	sand.u32 $0x50, s22;
	v61 =	vadd.s32 $0x80, v19;
	[tilespmem:s2+$0x0] =	vst v29;
	v26 =	vadd.f32 v30, v26;
	v29 =	vld.idx.msk [tilespmem:v31+s17+$0x0], $0xffff;
	v31 =	vmul.f32 v33, v3  }
0xa2: {  	s22 =	sor.u32 s10, s0;
	v40 =	vld.idx.msk [tilespmem:v40+s17+$0x0], $0xffff;
	v25 =	vsub.f32 v25, v52;
	v24 =	vadd.f32 v28, v24;
	v28 =	vadd.s32 $0x280, v5  }
0xa3: {  	v58 =	vadd.s32 $0x80, v21;
	v41 =	vld.idx.msk [tilespmem:v41+s17+$0x0], $0xffff;
	[tilespmem:s22+$0x0] =	vst v26;
	v36 =	vsub.f32 v36, v27;
	v31 =	vadd.f32 v31, v37  }
0xa4: {  	v42 =	vadd.s32 $0x280, v18;
	v39 =	vld.idx.msk [tilespmem:v55+s17+$0x0], $0xffff;
	v25 =	vmul.f32 v25, v22;
	[tilespmem:s15+$0x200] =	vst v24  }
0xa5: {  	s11 =	simm.s32 $0x40;
	v43 =	vadd.s32 $0x280, v16;
	v24 =	vld.idx.msk [tilespmem:v56+s17+$0x0], $0xffff;
	[tilespmem:s30+$0x200] =	vst v31;
	v31 =	vmul.f32 v36, v1  }
0xa6: {  	s8 =	sand.u32 $0x40, s11;
	v30 =	vadd.s32 $0x200, v6;
	v25 =	vadd.f32 v25, v52;
	v37 =	vld.idx.msk [tilespmem:v61+s17+$0x0], $0xffff  }
0xa7: {  	s3 =	sor.u32 s8, s0;
	v57 =	vadd.s32 $0x80, v14;
	v40 =	vsub.f32 v40, v32;
	v60 =	vld.idx.msk [tilespmem:v28+s17+$0x0], $0xffff;
	v27 =	vadd.f32 v31, v27  }
0xa8: {  	v59 =	vadd.s32 $0x200, v8;
	[tilespmem:s3+$0x0] =	vst v25;
	v25 =	vsub.f32 v29, v38;
	v29 =	vld.idx.msk [tilespmem:v58+s17+$0x0], $0xffff  }
0xa9: {  	v26 =	vmul.f32 v40, v12;
	v28 =	vld.idx.msk [tilespmem:v42+s17+$0x0], $0xffff;
	v31 =	vadd.s32 $0x100, v15;
	[tilespmem:s16+$0x180] =	vst v27;
	v27 =	vsub.f32 v39, v41  }
0xaa: {  	v62 =	vadd.s32 $0x280, v9;
	v43 =	vld.idx.msk [tilespmem:v43+s17+$0x0], $0xffff;
	v25 =	vmul.f32 v25, v2  }
0xab: {  	v32 =	vadd.f32 v26, v32;
	v26 =	vld.idx.msk [tilespmem:v30+s17+$0x0], $0xffff;
	v30 =	vmul.f32 v27, v7;
	v27 =	vadd.s32 $0x80, v23  }
0xac: {  	v35 =	vld.idx.msk [tilespmem:v57+s17+$0x0], $0xffff;
	v25 =	vadd.f32 v25, v38  }
0xad: {  	[tilespmem:s31+$0x80] =	vst v32;
	v33 =	vld.idx.msk [tilespmem:v59+s17+$0x0], $0xffff;
	v63 =	vsub.f32 v60, v24  }
0xae: {  	s10 =	sshll.u32 s9, $0x2;
	[tilespmem:s7+$0x200] =	vst v25;
	v32 =	vld.idx.msk [tilespmem:v31+s17+$0x0], $0xffff  }
0xaf: {  	s12 =	simm.s32 $0x4;
	s0 =	sadd.s32 s6, s10;
	v25 =	vmul.f32 v63, v0;
	v31 =	vld.idx.msk [tilespmem:v62+s17+$0x0], $0xffff;
	v36 =	vadd.f32 v30, v41;
	v30 =	vsub.f32 v43, v28  }
.LBB2_5:
0xb0: {  	v38 =	vld.idx.msk [tilespmem:v27+s17+$0x0], $0xffff;
	s29 =	sadd.s32 $0x40, s29;
	s26 =	sadd.s32 $0x40, s26;
	s24 =	sadd.s32 $0x40, s24  }
0xb1: {  	s12 =	sadd.s32 $0x4, s12;
	v34 =	vld [tilespmem:s24+$0xFFFFFFE0];
	v39 =	vmul.f32 v30, v3  }
0xb2: {  	v40 =	vadd.s32 $0x280, v11;
	p1 =	slt.u32 s12, $0x1C;
	v26 =	vsub.f32 v26, v33;
	v30 =	vld [tilespmem:s26+$0x0]  }
0xb3: {  	v42 =	vadd.s32 $0x100, v17;
	v41 =	vsub.f32 v29, v37;
	v27 =	vld [tilespmem:s29+$0x0]  }
0xb4: {  	v43 =	vadd.s32 $0x300, v18;
	v39 =	vadd.f32 v39, v28;
	v44 =	vmul.f32 v26, v1;
	v29 =	vld [tilespmem:s29+$0xFFFFFFF0]  }
0xb5: {  	v45 =	vadd.s32 $0x280, v8;
	v41 =	vmul.f32 v41, v10;
	v28 =	vld [tilespmem:s24+$0x10]  }
0xb6: {  	v38 =	vsub.f32 v38, v35;
	v33 =	vadd.f32 v44, v33;
	v26 =	vld [tilespmem:s29+$0x10];
	[tilespmem:s30+$0x280] =	vst v39;
	v39 =	vadd.s32 $0x280, v6  }
0xb7: {  	v37 =	vadd.f32 v41, v37;
	v41 =	vadd.s32 $0x300, v16;
	v40 =	vld.idx.msk [tilespmem:v40+s17+$0x0], $0xffff  }
0xb8: {  	v44 =	vadd.s32 $0x100, v14;
	v38 =	vmul.f32 v38, v22;
	v42 =	vld.idx.msk [tilespmem:v42+s17+$0x0], $0xffff;
	[tilespmem:s16+$0x200] =	vst v33  }
0xb9: {  	v33 =	vadd.s32 $0x100, v20;
	v43 =	vld.idx.msk [tilespmem:v43+s17+$0x0], $0xffff  }
0xba: {  	v35 =	vadd.f32 v38, v35;
	[tilespmem:s22+$0x80] =	vst v37;
	v37 =	vadd.s32 $0x100, v19;
	v38 =	vld.idx.msk [tilespmem:v45+s17+$0x0], $0xffff  }
0xbb: {  	v39 =	vld.idx.msk [tilespmem:v39+s17+$0x0], $0xffff  }
0xbc: {  	[tilespmem:s3+$0x80] =	vst v35;
	v35 =	vadd.s32 $0x100, v21;
	v41 =	vld.idx.msk [tilespmem:v41+s17+$0x0], $0xffff  }
0xbd: {  	v45 =	vadd.s32 $0x100, v23;
	v31 =	vsub.f32 v31, v40;
	v44 =	vld.idx.msk [tilespmem:v44+s17+$0x0], $0xffff;
	[tilespmem:s2+$0x80] =	vst v36  }
0xbe: {  	v36 =	vsub.f32 v42, v32;
	v33 =	vld.idx.msk [tilespmem:v33+s17+$0x0], $0xffff  }
0xbf: {  	v42 =	vadd.s32 $0x300, v11;
	v31 =	vmul.f32 v31, v2;
	v37 =	vld.idx.msk [tilespmem:v37+s17+$0x0], $0xffff  }
0xc0: {  	v36 =	vmul.f32 v36, v12;
	v46 =	vld [tilespmem:s24+$0xFFFFFFF0]  }
0xc1: {  	v31 =	vadd.f32 v31, v40;
	v40 =	vadd.s32 $0x300, v9;
	v39 =	vsub.f32 v39, v38;
	v35 =	vld.idx.msk [tilespmem:v35+s17+$0x0], $0xffff  }
0xc2: {  	v32 =	vadd.f32 v36, v32;
	v36 =	vadd.s32 $0x180, v15;
	v41 =	vsub.f32 v41, v43;
	v45 =	vld.idx.msk [tilespmem:v45+s17+$0x0], $0xffff  }
0xc3: {  	v48 =	vadd.s32 $0x300, v8;
	v39 =	vmul.f32 v39, v1;
	v47 =	vld [tilespmem:s24+$0x0];
	[tilespmem:s7+$0x280] =	vst v31  }
0xc4: {  	v41 =	vmul.f32 v41, v3;
	[tilespmem:s31+$0x100] =	vst v32;
	v32 =	vld.idx.msk [tilespmem:v42+s17+$0x0], $0xffff  }
0xc5: {  	v38 =	vadd.f32 v39, v38;
	v31 =	vld.idx.msk [tilespmem:v30+s17+$0x0], $0xffff  }
0xc6: {  	v39 =	vadd.s32 $0x100, v13;
	v41 =	vadd.f32 v41, v43;
	v40 =	vld.idx.msk [tilespmem:v40+s17+$0x0], $0xffff  }
0xc7: {  	v42 =	vadd.s32 $0x380, v18;
	v18 =	vmovc v19;
	v19 =	vmov v46;
	v35 =	vsub.f32 v35, v37;
	v36 =	vld.idx.msk [tilespmem:v36+s17+$0x0], $0xffff;
	[tilespmem:s16+$0x280] =	vst v38  }
0xc8: {  	v38 =	vsub.f32 v45, v44;
	[tilespmem:s30+$0x300] =	vst v41;
	v41 =	vld.idx.msk [tilespmem:v48+s17+$0x0], $0xffff  }
0xc9: {  	v45 =	vadd.s32 $0x180, v17;
	v35 =	vmul.f32 v35, v10;
	v43 =	vld [tilespmem:s26+$0x10]  }
0xca: {  	v48 =	vadd.s32 $0x300, v6;
	v38 =	vmul.f32 v38, v22;
	v46 =	vld [tilespmem:s26+$0xFFFFFFF0]  }
0xcb: {  	v49 =	vadd.s32 $0x180, v14;
	v35 =	vadd.f32 v35, v37;
	v37 =	vld.idx.msk [tilespmem:v39+s17+$0x0], $0xffff  }
0xcc: {  	v38 =	vadd.f32 v38, v44;
	v39 =	vsub.f32 v40, v32;
	v40 =	vld.idx.msk [tilespmem:v42+s17+$0x0], $0xffff;
	v42 =	vadd.s32 $0x380, v16;
	v16 =	vmovc v21  }
0xcd: {  	v44 =	vld.idx.msk [tilespmem:v28+s17+$0x0], $0xffff;
	[tilespmem:s22+$0x100] =	vst v35  }
0xce: {  	v35 =	vadd.s32 $0x180, v23;
	v39 =	vmul.f32 v39, v2;
	[tilespmem:s3+$0x100] =	vst v38;
	v38 =	vld.idx.msk [tilespmem:v45+s17+$0x0], $0xffff  }
0xcf: {  	v45 =	vadd.s32 $0x380, v11;
	v11 =	vmovc v14;
	v14 =	vmov v34;
	v48 =	vld.idx.msk [tilespmem:v48+s17+$0x0], $0xffff;
	v21 =	vmov v46  }
0xd0: {  	v46 =	vadd.s32 $0x180, v18;
	v32 =	vadd.f32 v39, v32;
	v34 =	vld.idx.msk [tilespmem:v49+s17+$0x0], $0xffff  }
0xd1: {  	v39 =	vadd.s32 $0x180, v16;
	v42 =	vld.idx.msk [tilespmem:v42+s17+$0x0], $0xffff  }
0xd2: {  	v37 =	vsub.f32 v37, v33;
	v49 =	vld.idx.msk [tilespmem:v43+s17+$0x0], $0xffff;
	[tilespmem:s7+$0x300] =	vst v32;
	v32 =	vadd.s32 $0x380, v9;
	v9 =	vmov v23  }
0xd3: {  	v23 =	vld.idx.msk [tilespmem:v35+s17+$0x0], $0xffff  }
0xd4: {  	v35 =	vmul.f32 v37, v7;
	v37 =	vsub.f32 v38, v36;
	v38 =	vld.idx.msk [tilespmem:v45+s17+$0x0], $0xffff;
	v45 =	vadd.s32 $0x300, v5  }
0xd5: {  	v50 =	vadd.s32 $0x300, v4;
	v48 =	vsub.f32 v48, v41;
	v46 =	vld.idx.msk [tilespmem:v46+s17+$0x0], $0xffff  }
0xd6: {  	v24 =	vadd.f32 v25, v24;
	v33 =	vadd.f32 v35, v33;
	v35 =	vmul.f32 v37, v12;
	v39 =	vld.idx.msk [tilespmem:v39+s17+$0x0], $0xffff  }
0xd7: {  	v37 =	vmul.f32 v48, v1;
	v25 =	vld.idx.msk [tilespmem:v32+s17+$0x0], $0xffff;
	v32 =	vsub.f32 v42, v40;
	v42 =	vadd.s32 $0x380, v8;
	v8 =	vmovc v20  }
0xd8: {  	v51 =	vadd.f32 v35, v36;
	v35 =	vadd.s32 $0x380, v6;
	v6 =	vmovc v13;
	v13 =	vmov v30;
	v48 =	vld.idx.msk [tilespmem:v47+s17+$0x0], $0xffff;
	[tilespmem:s15+$0x280] =	vst v24  }
0xd9: {  	v24 =	vsub.f32 v23, v34;
	v30 =	vmul.f32 v32, v3;
	v32 =	vadd.f32 v37, v41;
	v36 =	vld.idx.msk [tilespmem:v45+s17+$0x0], $0xffff  }
0xda: {  	v20 =	vmovc v47;
	v37 =	vsub.f32 v49, v44;
	v3 =	vmov v10;
	v10 =	vmov v29;
	[tilespmem:s31+$0x180] =	vst v51;
	v41 =	vld.idx.msk [tilespmem:v50+s17+$0x0], $0xffff  }
0xdb: {  	v29 =	vadd.s32 $0x200, v17;
	v24 =	vmul.f32 v24, v22;
	v23 =	vld [tilespmem:s26+$0xFFFFFFE0];
	v30 =	vadd.f32 v30, v40;
	[tilespmem:s16+$0x300] =	vst v32  }
0xdc: {  	v32 =	vmul.f32 v37, v26;
	v37 =	vadd.s32 $0x200, v11;
	v39 =	vsub.f32 v39, v46;
	v40 =	vld.idx.msk [tilespmem:v42+s17+$0x0], $0xffff  }
0xdd: {  	v24 =	vadd.f32 v24, v34;
	v34 =	vadd.s32 $0x200, v15;
	v25 =	vsub.f32 v25, v38;
	[tilespmem:s30+$0x380] =	vst v30;
	v30 =	vld.idx.msk [tilespmem:v35+s17+$0x0], $0xffff;
	s30 =	smov.u32 s22  }
0xde: {  	v32 =	vadd.f32 v32, v44;
	v39 =	vmul.f32 v39, v3;
	v35 =	vld.idx.msk [tilespmem:v21+s17+$0x0], $0xffff  }
0xdf: {  	v44 =	vmul.f32 v25, v2;
	v2 =	vmov v22;
	v42 =	vld.idx.msk [tilespmem:v19+s17+$0x0], $0xffff;
	[tilespmem:s3+$0x180] =	vst v24;
	v24 =	vadd.s32 $0x200, v18  }
0xe0: {  	v22 =	vadd.f32 v39, v46;
	v36 =	vsub.f32 v36, v41;
	v29 =	vld.idx.msk [tilespmem:v29+s17+$0x0], $0xffff  }
0xe1: {  	v38 =	vadd.f32 v44, v38;
	v25 =	vld.idx.msk [tilespmem:v37+s17+$0x0], $0xffff;
	v37 =	vadd.s32 $0x200, v16  }
0xe2: {  	[tilespmem:s30+$0x180] =	vst v22;
	v34 =	vld.idx.msk [tilespmem:v34+s17+$0x0], $0xffff;
	v22 =	vmul.f32 v36, v0;
	v36 =	vadd.s32 $0x380, v5;
	v5 =	vmovc v17;
	v17 =	vmov v43  }
0xe3: {  	s14 =	sadd.s32 $0x200, s14;
	s11 =	sadd.s32 $0x40, s11;
	v30 =	vsub.f32 v30, v40;
	v39 =	vld.idx.msk [tilespmem:v14+s17+$0x0], $0xffff;
	[tilespmem:s7+$0x380] =	vst v38;
	s7 =	smov.u32 s3  }
0xe4: {  	v43 =	vadd.s32 $0x380, v4;
	v4 =	vmovc v15;
	v15 =	vmovc v28;
	v38 =	vadd.s32 $0x180, v6;
	v24 =	vld.idx.msk [tilespmem:v24+s17+$0x0], $0xffff;
	v41 =	vadd.f32 v22, v41  }
0xe5: {  	v28 =	vsub.f32 v31, v48;
	v31 =	vadd.s32 $0x180, v8;
	v30 =	vmul.f32 v30, v1;
	v1 =	vmovc v7;
	v7 =	vmovc v27;
	v22 =	vld [tilespmem:s29+$0xFFFFFFE0]  }
0xe6: {  	s8 =	sadd.s32 $0x30, s11;
	s3 =	sand.u32 $0xC00, s14;
	v27 =	vadd.s32 $0x80, v15;
	v37 =	vld.idx.msk [tilespmem:v37+s17+$0x0], $0xffff;
	[tilespmem:s15+$0x300] =	vst v41  }
0xe7: {  	s8 =	sand.u32 $0x70, s8;
	s3 =	sadd.s32 $0x10800, s3;
	v28 =	vmul.f32 v28, v7;
	v41 =	vadd.s32 $0x80, v17;
	v30 =	vadd.f32 v30, v40;
	[tilespmem:s2+$0x100] =	vst v33;
	v33 =	vld.idx.msk [tilespmem:v36+s17+$0x0], $0xffff  }
0xe8: {  	s13 =	sor.u32 s8, s3;
	v29 =	vsub.f32 v29, v34;
	v36 =	vld.idx.msk [tilespmem:v23+s17+$0x0], $0xffff  }
0xe9: {  	s8 =	sadd.s32 $0x20, s11;
	v40 =	vadd.s32 $0x80, v21;
	v28 =	vadd.f32 v28, v48;
	[tilespmem:s13+$0x0] =	vst v32;
	v32 =	vadd.s32 $0x200, v9;
	v38 =	vld.idx.msk [tilespmem:v38+s17+$0x0], $0xffff  }
0xea: {  	v44 =	vadd.s32 $0x80, v20;
	v35 =	vsub.f32 v35, v42;
	s8 =	sand.u32 $0x60, s8;
	v29 =	vmul.f32 v29, v12;
	v31 =	vld.idx.msk [tilespmem:v31+s17+$0x0], $0xffff;
	[tilespmem:s16+$0x380] =	vst v30;
	s16 =	smov.u32 s2  }
0xeb: {  	v45 =	vadd.s32 $0x280, v18;
	v46 =	vadd.s32 $0x280, v4;
	s2 =	sor.u32 s8, s3;
	v30 =	vadd.s32 $0x80, v13;
	v43 =	vld.idx.msk [tilespmem:v43+s17+$0x0], $0xffff  }
0xec: {  	v47 =	vadd.s32 $0x80, v14;
	v35 =	vmul.f32 v35, v10;
	[tilespmem:s2+$0x0] =	vst v28;
	v48 =	vld.idx.msk [tilespmem:v27+s17+$0x0], $0xffff;
	v28 =	vsub.f32 v37, v24  }
0xed: {  	v29 =	vadd.f32 v29, v34;
	v34 =	vadd.s32 $0x280, v5;
	v27 =	vadd.s32 $0x80, v23;
	v37 =	vld.idx.msk [tilespmem:v41+s17+$0x0], $0xffff  }
0xee: {  	v35 =	vadd.f32 v35, v42;
	s8 =	sadd.s32 $0x10, s11;
	v36 =	vsub.f32 v36, v39;
	v32 =	vld.idx.msk [tilespmem:v32+s17+$0x0], $0xffff;
	v28 =	vmul.f32 v28, v3  }
0xef: {  	v42 =	vadd.s32 $0x280, v16;
	s8 =	sand.u32 $0x50, s8;
	v41 =	vld.idx.msk [tilespmem:v44+s17+$0x0], $0xffff;
	[tilespmem:s31+$0x200] =	vst v29  }
0xf0: {  	s22 =	sor.u32 s8, s3;
	v29 =	vmul.f32 v36, v22;
	v36 =	vsub.f32 v38, v31;
	v30 =	vld.idx.msk [tilespmem:v30+s17+$0x0], $0xffff;
	v28 =	vadd.f32 v28, v24  }
0xf1: {  	v38 =	vadd.s32 $0x200, v6;
	v33 =	vsub.f32 v33, v43;
	[tilespmem:s22+$0x0] =	vst v35;
	v24 =	vld.idx.msk [tilespmem:v46+s17+$0x0], $0xffff  }
0xf2: {  	s8 =	sand.u32 $0x40, s11;
	v29 =	vadd.f32 v29, v39;
	v35 =	vmul.f32 v36, v1;
	v36 =	vadd.s32 $0x200, v8;
	[tilespmem:s30+$0x200] =	vst v28;
	v34 =	vld.idx.msk [tilespmem:v34+s17+$0x0], $0xffff  }
0xf3: {  	s3 =	sor.u32 s8, s3;
	v39 =	vadd.s32 $0x80, v19;
	v37 =	vsub.f32 v37, v48;
	v33 =	vmul.f32 v33, v0;
	v0 =	vmovc v12;
	v28 =	vld.idx.msk [tilespmem:v45+s17+$0x0], $0xffff  }
0xf4: {  	v12 =	vmov v26;
	v32 =	vsub.f32 v32, v25;
	v31 =	vadd.f32 v35, v31;
	[tilespmem:s3+$0x0] =	vst v29;
	v42 =	vld.idx.msk [tilespmem:v42+s17+$0x0], $0xffff  }
0xf5: {  	v44 =	vadd.s32 $0x100, v15;
	v26 =	vmul.f32 v37, v12;
	v37 =	vadd.f32 v33, v43;
	v35 =	vld.idx.msk [tilespmem:v47+s17+$0x0], $0xffff  }
0xf6: {  	v30 =	vsub.f32 v30, v41;
	v32 =	vmul.f32 v32, v2;
	v29 =	vld.idx.msk [tilespmem:v40+s17+$0x0], $0xffff;
	v40 =	vadd.s32 $0x280, v9;
	[tilespmem:s16+$0x180] =	vst v31  }
.Ltmp3:
0xf7: {  	v31 =	vadd.f32 v26, v48;
	v33 =	vld.idx.msk [tilespmem:v36+s17+$0x0], $0xffff;
	[tilespmem:s15+$0x380] =	vst v37;
	s15 =	smov.u32 s31;
	s31 =	smov.u32 s13;
	(pc) =	sbr.rel @p1 .LBB2_5-.Ltmp3, $4  }
0xf8: {  	v30 =	vmul.f32 v30, v7;
	v25 =	vadd.f32 v32, v25;
	v34 =	vsub.f32 v34, v24;
	v26 =	vld.idx.msk [tilespmem:v38+s17+$0x0], $0xffff  }
0xf9: {  	v37 =	vld.idx.msk [tilespmem:v39+s17+$0x0], $0xffff;
	[tilespmem:s31+$0x80] =	vst v31  }
0xfa: {  	v36 =	vadd.f32 v30, v41;
	v32 =	vld.idx.msk [tilespmem:v44+s17+$0x0], $0xffff;
	[tilespmem:s7+$0x200] =	vst v25;
	v25 =	vmul.f32 v34, v0  }
0xfb: {  	v30 =	vsub.f32 v42, v28;
	v31 =	vld.idx.msk [tilespmem:v40+s17+$0x0], $0xffff  }
0xfc: {  	_ =	sdelay $0x3  }
0xfd: {  	v27 =	vld.idx.msk [tilespmem:v27+s17+$0x0], $0xffff;
	_ =	sdelay $0x2  }
0xfe: {  	v29 =	vsub.f32 v29, v37;
	_ =	sdelay $0x1  }
0xff: {  	v34 =	vadd.s32 $0x100, v19;
	v29 =	vmul.f32 v29, v10;
	v27 =	vsub.f32 v27, v35  }
0x100: {  	v38 =	vadd.s32 $0x100, v21  }
0x101: {  	v47 =	vadd.s32 $0x100, v14;
	v29 =	vadd.f32 v29, v37;
	v27 =	vmul.f32 v27, v22  }
0x102: {  	v39 =	vadd.s32 $0x100, v23  }
0x103: {  	[tilespmem:s22+$0x80] =	vst v29;
	v27 =	vadd.f32 v27, v35  }
0x104: {  	v48 =	vadd.s32 $0x100, v13;
	v34 =	vld.idx.msk [tilespmem:v34+s17+$0x0], $0xffff  }
0x105: {  	v29 =	vadd.s32 $0x100, v20;
	[tilespmem:s3+$0x80] =	vst v27;
	v27 =	vld.idx.msk [tilespmem:v38+s17+$0x0], $0xffff  }
0x106: {  	v37 =	vld.idx.msk [tilespmem:v47+s17+$0x0], $0xffff  }
0x107: {  	v49 =	vadd.s32 $0x100, v17;
	v39 =	vld.idx.msk [tilespmem:v39+s17+$0x0], $0xffff  }
0x108: {  	[tilespmem:s2+$0x80] =	vst v36  }
0x109: {  	v35 =	vld.idx.msk [tilespmem:v48+s17+$0x0], $0xffff  }
0x10a: {  	v29 =	vld.idx.msk [tilespmem:v29+s17+$0x0], $0xffff;
	v27 =	vsub.f32 v27, v34;
	_ =	sdelay $0x1  }
0x10b: {  	v52 =	vadd.s32 $0x180, v19;
	v50 =	vld.idx.msk [tilespmem:v49+s17+$0x0], $0xffff;
	v51 =	vsub.f32 v39, v37;
	v27 =	vmul.f32 v27, v10  }
0x10c: {  	v40 =	vadd.s32 $0x180, v21;
	v41 =	vadd.s32 $0x180, v14  }
0x10d: {  	v26 =	vsub.f32 v26, v33;
	v38 =	vmul.f32 v51, v22;
	v27 =	vadd.f32 v27, v34  }
0x10e: {  	v53 =	vadd.s32 $0x180, v23;
	v35 =	vsub.f32 v35, v29  }
0x10f: {  	v61 =	vadd.s32 $0x280, v8;
	v26 =	vmul.f32 v26, v1;
	v37 =	vadd.f32 v38, v37;
	[tilespmem:s22+$0x100] =	vst v27  }
0x110: {  	v55 =	vadd.s32 $0x180, v13;
	v35 =	vmul.f32 v35, v7;
	v27 =	vsub.f32 v50, v32;
	v54 =	vld.idx.msk [tilespmem:v52+s17+$0x0], $0xffff  }
0x111: {  	v57 =	vadd.s32 $0x180, v20;
	v26 =	vadd.f32 v26, v33;
	[tilespmem:s3+$0x100] =	vst v37;
	v56 =	vld.idx.msk [tilespmem:v40+s17+$0x0], $0xffff  }
0x112: {  	v58 =	vadd.s32 $0x180, v15;
	v29 =	vadd.f32 v35, v29;
	v27 =	vmul.f32 v27, v12;
	v41 =	vld.idx.msk [tilespmem:v41+s17+$0x0], $0xffff  }
0x113: {  	v59 =	vadd.s32 $0x180, v17;
	[tilespmem:s16+$0x200] =	vst v26;
	v34 =	vld.idx.msk [tilespmem:v53+s17+$0x0], $0xffff  }
0x114: {  	v42 =	vadd.s32 $0x280, v11;
	v48 =	vld.idx.msk [tilespmem:v61+s17+$0x0], $0xffff;
	[tilespmem:s2+$0x100] =	vst v29;
	v27 =	vadd.f32 v27, v32  }
0x115: {  	v29 =	vmul.f32 v30, v3;
	v30 =	vadd.s32 $0x300, v18;
	v60 =	vld.idx.msk [tilespmem:v55+s17+$0x0], $0xffff  }
0x116: {  	v50 =	vadd.s32 $0x300, v16;
	v62 =	vld.idx.msk [tilespmem:v57+s17+$0x0], $0xffff;
	[tilespmem:s31+$0x100] =	vst v27;
	v27 =	vsub.f32 v56, v54  }
0x117: {  	v28 =	vadd.f32 v29, v28;
	v29 =	vadd.s32 $0x280, v6;
	v63 =	vld.idx.msk [tilespmem:v58+s17+$0x0], $0xffff  }
0x118: {  	v45 =	vadd.s32 $0x200, v19;
	v35 =	vld.idx.msk [tilespmem:v59+s17+$0x0], $0xffff;
	v34 =	vsub.f32 v34, v41;
	v27 =	vmul.f32 v27, v10  }
0x119: {  	v46 =	vadd.s32 $0x200, v21;
	[tilespmem:s30+$0x280] =	vst v28;
	v28 =	vld.idx.msk [tilespmem:v42+s17+$0x0], $0xffff  }
0x11a: {  	v47 =	vadd.s32 $0x200, v14;
	v26 =	vld.idx.msk [tilespmem:v30+s17+$0x0], $0xffff;
	v30 =	vmul.f32 v34, v22;
	v27 =	vadd.f32 v27, v54  }
0x11b: {  	v49 =	vadd.s32 $0x200, v23;
	v42 =	vld.idx.msk [tilespmem:v50+s17+$0x0], $0xffff;
	v32 =	vsub.f32 v60, v62  }
0x11c: {  	v29 =	vld.idx.msk [tilespmem:v29+s17+$0x0], $0xffff;
	v30 =	vadd.f32 v30, v41;
	[tilespmem:s22+$0x180] =	vst v27  }
0x11d: {  	v52 =	vadd.s32 $0x200, v20;
	v32 =	vmul.f32 v32, v7;
	v27 =	vsub.f32 v35, v63;
	v51 =	vld.idx.msk [tilespmem:v45+s17+$0x0], $0xffff  }
0x11e: {  	v53 =	vadd.s32 $0x200, v13;
	v54 =	vadd.s32 $0x200, v17;
	[tilespmem:s3+$0x180] =	vst v30;
	v30 =	vld.idx.msk [tilespmem:v46+s17+$0x0], $0xffff  }
0x11f: {  	v31 =	vsub.f32 v31, v28;
	v32 =	vadd.f32 v32, v62;
	v27 =	vmul.f32 v27, v12;
	v34 =	vld.idx.msk [tilespmem:v47+s17+$0x0], $0xffff  }
0x120: {  	v55 =	vadd.s32 $0x200, v15;
	v42 =	vsub.f32 v42, v26;
	v38 =	vld.idx.msk [tilespmem:v49+s17+$0x0], $0xffff  }
0x121: {  	v56 =	vadd.s32 $0x300, v11;
	v31 =	vmul.f32 v31, v2;
	[tilespmem:s2+$0x180] =	vst v32;
	v27 =	vadd.f32 v27, v63  }
0x122: {  	v58 =	vadd.s32 $0x300, v9;
	v29 =	vsub.f32 v29, v48;
	v44 =	vmul.f32 v42, v3;
	v57 =	vld.idx.msk [tilespmem:v52+s17+$0x0], $0xffff  }
0x123: {  	v18 =	vadd.s32 $0x380, v18;
	v28 =	vadd.f32 v31, v28;
	[tilespmem:s31+$0x180] =	vst v27;
	v27 =	vsub.f32 v30, v51;
	v30 =	vld.idx.msk [tilespmem:v53+s17+$0x0], $0xffff  }
0x124: {  	v16 =	vadd.s32 $0x380, v16;
	v29 =	vmul.f32 v29, v1;
	v26 =	vadd.f32 v44, v26;
	v59 =	vld.idx.msk [tilespmem:v54+s17+$0x0], $0xffff  }
0x125: {  	v60 =	vadd.s32 $0x280, v19;
	[tilespmem:s7+$0x280] =	vst v28;
	v37 =	vld.idx.msk [tilespmem:v55+s17+$0x0], $0xffff;
	v38 =	vsub.f32 v38, v34;
	v27 =	vmul.f32 v27, v10  }
0x126: {  	v28 =	vadd.f32 v29, v48;
	v29 =	vadd.s32 $0x280, v21;
	v32 =	vld.idx.msk [tilespmem:v56+s17+$0x0], $0xffff  }
0x127: {  	v62 =	vadd.s32 $0x280, v23;
	v63 =	vld.idx.msk [tilespmem:v58+s17+$0x0], $0xffff;
	[tilespmem:s30+$0x300] =	vst v26;
	v61 =	vmul.f32 v38, v22;
	v27 =	vadd.f32 v27, v51  }
0x128: {  	v18 =	vld.idx.msk [tilespmem:v18+s17+$0x0], $0xffff;
	[tilespmem:s16+$0x280] =	vst v28;
	v28 =	vadd.s32 $0x280, v14;
	v30 =	vsub.f32 v30, v57  }
0x129: {  	v31 =	vadd.s32 $0x300, v8;
	v16 =	vld.idx.msk [tilespmem:v16+s17+$0x0], $0xffff;
	[tilespmem:s22+$0x200] =	vst v27;
	v27 =	vadd.f32 v61, v34  }
0x12a: {  	v47 =	vadd.s32 $0x280, v20;
	v45 =	vsub.f32 v59, v37;
	v46 =	vld.idx.msk [tilespmem:v60+s17+$0x0], $0xffff;
	v30 =	vmul.f32 v30, v7  }
0x12b: {  	v29 =	vld.idx.msk [tilespmem:v29+s17+$0x0], $0xffff;
	[tilespmem:s3+$0x200] =	vst v27;
	v27 =	vadd.s32 $0x280, v13  }
0x12c: {  	v48 =	vadd.s32 $0x280, v15;
	v34 =	vmul.f32 v45, v12;
	v36 =	vld.idx.msk [tilespmem:v62+s17+$0x0], $0xffff;
	v30 =	vadd.f32 v30, v57  }
0x12d: {  	v26 =	vadd.s32 $0x280, v17;
	v28 =	vld.idx.msk [tilespmem:v28+s17+$0x0], $0xffff  }
0x12e: {  	v49 =	vadd.s32 $0x300, v6;
	v31 =	vld.idx.msk [tilespmem:v31+s17+$0x0], $0xffff;
	v34 =	vadd.f32 v34, v37;
	[tilespmem:s2+$0x200] =	vst v30  }
0x12f: {  	v50 =	vadd.s32 $0x300, v5;
	v38 =	vsub.f32 v63, v32;
	v30 =	vld.idx.msk [tilespmem:v47+s17+$0x0], $0xffff  }
0x130: {  	v51 =	vadd.s32 $0x300, v4;
	[tilespmem:s31+$0x200] =	vst v34;
	v29 =	vsub.f32 v29, v46;
	v27 =	vld.idx.msk [tilespmem:v27+s17+$0x0], $0xffff  }
0x131: {  	v24 =	vadd.f32 v25, v24;
	v11 =	vadd.s32 $0x380, v11;
	v38 =	vmul.f32 v38, v2;
	v25 =	vld.idx.msk [tilespmem:v48+s17+$0x0], $0xffff  }
0x132: {  	v9 =	vadd.s32 $0x380, v9;
	v26 =	vld.idx.msk [tilespmem:v26+s17+$0x0], $0xffff;
	v29 =	vmul.f32 v29, v10;
	v36 =	vsub.f32 v36, v28  }
0x133: {  	[tilespmem:s15+$0x280] =	vst v24;
	v52 =	vadd.s32 $0x300, v19;
	v33 =	vld.idx.msk [tilespmem:v49+s17+$0x0], $0xffff;
	v32 =	vadd.f32 v38, v32  }
0x134: {  	v53 =	vadd.s32 $0x300, v21;
	v55 =	vld.idx.msk [tilespmem:v50+s17+$0x0], $0xffff;
	v24 =	vadd.f32 v29, v46;
	v29 =	vmul.f32 v36, v22  }
0x135: {  	v54 =	vadd.s32 $0x300, v14;
	[tilespmem:s7+$0x300] =	vst v32;
	v34 =	vld.idx.msk [tilespmem:v51+s17+$0x0], $0xffff;
	v27 =	vsub.f32 v27, v30  }
0x136: {  	v56 =	vadd.s32 $0x300, v23;
	v11 =	vld.idx.msk [tilespmem:v11+s17+$0x0], $0xffff;
	[tilespmem:s22+$0x280] =	vst v24;
	v24 =	vadd.f32 v29, v28  }
0x137: {  	v9 =	vld.idx.msk [tilespmem:v9+s17+$0x0], $0xffff;
	v26 =	vsub.f32 v26, v25;
	v29 =	vadd.s32 $0x300, v20;
	v27 =	vmul.f32 v27, v7  }
0x138: {  	v33 =	vsub.f32 v33, v31;
	v28 =	vld.idx.msk [tilespmem:v52+s17+$0x0], $0xffff;
	[tilespmem:s3+$0x280] =	vst v24;
	v24 =	vadd.s32 $0x300, v13  }
0x139: {  	v59 =	vadd.s32 $0x300, v15;
	v57 =	vld.idx.msk [tilespmem:v53+s17+$0x0], $0xffff;
	v26 =	vmul.f32 v26, v12;
	v27 =	vadd.f32 v27, v30  }
0x13a: {  	v33 =	vmul.f32 v33, v1;
	v35 =	vld.idx.msk [tilespmem:v54+s17+$0x0], $0xffff;
	v30 =	vadd.s32 $0x300, v17  }
0x13b: {  	v8 =	vadd.s32 $0x380, v8;
	v58 =	vld.idx.msk [tilespmem:v56+s17+$0x0], $0xffff;
	v25 =	vadd.f32 v26, v25;
	v26 =	vsub.f32 v55, v34;
	[tilespmem:s2+$0x280] =	vst v27  }
0x13c: {  	v6 =	vadd.s32 $0x380, v6;
	v27 =	vld.idx.msk [tilespmem:v29+s17+$0x0], $0xffff  }
0x13d: {  	v5 =	vadd.s32 $0x380, v5;
	[tilespmem:s31+$0x280] =	vst v25;
	v25 =	vmul.f32 v26, v0;
	v29 =	vadd.f32 v33, v31;
	v24 =	vld.idx.msk [tilespmem:v24+s17+$0x0], $0xffff  }
0x13e: {  	v4 =	vadd.s32 $0x380, v4;
	v26 =	vsub.f32 v57, v28;
	v60 =	vld.idx.msk [tilespmem:v59+s17+$0x0], $0xffff  }
0x13f: {  	v25 =	vadd.f32 v25, v34;
	v30 =	vld.idx.msk [tilespmem:v30+s17+$0x0], $0xffff;
	[tilespmem:s16+$0x300] =	vst v29  }
0x140: {  	v19 =	vadd.s32 $0x380, v19;
	v31 =	vsub.f32 v58, v35;
	v26 =	vmul.f32 v26, v10;
	v8 =	vld.idx.msk [tilespmem:v8+s17+$0x0], $0xffff  }
0x141: {  	v21 =	vadd.s32 $0x380, v21;
	v14 =	vadd.s32 $0x380, v14;
	v6 =	vld.idx.msk [tilespmem:v6+s17+$0x0], $0xffff;
	[tilespmem:s15+$0x300] =	vst v25  }
0x142: {  	v29 =	vmul.f32 v31, v22;
	v25 =	vadd.f32 v26, v28;
	v5 =	vld.idx.msk [tilespmem:v5+s17+$0x0], $0xffff;
	v24 =	vsub.f32 v24, v27  }
0x143: {  	v23 =	vadd.s32 $0x380, v23;
	v20 =	vadd.s32 $0x380, v20;
	v4 =	vld.idx.msk [tilespmem:v4+s17+$0x0], $0xffff  }
0x144: {  	v26 =	vadd.f32 v29, v35;
	[tilespmem:s22+$0x300] =	vst v25;
	v24 =	vmul.f32 v24, v7;
	v25 =	vsub.f32 v30, v60  }
0x145: {  	v13 =	vadd.s32 $0x380, v13;
	v19 =	vld.idx.msk [tilespmem:v19+s17+$0x0], $0xffff  }
0x146: {  	v17 =	vadd.s32 $0x380, v17;
	v21 =	vld.idx.msk [tilespmem:v21+s17+$0x0], $0xffff;
	[tilespmem:s3+$0x300] =	vst v26;
	v24 =	vadd.f32 v24, v27;
	v25 =	vmul.f32 v25, v12  }
0x147: {  	v15 =	vadd.s32 $0x380, v15;
	v14 =	vld.idx.msk [tilespmem:v14+s17+$0x0], $0xffff  }
0x148: {  	v23 =	vld.idx.msk [tilespmem:v23+s17+$0x0], $0xffff;
	[tilespmem:s2+$0x300] =	vst v24;
	v24 =	vadd.f32 v25, v60  }
0x149: {  	v20 =	vld.idx.msk [tilespmem:v20+s17+$0x0], $0xffff  }
0x14a: {  	v16 =	vsub.f32 v16, v18;
	v13 =	vld.idx.msk [tilespmem:v13+s17+$0x0], $0xffff;
	[tilespmem:s31+$0x300] =	vst v24  }
0x14b: {  	v9 =	vsub.f32 v9, v11;
	v17 =	vld.idx.msk [tilespmem:v17+s17+$0x0], $0xffff  }
0x14c: {  	v3 =	vmul.f32 v16, v3;
	v6 =	vsub.f32 v6, v8;
	v15 =	vld.idx.msk [tilespmem:v15+s17+$0x0], $0xffff  }
0x14d: {  	v2 =	vmul.f32 v9, v2;
	v5 =	vsub.f32 v5, v4  }
0x14e: {  	v3 =	vadd.f32 v3, v18;
	v1 =	vmul.f32 v6, v1;
	v6 =	vsub.f32 v21, v19  }
0x14f: {  	v2 =	vadd.f32 v2, v11;
	v0 =	vmul.f32 v5, v0;
	v5 =	vsub.f32 v23, v14  }
0x150: {  	[tilespmem:s30+$0x380] =	vst v3;
	v1 =	vadd.f32 v1, v8;
	v3 =	vmul.f32 v6, v10;
	v6 =	vsub.f32 v13, v20  }
0x151: {  	[tilespmem:s7+$0x380] =	vst v2;
	v0 =	vadd.f32 v0, v4;
	v2 =	vmul.f32 v5, v22;
	v4 =	vsub.f32 v17, v15  }
0x152: {  	[tilespmem:s16+$0x380] =	vst v1;
	v1 =	vadd.f32 v3, v19;
	v3 =	vmul.f32 v6, v7  }
0x153: {  	[tilespmem:s15+$0x380] =	vst v0;
	v0 =	vadd.f32 v2, v14;
	v2 =	vmul.f32 v4, v12  }
0x154: {  	[tilespmem:s22+$0x380] =	vst v1;
	v1 =	vadd.f32 v3, v20  }
0x155: {  	[tilespmem:s3+$0x380] =	vst v0;
	v0 =	vadd.f32 v2, v15  }
0x156: {  	s0 =	sshll.u32 s0, $0x9;
	[tilespmem:s2+$0x380] =	vst v1  }
0x157: {  	s14 =	simm.s32 $0x10800;
	s0 =	sadd.s32 s4, s0;
	[tilespmem:s31+$0x380] =	vst v0  }
0x158: {  	[hbm4b:s0+s5] =	stream.linear.scatter [tilespmem:s14], [sflag:$0x5], $0x1000, $0x38;
	[tilespmem:$0x14800] =	vst v63  }
0x159: {  	p1 =	seq.s32 s9, $0x1F;
	s0 =	rddreg [dreg:$0x8]  }
0x15a: {  	s0 =	sadd.s32 @!p1 s10, s0  }
0x15b: {  	s0 =	sshll.u32 @!p1 s0, $0xB  }
0x15c: {  	s3 =	simm.s32 @!p1 $0x800;
	s2 =	simm.s32 @!p1 $0x0;
	s0 =	sadd.s32 @!p1 s1, s0  }
0x15d: {  	[tilespmem:s3], [sflag:$0x1] =	stream.linear.gather @!p1 [hbm4b:s0+s2], $0x4000, $0x38;
	[tilespmem:$0x14800] =	vst v63  }
0x15e: {  	_ =	swait.ge [sflag:s23], $0x4000  }
0x15f: {  	[sflag:s23] =	ssyncset.done $0x0  }
0x160: {  	s0 =	simm.s32 @!p0 $0x6;
	[sflag:s23] =	ssyncadd.s32 $0xFFFFC000  }
0x161: {  	_ =	swait.ge @!p0 [sflag:s0], $0x1000  }
0x162: {  	[sflag:s0] =	ssyncset.done @!p0 $0x0  }
0x163: {  	s15 =	simm.s32 $0x220;
	[sflag:s0] =	ssyncadd.s32 @!p0 $0xFFFFF000  }
0x164: {  	s16 =	simm.s32 $0x420;
	v4 =	vld [tilespmem:s15+$0x10]  }
0x165: {  	v5 =	vld [tilespmem:s16+$0x10];
	_ =	sdelay $0x1  }
0x166: {  	v11 =	vld [tilespmem:s15+$0xFFFFFFE0]  }
0x167: {  	s21 =	simm.s32 $0x620;
	v6 =	vld [tilespmem:s16+$0x0]  }
0x168: {  	v0 =	vld [tilespmem:s21+$0x10]  }
0x169: {  	v16 =	vld [tilespmem:s16+$0xFFFFFFF0]  }
0x16a: {  	v9 =	vld [tilespmem:s16+$0xFFFFFFE0]  }
0x16b: {  	v3 =	vld.idx.msk [tilespmem:v4+s18+$0x0], $0xffff  }
0x16c: {  	v2 =	vld.idx.msk [tilespmem:v5+s18+$0x0], $0xffff  }
0x16d: {  	v18 =	vld [tilespmem:s15+$0xFFFFFFF0]  }
0x16e: {  	v8 =	vld [tilespmem:s15+$0x0]  }
0x16f: {  	v1 =	vld [tilespmem:s21+$0x0]  }
0x170: {  	v7 =	vld.idx.msk [tilespmem:v6+s18+$0x0], $0xffff  }
0x171: {  	v10 =	vld.idx.msk [tilespmem:v11+s18+$0x0], $0xffff;
	v2 =	vsub.f32 v2, v3  }
0x172: {  	v12 =	vld.idx.msk [tilespmem:v9+s18+$0x0], $0xffff  }
0x173: {  	s22 =	simm.s32 $0x0;
	v15 =	vadd.s32 $0x80, v4;
	v14 =	vld.idx.msk [tilespmem:v16+s18+$0x0], $0xffff;
	v13 =	vmul.f32 v2, v0  }
0x174: {  	s26 =	simm.s32 $0x30;
	s24 =	sand.u32 $0xC00, s22;
	v17 =	vadd.s32 $0x80, v5;
	v2 =	vld [tilespmem:s21+$0xFFFFFFE0]  }
0x175: {  	s7 =	sand.u32 $0x70, s26;
	s2 =	sadd.s32 $0x11800, s24;
	v19 =	vld.idx.msk [tilespmem:v18+s18+$0x0], $0xffff;
	v13 =	vadd.f32 v13, v3  }
0x176: {  	s7 =	sor.u32 s7, s2;
	v20 =	vld.idx.msk [tilespmem:v8+s18+$0x0], $0xffff  }
0x177: {  	v12 =	vsub.f32 v12, v10;
	v3 =	vld [tilespmem:s21+$0xFFFFFFF0];
	[tilespmem:s7+$0x0] =	vst v13  }
0x178: {  	v13 =	vld.idx.msk [tilespmem:v15+s18+$0x0], $0xffff  }
0x179: {  	v15 =	vadd.s32 $0x80, v11;
	v17 =	vld.idx.msk [tilespmem:v17+s18+$0x0], $0xffff;
	v12 =	vmul.f32 v12, v2  }
0x17a: {  	v21 =	vadd.s32 $0x80, v9;
	v14 =	vsub.f32 v14, v19  }
0x17b: {  	s0 =	sand.u32 $0x40, s22;
	v10 =	vadd.f32 v12, v10  }
0x17c: {  	s16 =	sor.u32 s0, s2;
	v7 =	vsub.f32 v7, v20;
	v12 =	vadd.s32 $0x80, v16;
	v14 =	vmul.f32 v14, v3  }
0x17d: {  	s8 =	simm.s32 $0x10;
	v22 =	vadd.s32 $0x80, v18;
	[tilespmem:s16+$0x0] =	vst v10  }
0x17e: {  	s0 =	sand.u32 $0x50, s8;
	v7 =	vmul.f32 v7, v1;
	v14 =	vadd.f32 v14, v19;
	v17 =	vsub.f32 v17, v13;
	v15 =	vld.idx.msk [tilespmem:v15+s18+$0x0], $0xffff  }
0x17f: {  	s11 =	simm.s32 $0x20;
	s31 =	sor.u32 s0, s2;
	v10 =	vadd.s32 $0x80, v8;
	v21 =	vld.idx.msk [tilespmem:v21+s18+$0x0], $0xffff  }
0x180: {  	s12 =	sand.u32 $0x60, s11;
	v7 =	vadd.f32 v7, v20;
	v19 =	vadd.s32 $0x80, v6;
	[tilespmem:s31+$0x0] =	vst v14;
	v14 =	vmul.f32 v17, v0  }
0x181: {  	s30 =	sor.u32 s12, s2;
	v12 =	vld.idx.msk [tilespmem:v12+s18+$0x0], $0xffff  }
0x182: {  	[tilespmem:s30+$0x0] =	vst v7;
	v20 =	vld.idx.msk [tilespmem:v22+s18+$0x0], $0xffff;
	v7 =	vadd.f32 v14, v13  }
0x183: {  	v17 =	vadd.s32 $0x100, v4  }
0x184: {  	v22 =	vld.idx.msk [tilespmem:v10+s18+$0x0], $0xffff;
	[tilespmem:s7+$0x80] =	vst v7;
	v7 =	vsub.f32 v21, v15  }
0x185: {  	s26 =	simm.s32 $0x260;
	v10 =	vld.idx.msk [tilespmem:v19+s18+$0x0], $0xffff;
	v19 =	vadd.s32 $0x100, v5  }
0x186: {  	s29 =	simm.s32 $0x460;
	v23 =	vadd.s32 $0x100, v11;
	v14 =	vld [tilespmem:s26+$0xFFFFFFE0];
	v21 =	vmul.f32 v7, v2  }
0x187: {  	v24 =	vadd.s32 $0x100, v9;
	v13 =	vld [tilespmem:s29+$0x0];
	v12 =	vsub.f32 v12, v20  }
0x188: {  	s14 =	simm.s32 $0x660;
	v17 =	vld.idx.msk [tilespmem:v17+s18+$0x0], $0xffff;
	v15 =	vadd.f32 v21, v15  }
0x189: {  	v26 =	vadd.s32 $0x100, v16;
	v7 =	vld [tilespmem:s14+$0x0];
	v12 =	vmul.f32 v12, v3  }
0x18a: {  	v19 =	vld.idx.msk [tilespmem:v19+s18+$0x0], $0xffff;
	v25 =	vsub.f32 v10, v22;
	v21 =	vadd.s32 $0x100, v18;
	[tilespmem:s16+$0x80] =	vst v15  }
0x18b: {  	v12 =	vadd.f32 v12, v20;
	v23 =	vld.idx.msk [tilespmem:v23+s18+$0x0], $0xffff  }
0x18c: {  	v20 =	vmul.f32 v25, v1;
	v24 =	vld.idx.msk [tilespmem:v24+s18+$0x0], $0xffff  }
0x18d: {  	v10 =	vld [tilespmem:s14+$0xFFFFFFF0];
	[tilespmem:s31+$0x80] =	vst v12  }
0x18e: {  	v20 =	vadd.f32 v20, v22;
	v22 =	vld.idx.msk [tilespmem:v26+s18+$0x0], $0xffff  }
0x18f: {  	v19 =	vsub.f32 v19, v17;
	v21 =	vld.idx.msk [tilespmem:v21+s18+$0x0], $0xffff  }
0x190: {  	v15 =	vld [tilespmem:s26+$0x10]  }
0x191: {  	v29 =	vld.idx.msk [tilespmem:v13+s18+$0x0], $0xffff;
	v26 =	vadd.s32 $0x180, v4;
	[tilespmem:s30+$0x80] =	vst v20;
	v20 =	vmul.f32 v19, v0;
	v24 =	vsub.f32 v24, v23  }
0x192: {  	v27 =	vadd.s32 $0x180, v5;
	v48 =	vld.idx.msk [tilespmem:v14+s18+$0x0], $0xffff  }
0x193: {  	v12 =	vld [tilespmem:s14+$0x10];
	v17 =	vadd.f32 v20, v17;
	v24 =	vmul.f32 v24, v2  }
0x194: {  	v28 =	vadd.s32 $0x180, v11;
	v20 =	vld [tilespmem:s26+$0x0];
	v22 =	vsub.f32 v22, v21  }
0x195: {  	v30 =	vadd.s32 $0x180, v9;
	[tilespmem:s7+$0x100] =	vst v17;
	v17 =	vld [tilespmem:s29+$0x10];
	v23 =	vadd.f32 v24, v23  }
0x196: {  	v26 =	vld.idx.msk [tilespmem:v26+s18+$0x0], $0xffff;
	v22 =	vmul.f32 v22, v3;
	v24 =	vadd.s32 $0x180, v18  }
0x197: {  	[tilespmem:s16+$0x100] =	vst v23;
	v23 =	vld.idx.msk [tilespmem:v27+s18+$0x0], $0xffff;
	v27 =	vadd.s32 $0x180, v16  }
0x198: {  	v22 =	vadd.f32 v22, v21;
	v21 =	vld [tilespmem:s29+$0xFFFFFFF0]  }
0x199: {  	v25 =	vadd.s32 $0x100, v8;
	v28 =	vld.idx.msk [tilespmem:v28+s18+$0x0], $0xffff  }
0x19a: {  	v30 =	vld.idx.msk [tilespmem:v30+s18+$0x0], $0xffff;
	[tilespmem:s31+$0x100] =	vst v22  }
0x19b: {  	v31 =	vadd.s32 $0x100, v6;
	v22 =	vld.idx.msk [tilespmem:v24+s18+$0x0], $0xffff  }
0x19c: {  	v24 =	vld.idx.msk [tilespmem:v27+s18+$0x0], $0xffff  }
0x19d: {  	v19 =	vld [tilespmem:s26+$0xFFFFFFF0]  }
0x19e: {  	v25 =	vld.idx.msk [tilespmem:v25+s18+$0x0], $0xffff  }
0x19f: {  	v63 =	vld.idx.msk [tilespmem:v20+s18+$0x0], $0xffff;
	v23 =	vsub.f32 v23, v26  }
0x1a0: {  	v27 =	vld.idx.msk [tilespmem:v31+s18+$0x0], $0xffff;
	v30 =	vsub.f32 v30, v28  }
0x1a1: {  	v62 =	vadd.s32 $0x200, v5;
	v61 =	vld.idx.msk [tilespmem:v17+s18+$0x0], $0xffff;
	v23 =	vmul.f32 v23, v0;
	v24 =	vsub.f32 v24, v22  }
0x1a2: {  	v44 =	vadd.s32 $0x200, v4;
	v31 =	vld.idx.msk [tilespmem:v15+s18+$0x0], $0xffff;
	v30 =	vmul.f32 v30, v2  }
0x1a3: {  	v45 =	vadd.s32 $0x200, v18;
	v26 =	vadd.f32 v23, v26;
	v23 =	vld [tilespmem:s29+$0xFFFFFFE0];
	v24 =	vmul.f32 v24, v3  }
0x1a4: {  	v46 =	vadd.s32 $0x200, v16;
	v28 =	vadd.f32 v30, v28;
	v30 =	vld.idx.msk [tilespmem:v21+s18+$0x0], $0xffff  }
0x1a5: {  	v43 =	vadd.s32 $0x200, v11;
	v27 =	vsub.f32 v27, v25;
	[tilespmem:s7+$0x180] =	vst v26;
	v26 =	vld.idx.msk [tilespmem:v19+s18+$0x0], $0xffff;
	v22 =	vadd.f32 v24, v22  }
0x1a6: {  	[tilespmem:s16+$0x180] =	vst v28;
	v28 =	vld.idx.msk [tilespmem:v62+s18+$0x0], $0xffff  }
0x1a7: {  	v49 =	vadd.s32 $0x180, v6;
	v32 =	vsub.f32 v61, v31;
	v27 =	vmul.f32 v27, v1;
	v24 =	vld.idx.msk [tilespmem:v44+s18+$0x0], $0xffff;
	[tilespmem:s31+$0x180] =	vst v22  }
0x1a8: {  	v50 =	vadd.s32 $0x180, v8;
	v37 =	vld.idx.msk [tilespmem:v45+s18+$0x0], $0xffff  }
0x1a9: {  	s11 =	simm.s32 $0x200;
	v25 =	vadd.f32 v27, v25;
	v27 =	vmul.f32 v32, v12;
	v33 =	vld.idx.msk [tilespmem:v46+s18+$0x0], $0xffff  }
0x1aa: {  	s13 =	sand.u32 $0xC00, s11;
	s15 =	simm.s32 $0x70;
	v51 =	vadd.s32 $0x80, v15;
	v29 =	vsub.f32 v29, v63;
	v47 =	vld.idx.msk [tilespmem:v43+s18+$0x0], $0xffff  }
0x1ab: {  	s22 =	sand.u32 $0x70, s15;
	s21 =	sadd.s32 $0x11800, s13;
	v27 =	vadd.f32 v27, v31;
	[tilespmem:s30+$0x100] =	vst v25;
	v31 =	vadd.s32 $0x200, v9;
	v25 =	vld.idx.msk [tilespmem:v23+s18+$0x0], $0xffff  }
0x1ac: {  	s2 =	sor.u32 s22, s21;
	v52 =	vadd.s32 $0x80, v17;
	v29 =	vmul.f32 v29, v7;
	v30 =	vsub.f32 v30, v26;
	v36 =	vld.idx.msk [tilespmem:v49+s18+$0x0], $0xffff  }
0x1ad: {  	s24 =	simm.s32 $0x60;
	v54 =	vadd.s32 $0x80, v13;
	v53 =	vadd.s32 $0x80, v20;
	[tilespmem:s2+$0x0] =	vst v27;
	v27 =	vld.idx.msk [tilespmem:v50+s18+$0x0], $0xffff;
	v28 =	vsub.f32 v28, v24  }
0x1ae: {  	s0 =	sand.u32 $0x60, s24;
	v29 =	vadd.f32 v29, v63;
	v22 =	vld [tilespmem:s14+$0xFFFFFFE0];
	v30 =	vmul.f32 v30, v10;
	v33 =	vsub.f32 v33, v37  }
0x1af: {  	s8 =	simm.s32 $0x50;
	v55 =	vadd.s32 $0x280, v4;
	s0 =	sor.u32 s0, s21;
	v32 =	vld.idx.msk [tilespmem:v51+s18+$0x0], $0xffff;
	v28 =	vmul.f32 v28, v0  }
0x1b0: {  	s8 =	sand.u32 $0x50, s8;
	v61 =	vadd.s32 $0x80, v19;
	[tilespmem:s0+$0x0] =	vst v29;
	v26 =	vadd.f32 v30, v26;
	v29 =	vld.idx.msk [tilespmem:v31+s18+$0x0], $0xffff;
	v31 =	vmul.f32 v33, v3  }
0x1b1: {  	s24 =	sor.u32 s8, s21;
	v40 =	vld.idx.msk [tilespmem:v52+s18+$0x0], $0xffff;
	v25 =	vsub.f32 v25, v48;
	v24 =	vadd.f32 v28, v24;
	v28 =	vadd.s32 $0x280, v5  }
0x1b2: {  	v58 =	vadd.s32 $0x80, v21;
	v41 =	vld.idx.msk [tilespmem:v53+s18+$0x0], $0xffff;
	[tilespmem:s24+$0x0] =	vst v26;
	v36 =	vsub.f32 v36, v27;
	v31 =	vadd.f32 v31, v37  }
0x1b3: {  	v56 =	vadd.s32 $0x280, v18;
	v39 =	vld.idx.msk [tilespmem:v54+s18+$0x0], $0xffff;
	v25 =	vmul.f32 v25, v22;
	[tilespmem:s7+$0x200] =	vst v24  }
0x1b4: {  	s12 =	simm.s32 $0x40;
	v43 =	vadd.s32 $0x280, v16;
	v24 =	vld.idx.msk [tilespmem:v55+s18+$0x0], $0xffff;
	[tilespmem:s31+$0x200] =	vst v31;
	v31 =	vmul.f32 v36, v1  }
0x1b5: {  	s13 =	sand.u32 $0x40, s12;
	v30 =	vadd.s32 $0x200, v6;
	v25 =	vadd.f32 v25, v48;
	v37 =	vld.idx.msk [tilespmem:v61+s18+$0x0], $0xffff  }
0x1b6: {  	s22 =	sor.u32 s13, s21;
	v57 =	vadd.s32 $0x80, v14;
	v40 =	vsub.f32 v40, v32;
	v60 =	vld.idx.msk [tilespmem:v28+s18+$0x0], $0xffff;
	v27 =	vadd.f32 v31, v27  }
0x1b7: {  	v59 =	vadd.s32 $0x200, v8;
	[tilespmem:s22+$0x0] =	vst v25;
	v25 =	vsub.f32 v29, v47;
	v29 =	vld.idx.msk [tilespmem:v58+s18+$0x0], $0xffff  }
0x1b8: {  	v26 =	vmul.f32 v40, v12;
	v28 =	vld.idx.msk [tilespmem:v56+s18+$0x0], $0xffff;
	v31 =	vadd.s32 $0x100, v15;
	[tilespmem:s30+$0x180] =	vst v27;
	v27 =	vsub.f32 v39, v41  }
0x1b9: {  	v62 =	vadd.s32 $0x280, v9;
	v43 =	vld.idx.msk [tilespmem:v43+s18+$0x0], $0xffff;
	v25 =	vmul.f32 v25, v2  }
0x1ba: {  	v32 =	vadd.f32 v26, v32;
	v26 =	vld.idx.msk [tilespmem:v30+s18+$0x0], $0xffff;
	v30 =	vmul.f32 v27, v7;
	v27 =	vadd.s32 $0x80, v23  }
0x1bb: {  	v35 =	vld.idx.msk [tilespmem:v57+s18+$0x0], $0xffff;
	v25 =	vadd.f32 v25, v47  }
0x1bc: {  	[tilespmem:s2+$0x80] =	vst v32;
	v33 =	vld.idx.msk [tilespmem:v59+s18+$0x0], $0xffff;
	v63 =	vsub.f32 v60, v24  }
0x1bd: {  	s15 =	sadd.s32 s10, s6;
	[tilespmem:s16+$0x200] =	vst v25;
	v32 =	vld.idx.msk [tilespmem:v31+s18+$0x0], $0xffff  }
0x1be: {  	s3 =	sadd.s32 $0x1, s15;
	s13 =	simm.s32 $0x4;
	v25 =	vmul.f32 v63, v0;
	v31 =	vld.idx.msk [tilespmem:v62+s18+$0x0], $0xffff;
	v36 =	vadd.f32 v30, v41;
	v30 =	vsub.f32 v43, v28  }
.LBB2_7:
0x1bf: {  	v38 =	vld.idx.msk [tilespmem:v27+s18+$0x0], $0xffff;
	s14 =	sadd.s32 $0x40, s14;
	s29 =	sadd.s32 $0x40, s29;
	s26 =	sadd.s32 $0x40, s26  }
0x1c0: {  	s13 =	sadd.s32 $0x4, s13;
	v34 =	vld [tilespmem:s26+$0xFFFFFFE0];
	v39 =	vmul.f32 v30, v3  }
0x1c1: {  	v40 =	vadd.s32 $0x280, v11;
	p2 =	slt.u32 s13, $0x1C;
	v26 =	vsub.f32 v26, v33;
	v30 =	vld [tilespmem:s29+$0x0]  }
0x1c2: {  	v42 =	vadd.s32 $0x100, v17;
	v41 =	vsub.f32 v29, v37;
	v27 =	vld [tilespmem:s14+$0x0]  }
0x1c3: {  	v43 =	vadd.s32 $0x300, v18;
	v39 =	vadd.f32 v39, v28;
	v44 =	vmul.f32 v26, v1;
	v29 =	vld [tilespmem:s14+$0xFFFFFFF0]  }
0x1c4: {  	v45 =	vadd.s32 $0x280, v8;
	v41 =	vmul.f32 v41, v10;
	v28 =	vld [tilespmem:s26+$0x10]  }
0x1c5: {  	v38 =	vsub.f32 v38, v35;
	v33 =	vadd.f32 v44, v33;
	v26 =	vld [tilespmem:s14+$0x10];
	[tilespmem:s31+$0x280] =	vst v39;
	v39 =	vadd.s32 $0x280, v6  }
0x1c6: {  	v37 =	vadd.f32 v41, v37;
	v41 =	vadd.s32 $0x300, v16;
	v40 =	vld.idx.msk [tilespmem:v40+s18+$0x0], $0xffff  }
0x1c7: {  	v44 =	vadd.s32 $0x100, v14;
	v38 =	vmul.f32 v38, v22;
	v42 =	vld.idx.msk [tilespmem:v42+s18+$0x0], $0xffff;
	[tilespmem:s30+$0x200] =	vst v33  }
0x1c8: {  	v33 =	vadd.s32 $0x100, v20;
	v43 =	vld.idx.msk [tilespmem:v43+s18+$0x0], $0xffff  }
0x1c9: {  	v35 =	vadd.f32 v38, v35;
	[tilespmem:s24+$0x80] =	vst v37;
	v37 =	vadd.s32 $0x100, v19;
	v38 =	vld.idx.msk [tilespmem:v45+s18+$0x0], $0xffff  }
0x1ca: {  	v39 =	vld.idx.msk [tilespmem:v39+s18+$0x0], $0xffff  }
0x1cb: {  	[tilespmem:s22+$0x80] =	vst v35;
	v35 =	vadd.s32 $0x100, v21;
	v41 =	vld.idx.msk [tilespmem:v41+s18+$0x0], $0xffff  }
0x1cc: {  	v45 =	vadd.s32 $0x100, v23;
	v31 =	vsub.f32 v31, v40;
	v44 =	vld.idx.msk [tilespmem:v44+s18+$0x0], $0xffff;
	[tilespmem:s0+$0x80] =	vst v36  }
0x1cd: {  	v36 =	vsub.f32 v42, v32;
	v33 =	vld.idx.msk [tilespmem:v33+s18+$0x0], $0xffff  }
0x1ce: {  	v42 =	vadd.s32 $0x300, v11;
	v31 =	vmul.f32 v31, v2;
	v37 =	vld.idx.msk [tilespmem:v37+s18+$0x0], $0xffff  }
0x1cf: {  	v36 =	vmul.f32 v36, v12;
	v46 =	vld [tilespmem:s26+$0xFFFFFFF0]  }
0x1d0: {  	v31 =	vadd.f32 v31, v40;
	v40 =	vadd.s32 $0x300, v9;
	v39 =	vsub.f32 v39, v38;
	v35 =	vld.idx.msk [tilespmem:v35+s18+$0x0], $0xffff  }
0x1d1: {  	v32 =	vadd.f32 v36, v32;
	v36 =	vadd.s32 $0x180, v15;
	v41 =	vsub.f32 v41, v43;
	v45 =	vld.idx.msk [tilespmem:v45+s18+$0x0], $0xffff  }
0x1d2: {  	v48 =	vadd.s32 $0x300, v8;
	v39 =	vmul.f32 v39, v1;
	v47 =	vld [tilespmem:s26+$0x0];
	[tilespmem:s16+$0x280] =	vst v31  }
0x1d3: {  	v41 =	vmul.f32 v41, v3;
	[tilespmem:s2+$0x100] =	vst v32;
	v32 =	vld.idx.msk [tilespmem:v42+s18+$0x0], $0xffff  }
0x1d4: {  	v38 =	vadd.f32 v39, v38;
	v31 =	vld.idx.msk [tilespmem:v30+s18+$0x0], $0xffff  }
0x1d5: {  	v39 =	vadd.s32 $0x100, v13;
	v41 =	vadd.f32 v41, v43;
	v40 =	vld.idx.msk [tilespmem:v40+s18+$0x0], $0xffff  }
0x1d6: {  	v42 =	vadd.s32 $0x380, v18;
	v18 =	vmovc v19;
	v19 =	vmov v46;
	v35 =	vsub.f32 v35, v37;
	v36 =	vld.idx.msk [tilespmem:v36+s18+$0x0], $0xffff;
	[tilespmem:s30+$0x280] =	vst v38  }
0x1d7: {  	v38 =	vsub.f32 v45, v44;
	[tilespmem:s31+$0x300] =	vst v41;
	v41 =	vld.idx.msk [tilespmem:v48+s18+$0x0], $0xffff  }
0x1d8: {  	v45 =	vadd.s32 $0x180, v17;
	v35 =	vmul.f32 v35, v10;
	v43 =	vld [tilespmem:s29+$0x10]  }
0x1d9: {  	v48 =	vadd.s32 $0x300, v6;
	v38 =	vmul.f32 v38, v22;
	v46 =	vld [tilespmem:s29+$0xFFFFFFF0]  }
0x1da: {  	v49 =	vadd.s32 $0x180, v14;
	v35 =	vadd.f32 v35, v37;
	v37 =	vld.idx.msk [tilespmem:v39+s18+$0x0], $0xffff  }
0x1db: {  	v38 =	vadd.f32 v38, v44;
	v39 =	vsub.f32 v40, v32;
	v40 =	vld.idx.msk [tilespmem:v42+s18+$0x0], $0xffff;
	v42 =	vadd.s32 $0x380, v16;
	v16 =	vmovc v21  }
0x1dc: {  	v44 =	vld.idx.msk [tilespmem:v28+s18+$0x0], $0xffff;
	[tilespmem:s24+$0x100] =	vst v35  }
0x1dd: {  	v35 =	vadd.s32 $0x180, v23;
	v39 =	vmul.f32 v39, v2;
	[tilespmem:s22+$0x100] =	vst v38;
	v38 =	vld.idx.msk [tilespmem:v45+s18+$0x0], $0xffff  }
0x1de: {  	v45 =	vadd.s32 $0x380, v11;
	v11 =	vmovc v14;
	v14 =	vmov v34;
	v48 =	vld.idx.msk [tilespmem:v48+s18+$0x0], $0xffff;
	v21 =	vmov v46  }
0x1df: {  	v46 =	vadd.s32 $0x180, v18;
	v32 =	vadd.f32 v39, v32;
	v34 =	vld.idx.msk [tilespmem:v49+s18+$0x0], $0xffff  }
0x1e0: {  	v39 =	vadd.s32 $0x180, v16;
	v42 =	vld.idx.msk [tilespmem:v42+s18+$0x0], $0xffff  }
0x1e1: {  	v37 =	vsub.f32 v37, v33;
	v49 =	vld.idx.msk [tilespmem:v43+s18+$0x0], $0xffff;
	[tilespmem:s16+$0x300] =	vst v32;
	v32 =	vadd.s32 $0x380, v9;
	v9 =	vmov v23  }
0x1e2: {  	v23 =	vld.idx.msk [tilespmem:v35+s18+$0x0], $0xffff  }
0x1e3: {  	v35 =	vmul.f32 v37, v7;
	v37 =	vsub.f32 v38, v36;
	v38 =	vld.idx.msk [tilespmem:v45+s18+$0x0], $0xffff;
	v45 =	vadd.s32 $0x300, v5  }
0x1e4: {  	v50 =	vadd.s32 $0x300, v4;
	v48 =	vsub.f32 v48, v41;
	v46 =	vld.idx.msk [tilespmem:v46+s18+$0x0], $0xffff  }
0x1e5: {  	v24 =	vadd.f32 v25, v24;
	v33 =	vadd.f32 v35, v33;
	v35 =	vmul.f32 v37, v12;
	v39 =	vld.idx.msk [tilespmem:v39+s18+$0x0], $0xffff  }
0x1e6: {  	v37 =	vmul.f32 v48, v1;
	v25 =	vld.idx.msk [tilespmem:v32+s18+$0x0], $0xffff;
	v32 =	vsub.f32 v42, v40;
	v42 =	vadd.s32 $0x380, v8;
	v8 =	vmovc v20  }
0x1e7: {  	v51 =	vadd.f32 v35, v36;
	v35 =	vadd.s32 $0x380, v6;
	v6 =	vmovc v13;
	v13 =	vmov v30;
	v48 =	vld.idx.msk [tilespmem:v47+s18+$0x0], $0xffff;
	[tilespmem:s7+$0x280] =	vst v24  }
0x1e8: {  	v24 =	vsub.f32 v23, v34;
	v30 =	vmul.f32 v32, v3;
	v32 =	vadd.f32 v37, v41;
	v36 =	vld.idx.msk [tilespmem:v45+s18+$0x0], $0xffff  }
0x1e9: {  	v20 =	vmovc v47;
	v37 =	vsub.f32 v49, v44;
	v3 =	vmov v10;
	v10 =	vmov v29;
	[tilespmem:s2+$0x180] =	vst v51;
	v41 =	vld.idx.msk [tilespmem:v50+s18+$0x0], $0xffff  }
0x1ea: {  	v29 =	vadd.s32 $0x200, v17;
	v24 =	vmul.f32 v24, v22;
	v23 =	vld [tilespmem:s29+$0xFFFFFFE0];
	v30 =	vadd.f32 v30, v40;
	[tilespmem:s30+$0x300] =	vst v32  }
0x1eb: {  	v32 =	vmul.f32 v37, v26;
	v37 =	vadd.s32 $0x200, v11;
	v39 =	vsub.f32 v39, v46;
	v40 =	vld.idx.msk [tilespmem:v42+s18+$0x0], $0xffff  }
0x1ec: {  	v24 =	vadd.f32 v24, v34;
	v34 =	vadd.s32 $0x200, v15;
	v25 =	vsub.f32 v25, v38;
	[tilespmem:s31+$0x380] =	vst v30;
	v30 =	vld.idx.msk [tilespmem:v35+s18+$0x0], $0xffff;
	s31 =	smov.u32 s24  }
0x1ed: {  	v32 =	vadd.f32 v32, v44;
	v39 =	vmul.f32 v39, v3;
	v35 =	vld.idx.msk [tilespmem:v21+s18+$0x0], $0xffff  }
0x1ee: {  	v44 =	vmul.f32 v25, v2;
	v2 =	vmov v22;
	v42 =	vld.idx.msk [tilespmem:v19+s18+$0x0], $0xffff;
	[tilespmem:s22+$0x180] =	vst v24;
	v24 =	vadd.s32 $0x200, v18  }
0x1ef: {  	v22 =	vadd.f32 v39, v46;
	v36 =	vsub.f32 v36, v41;
	v29 =	vld.idx.msk [tilespmem:v29+s18+$0x0], $0xffff  }
0x1f0: {  	v38 =	vadd.f32 v44, v38;
	v25 =	vld.idx.msk [tilespmem:v37+s18+$0x0], $0xffff;
	v37 =	vadd.s32 $0x200, v16  }
0x1f1: {  	[tilespmem:s31+$0x180] =	vst v22;
	v34 =	vld.idx.msk [tilespmem:v34+s18+$0x0], $0xffff;
	v22 =	vmul.f32 v36, v0;
	v36 =	vadd.s32 $0x380, v5;
	v5 =	vmovc v17;
	v17 =	vmov v43  }
0x1f2: {  	s11 =	sadd.s32 $0x200, s11;
	s12 =	sadd.s32 $0x40, s12;
	v30 =	vsub.f32 v30, v40;
	v39 =	vld.idx.msk [tilespmem:v14+s18+$0x0], $0xffff;
	[tilespmem:s16+$0x380] =	vst v38;
	s16 =	smov.u32 s22  }
0x1f3: {  	v43 =	vadd.s32 $0x380, v4;
	v4 =	vmovc v15;
	v15 =	vmovc v28;
	v38 =	vadd.s32 $0x180, v6;
	v24 =	vld.idx.msk [tilespmem:v24+s18+$0x0], $0xffff;
	v41 =	vadd.f32 v22, v41  }
0x1f4: {  	v28 =	vsub.f32 v31, v48;
	v31 =	vadd.s32 $0x180, v8;
	v30 =	vmul.f32 v30, v1;
	v1 =	vmovc v7;
	v7 =	vmovc v27;
	v22 =	vld [tilespmem:s14+$0xFFFFFFE0]  }
0x1f5: {  	s8 =	sand.u32 $0xC00, s11;
	s24 =	sadd.s32 $0x30, s12;
	v27 =	vadd.s32 $0x80, v15;
	v37 =	vld.idx.msk [tilespmem:v37+s18+$0x0], $0xffff;
	[tilespmem:s7+$0x300] =	vst v41  }
0x1f6: {  	s22 =	sadd.s32 $0x11800, s8;
	s8 =	sand.u32 $0x70, s24;
	v28 =	vmul.f32 v28, v7;
	v41 =	vadd.s32 $0x80, v17;
	v30 =	vadd.f32 v30, v40;
	[tilespmem:s0+$0x100] =	vst v33;
	v33 =	vld.idx.msk [tilespmem:v36+s18+$0x0], $0xffff  }
0x1f7: {  	s8 =	sor.u32 s8, s22;
	v29 =	vsub.f32 v29, v34;
	v36 =	vld.idx.msk [tilespmem:v23+s18+$0x0], $0xffff  }
0x1f8: {  	s24 =	sadd.s32 $0x20, s12;
	v40 =	vadd.s32 $0x80, v21;
	v28 =	vadd.f32 v28, v48;
	[tilespmem:s8+$0x0] =	vst v32;
	v32 =	vadd.s32 $0x200, v9;
	v38 =	vld.idx.msk [tilespmem:v38+s18+$0x0], $0xffff  }
0x1f9: {  	v44 =	vadd.s32 $0x80, v20;
	v35 =	vsub.f32 v35, v42;
	s24 =	sand.u32 $0x60, s24;
	v29 =	vmul.f32 v29, v12;
	v31 =	vld.idx.msk [tilespmem:v31+s18+$0x0], $0xffff;
	[tilespmem:s30+$0x380] =	vst v30;
	s30 =	smov.u32 s0  }
0x1fa: {  	v45 =	vadd.s32 $0x280, v18;
	v46 =	vadd.s32 $0x280, v4;
	s0 =	sor.u32 s24, s22;
	v30 =	vadd.s32 $0x80, v13;
	v43 =	vld.idx.msk [tilespmem:v43+s18+$0x0], $0xffff  }
0x1fb: {  	v47 =	vadd.s32 $0x80, v14;
	v35 =	vmul.f32 v35, v10;
	[tilespmem:s0+$0x0] =	vst v28;
	v48 =	vld.idx.msk [tilespmem:v27+s18+$0x0], $0xffff;
	v28 =	vsub.f32 v37, v24  }
0x1fc: {  	v29 =	vadd.f32 v29, v34;
	v34 =	vadd.s32 $0x280, v5;
	v27 =	vadd.s32 $0x80, v23;
	v37 =	vld.idx.msk [tilespmem:v41+s18+$0x0], $0xffff  }
0x1fd: {  	v35 =	vadd.f32 v35, v42;
	s24 =	sadd.s32 $0x10, s12;
	v36 =	vsub.f32 v36, v39;
	v32 =	vld.idx.msk [tilespmem:v32+s18+$0x0], $0xffff;
	v28 =	vmul.f32 v28, v3  }
0x1fe: {  	v42 =	vadd.s32 $0x280, v16;
	s24 =	sand.u32 $0x50, s24;
	v41 =	vld.idx.msk [tilespmem:v44+s18+$0x0], $0xffff;
	[tilespmem:s2+$0x200] =	vst v29  }
0x1ff: {  	s24 =	sor.u32 s24, s22;
	v29 =	vmul.f32 v36, v22;
	v36 =	vsub.f32 v38, v31;
	v30 =	vld.idx.msk [tilespmem:v30+s18+$0x0], $0xffff;
	v28 =	vadd.f32 v28, v24  }
0x200: {  	v38 =	vadd.s32 $0x200, v6;
	v33 =	vsub.f32 v33, v43;
	[tilespmem:s24+$0x0] =	vst v35;
	v24 =	vld.idx.msk [tilespmem:v46+s18+$0x0], $0xffff  }
0x201: {  	s21 =	sand.u32 $0x40, s12;
	v29 =	vadd.f32 v29, v39;
	v35 =	vmul.f32 v36, v1;
	v36 =	vadd.s32 $0x200, v8;
	[tilespmem:s31+$0x200] =	vst v28;
	v34 =	vld.idx.msk [tilespmem:v34+s18+$0x0], $0xffff  }
0x202: {  	s22 =	sor.u32 s21, s22;
	v39 =	vadd.s32 $0x80, v19;
	v37 =	vsub.f32 v37, v48;
	v33 =	vmul.f32 v33, v0;
	v0 =	vmovc v12;
	v28 =	vld.idx.msk [tilespmem:v45+s18+$0x0], $0xffff  }
0x203: {  	v12 =	vmov v26;
	v32 =	vsub.f32 v32, v25;
	v31 =	vadd.f32 v35, v31;
	[tilespmem:s22+$0x0] =	vst v29;
	v42 =	vld.idx.msk [tilespmem:v42+s18+$0x0], $0xffff  }
0x204: {  	v44 =	vadd.s32 $0x100, v15;
	v26 =	vmul.f32 v37, v12;
	v37 =	vadd.f32 v33, v43;
	v35 =	vld.idx.msk [tilespmem:v47+s18+$0x0], $0xffff  }
0x205: {  	v30 =	vsub.f32 v30, v41;
	v32 =	vmul.f32 v32, v2;
	v29 =	vld.idx.msk [tilespmem:v40+s18+$0x0], $0xffff;
	v40 =	vadd.s32 $0x280, v9;
	[tilespmem:s30+$0x180] =	vst v31  }
.Ltmp4:
0x206: {  	v31 =	vadd.f32 v26, v48;
	v33 =	vld.idx.msk [tilespmem:v36+s18+$0x0], $0xffff;
	[tilespmem:s7+$0x380] =	vst v37;
	s7 =	smov.u32 s2;
	s2 =	smov.u32 s8;
	(pc) =	sbr.rel @p2 .LBB2_7-.Ltmp4, $4  }
0x207: {  	v30 =	vmul.f32 v30, v7;
	v25 =	vadd.f32 v32, v25;
	v34 =	vsub.f32 v34, v24;
	v26 =	vld.idx.msk [tilespmem:v38+s18+$0x0], $0xffff  }
0x208: {  	v37 =	vld.idx.msk [tilespmem:v39+s18+$0x0], $0xffff;
	[tilespmem:s2+$0x80] =	vst v31  }
0x209: {  	v36 =	vadd.f32 v30, v41;
	v32 =	vld.idx.msk [tilespmem:v44+s18+$0x0], $0xffff;
	[tilespmem:s16+$0x200] =	vst v25;
	v25 =	vmul.f32 v34, v0  }
0x20a: {  	v30 =	vsub.f32 v42, v28;
	v31 =	vld.idx.msk [tilespmem:v40+s18+$0x0], $0xffff  }
0x20b: {  	_ =	sdelay $0x3  }
0x20c: {  	v27 =	vld.idx.msk [tilespmem:v27+s18+$0x0], $0xffff;
	_ =	sdelay $0x2  }
0x20d: {  	v29 =	vsub.f32 v29, v37;
	_ =	sdelay $0x1  }
0x20e: {  	v34 =	vadd.s32 $0x100, v19;
	v29 =	vmul.f32 v29, v10;
	v27 =	vsub.f32 v27, v35  }
0x20f: {  	v38 =	vadd.s32 $0x100, v21  }
0x210: {  	v47 =	vadd.s32 $0x100, v14;
	v29 =	vadd.f32 v29, v37;
	v27 =	vmul.f32 v27, v22  }
0x211: {  	v39 =	vadd.s32 $0x100, v23  }
0x212: {  	[tilespmem:s24+$0x80] =	vst v29;
	v27 =	vadd.f32 v27, v35  }
0x213: {  	v48 =	vadd.s32 $0x100, v13;
	v34 =	vld.idx.msk [tilespmem:v34+s18+$0x0], $0xffff  }
0x214: {  	v29 =	vadd.s32 $0x100, v20;
	[tilespmem:s22+$0x80] =	vst v27;
	v27 =	vld.idx.msk [tilespmem:v38+s18+$0x0], $0xffff  }
0x215: {  	v37 =	vld.idx.msk [tilespmem:v47+s18+$0x0], $0xffff  }
0x216: {  	v49 =	vadd.s32 $0x100, v17;
	v39 =	vld.idx.msk [tilespmem:v39+s18+$0x0], $0xffff  }
0x217: {  	[tilespmem:s0+$0x80] =	vst v36  }
0x218: {  	v35 =	vld.idx.msk [tilespmem:v48+s18+$0x0], $0xffff  }
0x219: {  	v29 =	vld.idx.msk [tilespmem:v29+s18+$0x0], $0xffff;
	v27 =	vsub.f32 v27, v34;
	_ =	sdelay $0x1  }
0x21a: {  	v52 =	vadd.s32 $0x180, v19;
	v50 =	vld.idx.msk [tilespmem:v49+s18+$0x0], $0xffff;
	v51 =	vsub.f32 v39, v37;
	v27 =	vmul.f32 v27, v10  }
0x21b: {  	v40 =	vadd.s32 $0x180, v21;
	v41 =	vadd.s32 $0x180, v14  }
0x21c: {  	v26 =	vsub.f32 v26, v33;
	v38 =	vmul.f32 v51, v22;
	v27 =	vadd.f32 v27, v34  }
0x21d: {  	v53 =	vadd.s32 $0x180, v23;
	v35 =	vsub.f32 v35, v29  }
0x21e: {  	v61 =	vadd.s32 $0x280, v8;
	v26 =	vmul.f32 v26, v1;
	v37 =	vadd.f32 v38, v37;
	[tilespmem:s24+$0x100] =	vst v27  }
0x21f: {  	v55 =	vadd.s32 $0x180, v13;
	v35 =	vmul.f32 v35, v7;
	v27 =	vsub.f32 v50, v32;
	v54 =	vld.idx.msk [tilespmem:v52+s18+$0x0], $0xffff  }
0x220: {  	v57 =	vadd.s32 $0x180, v20;
	v26 =	vadd.f32 v26, v33;
	[tilespmem:s22+$0x100] =	vst v37;
	v56 =	vld.idx.msk [tilespmem:v40+s18+$0x0], $0xffff  }
0x221: {  	v58 =	vadd.s32 $0x180, v15;
	v29 =	vadd.f32 v35, v29;
	v27 =	vmul.f32 v27, v12;
	v41 =	vld.idx.msk [tilespmem:v41+s18+$0x0], $0xffff  }
0x222: {  	v59 =	vadd.s32 $0x180, v17;
	[tilespmem:s30+$0x200] =	vst v26;
	v34 =	vld.idx.msk [tilespmem:v53+s18+$0x0], $0xffff  }
0x223: {  	v42 =	vadd.s32 $0x280, v11;
	v48 =	vld.idx.msk [tilespmem:v61+s18+$0x0], $0xffff;
	[tilespmem:s0+$0x100] =	vst v29;
	v27 =	vadd.f32 v27, v32  }
0x224: {  	v29 =	vmul.f32 v30, v3;
	v30 =	vadd.s32 $0x300, v18;
	v60 =	vld.idx.msk [tilespmem:v55+s18+$0x0], $0xffff  }
0x225: {  	v50 =	vadd.s32 $0x300, v16;
	v62 =	vld.idx.msk [tilespmem:v57+s18+$0x0], $0xffff;
	[tilespmem:s2+$0x100] =	vst v27;
	v27 =	vsub.f32 v56, v54  }
0x226: {  	v28 =	vadd.f32 v29, v28;
	v29 =	vadd.s32 $0x280, v6;
	v63 =	vld.idx.msk [tilespmem:v58+s18+$0x0], $0xffff  }
0x227: {  	v45 =	vadd.s32 $0x200, v19;
	v35 =	vld.idx.msk [tilespmem:v59+s18+$0x0], $0xffff;
	v34 =	vsub.f32 v34, v41;
	v27 =	vmul.f32 v27, v10  }
0x228: {  	v46 =	vadd.s32 $0x200, v21;
	[tilespmem:s31+$0x280] =	vst v28;
	v28 =	vld.idx.msk [tilespmem:v42+s18+$0x0], $0xffff  }
0x229: {  	v47 =	vadd.s32 $0x200, v14;
	v26 =	vld.idx.msk [tilespmem:v30+s18+$0x0], $0xffff;
	v30 =	vmul.f32 v34, v22;
	v27 =	vadd.f32 v27, v54  }
0x22a: {  	v49 =	vadd.s32 $0x200, v23;
	v42 =	vld.idx.msk [tilespmem:v50+s18+$0x0], $0xffff;
	v32 =	vsub.f32 v60, v62  }
0x22b: {  	v29 =	vld.idx.msk [tilespmem:v29+s18+$0x0], $0xffff;
	v30 =	vadd.f32 v30, v41;
	[tilespmem:s24+$0x180] =	vst v27  }
0x22c: {  	v52 =	vadd.s32 $0x200, v20;
	v32 =	vmul.f32 v32, v7;
	v27 =	vsub.f32 v35, v63;
	v51 =	vld.idx.msk [tilespmem:v45+s18+$0x0], $0xffff  }
0x22d: {  	v53 =	vadd.s32 $0x200, v13;
	v54 =	vadd.s32 $0x200, v17;
	[tilespmem:s22+$0x180] =	vst v30;
	v30 =	vld.idx.msk [tilespmem:v46+s18+$0x0], $0xffff  }
0x22e: {  	v31 =	vsub.f32 v31, v28;
	v32 =	vadd.f32 v32, v62;
	v27 =	vmul.f32 v27, v12;
	v34 =	vld.idx.msk [tilespmem:v47+s18+$0x0], $0xffff  }
0x22f: {  	v55 =	vadd.s32 $0x200, v15;
	v42 =	vsub.f32 v42, v26;
	v38 =	vld.idx.msk [tilespmem:v49+s18+$0x0], $0xffff  }
0x230: {  	v56 =	vadd.s32 $0x300, v11;
	v31 =	vmul.f32 v31, v2;
	[tilespmem:s0+$0x180] =	vst v32;
	v27 =	vadd.f32 v27, v63  }
0x231: {  	v58 =	vadd.s32 $0x300, v9;
	v29 =	vsub.f32 v29, v48;
	v44 =	vmul.f32 v42, v3;
	v57 =	vld.idx.msk [tilespmem:v52+s18+$0x0], $0xffff  }
0x232: {  	v18 =	vadd.s32 $0x380, v18;
	v28 =	vadd.f32 v31, v28;
	[tilespmem:s2+$0x180] =	vst v27;
	v27 =	vsub.f32 v30, v51;
	v30 =	vld.idx.msk [tilespmem:v53+s18+$0x0], $0xffff  }
0x233: {  	v16 =	vadd.s32 $0x380, v16;
	v29 =	vmul.f32 v29, v1;
	v26 =	vadd.f32 v44, v26;
	v59 =	vld.idx.msk [tilespmem:v54+s18+$0x0], $0xffff  }
0x234: {  	v60 =	vadd.s32 $0x280, v19;
	[tilespmem:s16+$0x280] =	vst v28;
	v37 =	vld.idx.msk [tilespmem:v55+s18+$0x0], $0xffff;
	v38 =	vsub.f32 v38, v34;
	v27 =	vmul.f32 v27, v10  }
0x235: {  	v28 =	vadd.f32 v29, v48;
	v29 =	vadd.s32 $0x280, v21;
	v32 =	vld.idx.msk [tilespmem:v56+s18+$0x0], $0xffff  }
0x236: {  	v62 =	vadd.s32 $0x280, v23;
	v63 =	vld.idx.msk [tilespmem:v58+s18+$0x0], $0xffff;
	[tilespmem:s31+$0x300] =	vst v26;
	v61 =	vmul.f32 v38, v22;
	v27 =	vadd.f32 v27, v51  }
0x237: {  	v18 =	vld.idx.msk [tilespmem:v18+s18+$0x0], $0xffff;
	[tilespmem:s30+$0x280] =	vst v28;
	v28 =	vadd.s32 $0x280, v14;
	v30 =	vsub.f32 v30, v57  }
0x238: {  	v31 =	vadd.s32 $0x300, v8;
	v16 =	vld.idx.msk [tilespmem:v16+s18+$0x0], $0xffff;
	[tilespmem:s24+$0x200] =	vst v27;
	v27 =	vadd.f32 v61, v34  }
0x239: {  	v47 =	vadd.s32 $0x280, v20;
	v45 =	vsub.f32 v59, v37;
	v46 =	vld.idx.msk [tilespmem:v60+s18+$0x0], $0xffff;
	v30 =	vmul.f32 v30, v7  }
0x23a: {  	v29 =	vld.idx.msk [tilespmem:v29+s18+$0x0], $0xffff;
	[tilespmem:s22+$0x200] =	vst v27;
	v27 =	vadd.s32 $0x280, v13  }
0x23b: {  	v48 =	vadd.s32 $0x280, v15;
	v34 =	vmul.f32 v45, v12;
	v36 =	vld.idx.msk [tilespmem:v62+s18+$0x0], $0xffff;
	v30 =	vadd.f32 v30, v57  }
0x23c: {  	v26 =	vadd.s32 $0x280, v17;
	v28 =	vld.idx.msk [tilespmem:v28+s18+$0x0], $0xffff  }
0x23d: {  	v49 =	vadd.s32 $0x300, v6;
	v31 =	vld.idx.msk [tilespmem:v31+s18+$0x0], $0xffff;
	v34 =	vadd.f32 v34, v37;
	[tilespmem:s0+$0x200] =	vst v30  }
0x23e: {  	v50 =	vadd.s32 $0x300, v5;
	v38 =	vsub.f32 v63, v32;
	v30 =	vld.idx.msk [tilespmem:v47+s18+$0x0], $0xffff  }
0x23f: {  	v51 =	vadd.s32 $0x300, v4;
	[tilespmem:s2+$0x200] =	vst v34;
	v29 =	vsub.f32 v29, v46;
	v27 =	vld.idx.msk [tilespmem:v27+s18+$0x0], $0xffff  }
0x240: {  	v24 =	vadd.f32 v25, v24;
	v11 =	vadd.s32 $0x380, v11;
	v38 =	vmul.f32 v38, v2;
	v25 =	vld.idx.msk [tilespmem:v48+s18+$0x0], $0xffff  }
0x241: {  	v9 =	vadd.s32 $0x380, v9;
	v26 =	vld.idx.msk [tilespmem:v26+s18+$0x0], $0xffff;
	v29 =	vmul.f32 v29, v10;
	v36 =	vsub.f32 v36, v28  }
0x242: {  	[tilespmem:s7+$0x280] =	vst v24;
	v52 =	vadd.s32 $0x300, v19;
	v33 =	vld.idx.msk [tilespmem:v49+s18+$0x0], $0xffff;
	v32 =	vadd.f32 v38, v32  }
0x243: {  	v53 =	vadd.s32 $0x300, v21;
	v55 =	vld.idx.msk [tilespmem:v50+s18+$0x0], $0xffff;
	v24 =	vadd.f32 v29, v46;
	v29 =	vmul.f32 v36, v22  }
0x244: {  	v54 =	vadd.s32 $0x300, v14;
	[tilespmem:s16+$0x300] =	vst v32;
	v34 =	vld.idx.msk [tilespmem:v51+s18+$0x0], $0xffff;
	v27 =	vsub.f32 v27, v30  }
0x245: {  	v56 =	vadd.s32 $0x300, v23;
	v11 =	vld.idx.msk [tilespmem:v11+s18+$0x0], $0xffff;
	[tilespmem:s24+$0x280] =	vst v24;
	v24 =	vadd.f32 v29, v28  }
0x246: {  	v9 =	vld.idx.msk [tilespmem:v9+s18+$0x0], $0xffff;
	v26 =	vsub.f32 v26, v25;
	v29 =	vadd.s32 $0x300, v20;
	v27 =	vmul.f32 v27, v7  }
0x247: {  	v33 =	vsub.f32 v33, v31;
	v28 =	vld.idx.msk [tilespmem:v52+s18+$0x0], $0xffff;
	[tilespmem:s22+$0x280] =	vst v24;
	v24 =	vadd.s32 $0x300, v13  }
0x248: {  	v59 =	vadd.s32 $0x300, v15;
	v57 =	vld.idx.msk [tilespmem:v53+s18+$0x0], $0xffff;
	v26 =	vmul.f32 v26, v12;
	v27 =	vadd.f32 v27, v30  }
0x249: {  	v33 =	vmul.f32 v33, v1;
	v35 =	vld.idx.msk [tilespmem:v54+s18+$0x0], $0xffff;
	v30 =	vadd.s32 $0x300, v17  }
0x24a: {  	v8 =	vadd.s32 $0x380, v8;
	v58 =	vld.idx.msk [tilespmem:v56+s18+$0x0], $0xffff;
	v25 =	vadd.f32 v26, v25;
	v26 =	vsub.f32 v55, v34;
	[tilespmem:s0+$0x280] =	vst v27  }
0x24b: {  	v6 =	vadd.s32 $0x380, v6;
	v27 =	vld.idx.msk [tilespmem:v29+s18+$0x0], $0xffff  }
0x24c: {  	v5 =	vadd.s32 $0x380, v5;
	[tilespmem:s2+$0x280] =	vst v25;
	v25 =	vmul.f32 v26, v0;
	v29 =	vadd.f32 v33, v31;
	v24 =	vld.idx.msk [tilespmem:v24+s18+$0x0], $0xffff  }
0x24d: {  	v4 =	vadd.s32 $0x380, v4;
	v26 =	vsub.f32 v57, v28;
	v60 =	vld.idx.msk [tilespmem:v59+s18+$0x0], $0xffff  }
0x24e: {  	v25 =	vadd.f32 v25, v34;
	v30 =	vld.idx.msk [tilespmem:v30+s18+$0x0], $0xffff;
	[tilespmem:s30+$0x300] =	vst v29  }
0x24f: {  	v19 =	vadd.s32 $0x380, v19;
	v31 =	vsub.f32 v58, v35;
	v26 =	vmul.f32 v26, v10;
	v8 =	vld.idx.msk [tilespmem:v8+s18+$0x0], $0xffff  }
0x250: {  	v21 =	vadd.s32 $0x380, v21;
	v14 =	vadd.s32 $0x380, v14;
	v6 =	vld.idx.msk [tilespmem:v6+s18+$0x0], $0xffff;
	[tilespmem:s7+$0x300] =	vst v25  }
0x251: {  	v29 =	vmul.f32 v31, v22;
	v25 =	vadd.f32 v26, v28;
	v5 =	vld.idx.msk [tilespmem:v5+s18+$0x0], $0xffff;
	v24 =	vsub.f32 v24, v27  }
0x252: {  	v23 =	vadd.s32 $0x380, v23;
	v20 =	vadd.s32 $0x380, v20;
	v4 =	vld.idx.msk [tilespmem:v4+s18+$0x0], $0xffff  }
0x253: {  	v26 =	vadd.f32 v29, v35;
	[tilespmem:s24+$0x300] =	vst v25;
	v24 =	vmul.f32 v24, v7;
	v25 =	vsub.f32 v30, v60  }
0x254: {  	v13 =	vadd.s32 $0x380, v13;
	v19 =	vld.idx.msk [tilespmem:v19+s18+$0x0], $0xffff  }
0x255: {  	v17 =	vadd.s32 $0x380, v17;
	v21 =	vld.idx.msk [tilespmem:v21+s18+$0x0], $0xffff;
	[tilespmem:s22+$0x300] =	vst v26;
	v24 =	vadd.f32 v24, v27;
	v25 =	vmul.f32 v25, v12  }
0x256: {  	v15 =	vadd.s32 $0x380, v15;
	v14 =	vld.idx.msk [tilespmem:v14+s18+$0x0], $0xffff  }
0x257: {  	v23 =	vld.idx.msk [tilespmem:v23+s18+$0x0], $0xffff;
	[tilespmem:s0+$0x300] =	vst v24;
	v24 =	vadd.f32 v25, v60  }
0x258: {  	v20 =	vld.idx.msk [tilespmem:v20+s18+$0x0], $0xffff  }
0x259: {  	v16 =	vsub.f32 v16, v18;
	v13 =	vld.idx.msk [tilespmem:v13+s18+$0x0], $0xffff;
	[tilespmem:s2+$0x300] =	vst v24  }
0x25a: {  	v9 =	vsub.f32 v9, v11;
	v17 =	vld.idx.msk [tilespmem:v17+s18+$0x0], $0xffff  }
0x25b: {  	v3 =	vmul.f32 v16, v3;
	v6 =	vsub.f32 v6, v8;
	v15 =	vld.idx.msk [tilespmem:v15+s18+$0x0], $0xffff  }
0x25c: {  	v2 =	vmul.f32 v9, v2;
	v5 =	vsub.f32 v5, v4  }
0x25d: {  	v3 =	vadd.f32 v3, v18;
	v1 =	vmul.f32 v6, v1;
	v6 =	vsub.f32 v21, v19  }
0x25e: {  	v2 =	vadd.f32 v2, v11;
	v0 =	vmul.f32 v5, v0;
	v5 =	vsub.f32 v23, v14  }
0x25f: {  	[tilespmem:s31+$0x380] =	vst v3;
	v1 =	vadd.f32 v1, v8;
	v3 =	vmul.f32 v6, v10;
	v6 =	vsub.f32 v13, v20  }
0x260: {  	[tilespmem:s16+$0x380] =	vst v2;
	v0 =	vadd.f32 v0, v4;
	v2 =	vmul.f32 v5, v22;
	v4 =	vsub.f32 v17, v15  }
0x261: {  	[tilespmem:s30+$0x380] =	vst v1;
	v1 =	vadd.f32 v3, v19;
	v3 =	vmul.f32 v6, v7  }
0x262: {  	[tilespmem:s7+$0x380] =	vst v0;
	v0 =	vadd.f32 v2, v14;
	v2 =	vmul.f32 v4, v12  }
0x263: {  	[tilespmem:s24+$0x380] =	vst v1;
	v1 =	vadd.f32 v3, v20  }
0x264: {  	[tilespmem:s22+$0x380] =	vst v0;
	v0 =	vadd.f32 v2, v15  }
0x265: {  	s12 =	sshll.u32 s3, $0x9;
	[tilespmem:s0+$0x380] =	vst v1  }
0x266: {  	s13 =	simm.s32 $0x11800;
	s0 =	sadd.s32 s4, s12;
	[tilespmem:s2+$0x380] =	vst v0  }
0x267: {  	[hbm4b:s0+s5] =	stream.linear.scatter [tilespmem:s13], [sflag:$0x6], $0x1000, $0x38;
	[tilespmem:$0x14800] =	vst v63  }
0x268: {  	s0 =	rddreg [dreg:$0x9]  }
0x269: {  	s0 =	sadd.s32 @!p1 s10, s0  }
0x26a: {  	s0 =	sshll.u32 @!p1 s0, $0xB  }
0x26b: {  	s3 =	simm.s32 @!p1 $0x4800;
	s2 =	simm.s32 @!p1 $0x0;
	s0 =	sadd.s32 @!p1 s1, s0  }
0x26c: {  	[tilespmem:s3], [sflag:$0x2] =	stream.linear.gather @!p1 [hbm4b:s0+s2], $0x4000, $0x38;
	[tilespmem:$0x14800] =	vst v63  }
0x26d: {  	_ =	swait.ge [sflag:s25], $0x4000  }
0x26e: {  	[sflag:s25] =	ssyncset.done $0x0  }
0x26f: {  	s0 =	simm.s32 @!p0 $0x7;
	[sflag:s25] =	ssyncadd.s32 $0xFFFFC000  }
0x270: {  	_ =	swait.ge @!p0 [sflag:s0], $0x1000  }
0x271: {  	[sflag:s0] =	ssyncset.done @!p0 $0x0  }
0x272: {  	s14 =	simm.s32 $0x220;
	[sflag:s0] =	ssyncadd.s32 @!p0 $0xFFFFF000  }
0x273: {  	s16 =	simm.s32 $0x420;
	v4 =	vld [tilespmem:s14+$0x10]  }
0x274: {  	v5 =	vld [tilespmem:s16+$0x10];
	_ =	sdelay $0x1  }
0x275: {  	v11 =	vld [tilespmem:s14+$0xFFFFFFE0]  }
0x276: {  	s21 =	simm.s32 $0x620;
	v6 =	vld [tilespmem:s16+$0x0]  }
0x277: {  	v0 =	vld [tilespmem:s21+$0x10]  }
0x278: {  	v16 =	vld [tilespmem:s16+$0xFFFFFFF0]  }
0x279: {  	v9 =	vld [tilespmem:s16+$0xFFFFFFE0]  }
0x27a: {  	v3 =	vld.idx.msk [tilespmem:v4+s19+$0x0], $0xffff  }
0x27b: {  	v2 =	vld.idx.msk [tilespmem:v5+s19+$0x0], $0xffff  }
0x27c: {  	v18 =	vld [tilespmem:s14+$0xFFFFFFF0]  }
0x27d: {  	v8 =	vld [tilespmem:s14+$0x0]  }
0x27e: {  	v1 =	vld [tilespmem:s21+$0x0]  }
0x27f: {  	v7 =	vld.idx.msk [tilespmem:v6+s19+$0x0], $0xffff  }
0x280: {  	v10 =	vld.idx.msk [tilespmem:v11+s19+$0x0], $0xffff;
	v2 =	vsub.f32 v2, v3  }
0x281: {  	v12 =	vld.idx.msk [tilespmem:v9+s19+$0x0], $0xffff  }
0x282: {  	s22 =	simm.s32 $0x0;
	v15 =	vadd.s32 $0x80, v4;
	v14 =	vld.idx.msk [tilespmem:v16+s19+$0x0], $0xffff;
	v13 =	vmul.f32 v2, v0  }
0x283: {  	s26 =	simm.s32 $0x30;
	s24 =	sand.u32 $0xC00, s22;
	v17 =	vadd.s32 $0x80, v5;
	v2 =	vld [tilespmem:s21+$0xFFFFFFE0]  }
0x284: {  	s7 =	sand.u32 $0x70, s26;
	s2 =	sadd.s32 $0x12800, s24;
	v19 =	vld.idx.msk [tilespmem:v18+s19+$0x0], $0xffff;
	v13 =	vadd.f32 v13, v3  }
0x285: {  	s7 =	sor.u32 s7, s2;
	v20 =	vld.idx.msk [tilespmem:v8+s19+$0x0], $0xffff  }
0x286: {  	v12 =	vsub.f32 v12, v10;
	v3 =	vld [tilespmem:s21+$0xFFFFFFF0];
	[tilespmem:s7+$0x0] =	vst v13  }
0x287: {  	v13 =	vld.idx.msk [tilespmem:v15+s19+$0x0], $0xffff  }
0x288: {  	v15 =	vadd.s32 $0x80, v11;
	v17 =	vld.idx.msk [tilespmem:v17+s19+$0x0], $0xffff;
	v12 =	vmul.f32 v12, v2  }
0x289: {  	v21 =	vadd.s32 $0x80, v9;
	v14 =	vsub.f32 v14, v19  }
0x28a: {  	s0 =	sand.u32 $0x40, s22;
	v10 =	vadd.f32 v12, v10  }
0x28b: {  	s16 =	sor.u32 s0, s2;
	v7 =	vsub.f32 v7, v20;
	v12 =	vadd.s32 $0x80, v16;
	v14 =	vmul.f32 v14, v3  }
0x28c: {  	s3 =	simm.s32 $0x10;
	v22 =	vadd.s32 $0x80, v18;
	[tilespmem:s16+$0x0] =	vst v10  }
0x28d: {  	s0 =	sand.u32 $0x50, s3;
	v7 =	vmul.f32 v7, v1;
	v14 =	vadd.f32 v14, v19;
	v17 =	vsub.f32 v17, v13;
	v15 =	vld.idx.msk [tilespmem:v15+s19+$0x0], $0xffff  }
0x28e: {  	s8 =	simm.s32 $0x20;
	s31 =	sor.u32 s0, s2;
	v10 =	vadd.s32 $0x80, v8;
	v21 =	vld.idx.msk [tilespmem:v21+s19+$0x0], $0xffff  }
0x28f: {  	s11 =	sand.u32 $0x60, s8;
	v7 =	vadd.f32 v7, v20;
	v19 =	vadd.s32 $0x80, v6;
	[tilespmem:s31+$0x0] =	vst v14;
	v14 =	vmul.f32 v17, v0  }
0x290: {  	s30 =	sor.u32 s11, s2;
	v12 =	vld.idx.msk [tilespmem:v12+s19+$0x0], $0xffff  }
0x291: {  	[tilespmem:s30+$0x0] =	vst v7;
	v20 =	vld.idx.msk [tilespmem:v22+s19+$0x0], $0xffff;
	v7 =	vadd.f32 v14, v13  }
0x292: {  	v17 =	vadd.s32 $0x100, v4  }
0x293: {  	v22 =	vld.idx.msk [tilespmem:v10+s19+$0x0], $0xffff;
	[tilespmem:s7+$0x80] =	vst v7;
	v7 =	vsub.f32 v21, v15  }
0x294: {  	s26 =	simm.s32 $0x260;
	v10 =	vld.idx.msk [tilespmem:v19+s19+$0x0], $0xffff;
	v19 =	vadd.s32 $0x100, v5  }
0x295: {  	s29 =	simm.s32 $0x460;
	v23 =	vadd.s32 $0x100, v11;
	v14 =	vld [tilespmem:s26+$0xFFFFFFE0];
	v21 =	vmul.f32 v7, v2  }
0x296: {  	v24 =	vadd.s32 $0x100, v9;
	v13 =	vld [tilespmem:s29+$0x0];
	v12 =	vsub.f32 v12, v20  }
0x297: {  	s14 =	simm.s32 $0x660;
	v17 =	vld.idx.msk [tilespmem:v17+s19+$0x0], $0xffff;
	v15 =	vadd.f32 v21, v15  }
0x298: {  	v26 =	vadd.s32 $0x100, v16;
	v7 =	vld [tilespmem:s14+$0x0];
	v12 =	vmul.f32 v12, v3  }
0x299: {  	v19 =	vld.idx.msk [tilespmem:v19+s19+$0x0], $0xffff;
	v25 =	vsub.f32 v10, v22;
	v21 =	vadd.s32 $0x100, v18;
	[tilespmem:s16+$0x80] =	vst v15  }
0x29a: {  	v12 =	vadd.f32 v12, v20;
	v23 =	vld.idx.msk [tilespmem:v23+s19+$0x0], $0xffff  }
0x29b: {  	v20 =	vmul.f32 v25, v1;
	v24 =	vld.idx.msk [tilespmem:v24+s19+$0x0], $0xffff  }
0x29c: {  	v10 =	vld [tilespmem:s14+$0xFFFFFFF0];
	[tilespmem:s31+$0x80] =	vst v12  }
0x29d: {  	v20 =	vadd.f32 v20, v22;
	v22 =	vld.idx.msk [tilespmem:v26+s19+$0x0], $0xffff  }
0x29e: {  	v19 =	vsub.f32 v19, v17;
	v21 =	vld.idx.msk [tilespmem:v21+s19+$0x0], $0xffff  }
0x29f: {  	v15 =	vld [tilespmem:s26+$0x10]  }
0x2a0: {  	v29 =	vld.idx.msk [tilespmem:v13+s19+$0x0], $0xffff;
	v26 =	vadd.s32 $0x180, v4;
	[tilespmem:s30+$0x80] =	vst v20;
	v20 =	vmul.f32 v19, v0;
	v24 =	vsub.f32 v24, v23  }
0x2a1: {  	v27 =	vadd.s32 $0x180, v5;
	v48 =	vld.idx.msk [tilespmem:v14+s19+$0x0], $0xffff  }
0x2a2: {  	v12 =	vld [tilespmem:s14+$0x10];
	v17 =	vadd.f32 v20, v17;
	v24 =	vmul.f32 v24, v2  }
0x2a3: {  	v28 =	vadd.s32 $0x180, v11;
	v20 =	vld [tilespmem:s26+$0x0];
	v22 =	vsub.f32 v22, v21  }
0x2a4: {  	v30 =	vadd.s32 $0x180, v9;
	[tilespmem:s7+$0x100] =	vst v17;
	v17 =	vld [tilespmem:s29+$0x10];
	v23 =	vadd.f32 v24, v23  }
0x2a5: {  	v26 =	vld.idx.msk [tilespmem:v26+s19+$0x0], $0xffff;
	v22 =	vmul.f32 v22, v3;
	v24 =	vadd.s32 $0x180, v18  }
0x2a6: {  	[tilespmem:s16+$0x100] =	vst v23;
	v23 =	vld.idx.msk [tilespmem:v27+s19+$0x0], $0xffff;
	v27 =	vadd.s32 $0x180, v16  }
0x2a7: {  	v22 =	vadd.f32 v22, v21;
	v21 =	vld [tilespmem:s29+$0xFFFFFFF0]  }
0x2a8: {  	v25 =	vadd.s32 $0x100, v8;
	v28 =	vld.idx.msk [tilespmem:v28+s19+$0x0], $0xffff  }
0x2a9: {  	v30 =	vld.idx.msk [tilespmem:v30+s19+$0x0], $0xffff;
	[tilespmem:s31+$0x100] =	vst v22  }
0x2aa: {  	v31 =	vadd.s32 $0x100, v6;
	v22 =	vld.idx.msk [tilespmem:v24+s19+$0x0], $0xffff  }
0x2ab: {  	v24 =	vld.idx.msk [tilespmem:v27+s19+$0x0], $0xffff  }
0x2ac: {  	v19 =	vld [tilespmem:s26+$0xFFFFFFF0]  }
0x2ad: {  	v25 =	vld.idx.msk [tilespmem:v25+s19+$0x0], $0xffff  }
0x2ae: {  	v63 =	vld.idx.msk [tilespmem:v20+s19+$0x0], $0xffff;
	v23 =	vsub.f32 v23, v26  }
0x2af: {  	v27 =	vld.idx.msk [tilespmem:v31+s19+$0x0], $0xffff;
	v30 =	vsub.f32 v30, v28  }
0x2b0: {  	v62 =	vadd.s32 $0x200, v5;
	v61 =	vld.idx.msk [tilespmem:v17+s19+$0x0], $0xffff;
	v23 =	vmul.f32 v23, v0;
	v24 =	vsub.f32 v24, v22  }
0x2b1: {  	v44 =	vadd.s32 $0x200, v4;
	v31 =	vld.idx.msk [tilespmem:v15+s19+$0x0], $0xffff;
	v30 =	vmul.f32 v30, v2  }
0x2b2: {  	v45 =	vadd.s32 $0x200, v18;
	v26 =	vadd.f32 v23, v26;
	v23 =	vld [tilespmem:s29+$0xFFFFFFE0];
	v24 =	vmul.f32 v24, v3  }
0x2b3: {  	v46 =	vadd.s32 $0x200, v16;
	v28 =	vadd.f32 v30, v28;
	v30 =	vld.idx.msk [tilespmem:v21+s19+$0x0], $0xffff  }
0x2b4: {  	v43 =	vadd.s32 $0x200, v11;
	v27 =	vsub.f32 v27, v25;
	[tilespmem:s7+$0x180] =	vst v26;
	v26 =	vld.idx.msk [tilespmem:v19+s19+$0x0], $0xffff;
	v22 =	vadd.f32 v24, v22  }
0x2b5: {  	[tilespmem:s16+$0x180] =	vst v28;
	v28 =	vld.idx.msk [tilespmem:v62+s19+$0x0], $0xffff  }
0x2b6: {  	v49 =	vadd.s32 $0x180, v6;
	v32 =	vsub.f32 v61, v31;
	v27 =	vmul.f32 v27, v1;
	v24 =	vld.idx.msk [tilespmem:v44+s19+$0x0], $0xffff;
	[tilespmem:s31+$0x180] =	vst v22  }
0x2b7: {  	v50 =	vadd.s32 $0x180, v8;
	v37 =	vld.idx.msk [tilespmem:v45+s19+$0x0], $0xffff  }
0x2b8: {  	s11 =	simm.s32 $0x200;
	v25 =	vadd.f32 v27, v25;
	v27 =	vmul.f32 v32, v12;
	v33 =	vld.idx.msk [tilespmem:v46+s19+$0x0], $0xffff  }
0x2b9: {  	s13 =	simm.s32 $0x70;
	s12 =	sand.u32 $0xC00, s11;
	v51 =	vadd.s32 $0x80, v15;
	v29 =	vsub.f32 v29, v63;
	v47 =	vld.idx.msk [tilespmem:v43+s19+$0x0], $0xffff  }
0x2ba: {  	s22 =	sand.u32 $0x70, s13;
	s21 =	sadd.s32 $0x12800, s12;
	v27 =	vadd.f32 v27, v31;
	[tilespmem:s30+$0x100] =	vst v25;
	v31 =	vadd.s32 $0x200, v9;
	v25 =	vld.idx.msk [tilespmem:v23+s19+$0x0], $0xffff  }
0x2bb: {  	s2 =	sor.u32 s22, s21;
	v52 =	vadd.s32 $0x80, v17;
	v29 =	vmul.f32 v29, v7;
	v30 =	vsub.f32 v30, v26;
	v36 =	vld.idx.msk [tilespmem:v49+s19+$0x0], $0xffff  }
0x2bc: {  	s24 =	simm.s32 $0x60;
	v54 =	vadd.s32 $0x80, v13;
	v53 =	vadd.s32 $0x80, v20;
	[tilespmem:s2+$0x0] =	vst v27;
	v27 =	vld.idx.msk [tilespmem:v50+s19+$0x0], $0xffff;
	v28 =	vsub.f32 v28, v24  }
0x2bd: {  	s0 =	sand.u32 $0x60, s24;
	v29 =	vadd.f32 v29, v63;
	v22 =	vld [tilespmem:s14+$0xFFFFFFE0];
	v30 =	vmul.f32 v30, v10;
	v33 =	vsub.f32 v33, v37  }
0x2be: {  	s8 =	simm.s32 $0x50;
	v55 =	vadd.s32 $0x280, v4;
	s0 =	sor.u32 s0, s21;
	v32 =	vld.idx.msk [tilespmem:v51+s19+$0x0], $0xffff;
	v28 =	vmul.f32 v28, v0  }
0x2bf: {  	s8 =	sand.u32 $0x50, s8;
	v61 =	vadd.s32 $0x80, v19;
	[tilespmem:s0+$0x0] =	vst v29;
	v26 =	vadd.f32 v30, v26;
	v29 =	vld.idx.msk [tilespmem:v31+s19+$0x0], $0xffff;
	v31 =	vmul.f32 v33, v3  }
0x2c0: {  	s24 =	sor.u32 s8, s21;
	v40 =	vld.idx.msk [tilespmem:v52+s19+$0x0], $0xffff;
	v25 =	vsub.f32 v25, v48;
	v24 =	vadd.f32 v28, v24;
	v28 =	vadd.s32 $0x280, v5  }
0x2c1: {  	v58 =	vadd.s32 $0x80, v21;
	v41 =	vld.idx.msk [tilespmem:v53+s19+$0x0], $0xffff;
	[tilespmem:s24+$0x0] =	vst v26;
	v36 =	vsub.f32 v36, v27;
	v31 =	vadd.f32 v31, v37  }
0x2c2: {  	v56 =	vadd.s32 $0x280, v18;
	v39 =	vld.idx.msk [tilespmem:v54+s19+$0x0], $0xffff;
	v25 =	vmul.f32 v25, v22;
	[tilespmem:s7+$0x200] =	vst v24  }
0x2c3: {  	s12 =	simm.s32 $0x40;
	v43 =	vadd.s32 $0x280, v16;
	v24 =	vld.idx.msk [tilespmem:v55+s19+$0x0], $0xffff;
	[tilespmem:s31+$0x200] =	vst v31;
	v31 =	vmul.f32 v36, v1  }
0x2c4: {  	s13 =	sand.u32 $0x40, s12;
	v30 =	vadd.s32 $0x200, v6;
	v25 =	vadd.f32 v25, v48;
	v37 =	vld.idx.msk [tilespmem:v61+s19+$0x0], $0xffff  }
0x2c5: {  	s22 =	sor.u32 s13, s21;
	v57 =	vadd.s32 $0x80, v14;
	v40 =	vsub.f32 v40, v32;
	v60 =	vld.idx.msk [tilespmem:v28+s19+$0x0], $0xffff;
	v27 =	vadd.f32 v31, v27  }
0x2c6: {  	v59 =	vadd.s32 $0x200, v8;
	[tilespmem:s22+$0x0] =	vst v25;
	v25 =	vsub.f32 v29, v47;
	v29 =	vld.idx.msk [tilespmem:v58+s19+$0x0], $0xffff  }
0x2c7: {  	v26 =	vmul.f32 v40, v12;
	v28 =	vld.idx.msk [tilespmem:v56+s19+$0x0], $0xffff;
	v31 =	vadd.s32 $0x100, v15;
	[tilespmem:s30+$0x180] =	vst v27;
	v27 =	vsub.f32 v39, v41  }
0x2c8: {  	v62 =	vadd.s32 $0x280, v9;
	v43 =	vld.idx.msk [tilespmem:v43+s19+$0x0], $0xffff;
	v25 =	vmul.f32 v25, v2  }
0x2c9: {  	v32 =	vadd.f32 v26, v32;
	v26 =	vld.idx.msk [tilespmem:v30+s19+$0x0], $0xffff;
	v30 =	vmul.f32 v27, v7;
	v27 =	vadd.s32 $0x80, v23  }
0x2ca: {  	v35 =	vld.idx.msk [tilespmem:v57+s19+$0x0], $0xffff;
	v25 =	vadd.f32 v25, v47  }
0x2cb: {  	[tilespmem:s2+$0x80] =	vst v32;
	v33 =	vld.idx.msk [tilespmem:v59+s19+$0x0], $0xffff;
	v63 =	vsub.f32 v60, v24  }
0x2cc: {  	[tilespmem:s16+$0x200] =	vst v25;
	v32 =	vld.idx.msk [tilespmem:v31+s19+$0x0], $0xffff  }
0x2cd: {  	s3 =	sadd.s32 $0x2, s15;
	s13 =	simm.s32 $0x4;
	v25 =	vmul.f32 v63, v0;
	v31 =	vld.idx.msk [tilespmem:v62+s19+$0x0], $0xffff;
	v36 =	vadd.f32 v30, v41;
	v30 =	vsub.f32 v43, v28  }
.LBB2_9:
0x2ce: {  	v38 =	vld.idx.msk [tilespmem:v27+s19+$0x0], $0xffff;
	s14 =	sadd.s32 $0x40, s14;
	s29 =	sadd.s32 $0x40, s29;
	s26 =	sadd.s32 $0x40, s26  }
0x2cf: {  	s13 =	sadd.s32 $0x4, s13;
	v34 =	vld [tilespmem:s26+$0xFFFFFFE0];
	v39 =	vmul.f32 v30, v3  }
0x2d0: {  	v40 =	vadd.s32 $0x280, v11;
	p2 =	slt.u32 s13, $0x1C;
	v26 =	vsub.f32 v26, v33;
	v30 =	vld [tilespmem:s29+$0x0]  }
0x2d1: {  	v42 =	vadd.s32 $0x100, v17;
	v41 =	vsub.f32 v29, v37;
	v27 =	vld [tilespmem:s14+$0x0]  }
0x2d2: {  	v43 =	vadd.s32 $0x300, v18;
	v39 =	vadd.f32 v39, v28;
	v44 =	vmul.f32 v26, v1;
	v29 =	vld [tilespmem:s14+$0xFFFFFFF0]  }
0x2d3: {  	v45 =	vadd.s32 $0x280, v8;
	v41 =	vmul.f32 v41, v10;
	v28 =	vld [tilespmem:s26+$0x10]  }
0x2d4: {  	v38 =	vsub.f32 v38, v35;
	v33 =	vadd.f32 v44, v33;
	v26 =	vld [tilespmem:s14+$0x10];
	[tilespmem:s31+$0x280] =	vst v39;
	v39 =	vadd.s32 $0x280, v6  }
0x2d5: {  	v37 =	vadd.f32 v41, v37;
	v41 =	vadd.s32 $0x300, v16;
	v40 =	vld.idx.msk [tilespmem:v40+s19+$0x0], $0xffff  }
0x2d6: {  	v44 =	vadd.s32 $0x100, v14;
	v38 =	vmul.f32 v38, v22;
	v42 =	vld.idx.msk [tilespmem:v42+s19+$0x0], $0xffff;
	[tilespmem:s30+$0x200] =	vst v33  }
0x2d7: {  	v33 =	vadd.s32 $0x100, v20;
	v43 =	vld.idx.msk [tilespmem:v43+s19+$0x0], $0xffff  }
0x2d8: {  	v35 =	vadd.f32 v38, v35;
	[tilespmem:s24+$0x80] =	vst v37;
	v37 =	vadd.s32 $0x100, v19;
	v38 =	vld.idx.msk [tilespmem:v45+s19+$0x0], $0xffff  }
0x2d9: {  	v39 =	vld.idx.msk [tilespmem:v39+s19+$0x0], $0xffff  }
0x2da: {  	[tilespmem:s22+$0x80] =	vst v35;
	v35 =	vadd.s32 $0x100, v21;
	v41 =	vld.idx.msk [tilespmem:v41+s19+$0x0], $0xffff  }
0x2db: {  	v45 =	vadd.s32 $0x100, v23;
	v31 =	vsub.f32 v31, v40;
	v44 =	vld.idx.msk [tilespmem:v44+s19+$0x0], $0xffff;
	[tilespmem:s0+$0x80] =	vst v36  }
0x2dc: {  	v36 =	vsub.f32 v42, v32;
	v33 =	vld.idx.msk [tilespmem:v33+s19+$0x0], $0xffff  }
0x2dd: {  	v42 =	vadd.s32 $0x300, v11;
	v31 =	vmul.f32 v31, v2;
	v37 =	vld.idx.msk [tilespmem:v37+s19+$0x0], $0xffff  }
0x2de: {  	v36 =	vmul.f32 v36, v12;
	v46 =	vld [tilespmem:s26+$0xFFFFFFF0]  }
0x2df: {  	v31 =	vadd.f32 v31, v40;
	v40 =	vadd.s32 $0x300, v9;
	v39 =	vsub.f32 v39, v38;
	v35 =	vld.idx.msk [tilespmem:v35+s19+$0x0], $0xffff  }
0x2e0: {  	v32 =	vadd.f32 v36, v32;
	v36 =	vadd.s32 $0x180, v15;
	v41 =	vsub.f32 v41, v43;
	v45 =	vld.idx.msk [tilespmem:v45+s19+$0x0], $0xffff  }
0x2e1: {  	v48 =	vadd.s32 $0x300, v8;
	v39 =	vmul.f32 v39, v1;
	v47 =	vld [tilespmem:s26+$0x0];
	[tilespmem:s16+$0x280] =	vst v31  }
0x2e2: {  	v41 =	vmul.f32 v41, v3;
	[tilespmem:s2+$0x100] =	vst v32;
	v32 =	vld.idx.msk [tilespmem:v42+s19+$0x0], $0xffff  }
0x2e3: {  	v38 =	vadd.f32 v39, v38;
	v31 =	vld.idx.msk [tilespmem:v30+s19+$0x0], $0xffff  }
0x2e4: {  	v39 =	vadd.s32 $0x100, v13;
	v41 =	vadd.f32 v41, v43;
	v40 =	vld.idx.msk [tilespmem:v40+s19+$0x0], $0xffff  }
0x2e5: {  	v42 =	vadd.s32 $0x380, v18;
	v18 =	vmovc v19;
	v19 =	vmov v46;
	v35 =	vsub.f32 v35, v37;
	v36 =	vld.idx.msk [tilespmem:v36+s19+$0x0], $0xffff;
	[tilespmem:s30+$0x280] =	vst v38  }
0x2e6: {  	v38 =	vsub.f32 v45, v44;
	[tilespmem:s31+$0x300] =	vst v41;
	v41 =	vld.idx.msk [tilespmem:v48+s19+$0x0], $0xffff  }
0x2e7: {  	v45 =	vadd.s32 $0x180, v17;
	v35 =	vmul.f32 v35, v10;
	v43 =	vld [tilespmem:s29+$0x10]  }
0x2e8: {  	v48 =	vadd.s32 $0x300, v6;
	v38 =	vmul.f32 v38, v22;
	v46 =	vld [tilespmem:s29+$0xFFFFFFF0]  }
0x2e9: {  	v49 =	vadd.s32 $0x180, v14;
	v35 =	vadd.f32 v35, v37;
	v37 =	vld.idx.msk [tilespmem:v39+s19+$0x0], $0xffff  }
0x2ea: {  	v38 =	vadd.f32 v38, v44;
	v39 =	vsub.f32 v40, v32;
	v40 =	vld.idx.msk [tilespmem:v42+s19+$0x0], $0xffff;
	v42 =	vadd.s32 $0x380, v16;
	v16 =	vmovc v21  }
0x2eb: {  	v44 =	vld.idx.msk [tilespmem:v28+s19+$0x0], $0xffff;
	[tilespmem:s24+$0x100] =	vst v35  }
0x2ec: {  	v35 =	vadd.s32 $0x180, v23;
	v39 =	vmul.f32 v39, v2;
	[tilespmem:s22+$0x100] =	vst v38;
	v38 =	vld.idx.msk [tilespmem:v45+s19+$0x0], $0xffff  }
0x2ed: {  	v45 =	vadd.s32 $0x380, v11;
	v11 =	vmovc v14;
	v14 =	vmov v34;
	v48 =	vld.idx.msk [tilespmem:v48+s19+$0x0], $0xffff;
	v21 =	vmov v46  }
0x2ee: {  	v46 =	vadd.s32 $0x180, v18;
	v32 =	vadd.f32 v39, v32;
	v34 =	vld.idx.msk [tilespmem:v49+s19+$0x0], $0xffff  }
0x2ef: {  	v39 =	vadd.s32 $0x180, v16;
	v42 =	vld.idx.msk [tilespmem:v42+s19+$0x0], $0xffff  }
0x2f0: {  	v37 =	vsub.f32 v37, v33;
	v49 =	vld.idx.msk [tilespmem:v43+s19+$0x0], $0xffff;
	[tilespmem:s16+$0x300] =	vst v32;
	v32 =	vadd.s32 $0x380, v9;
	v9 =	vmov v23  }
0x2f1: {  	v23 =	vld.idx.msk [tilespmem:v35+s19+$0x0], $0xffff  }
0x2f2: {  	v35 =	vmul.f32 v37, v7;
	v37 =	vsub.f32 v38, v36;
	v38 =	vld.idx.msk [tilespmem:v45+s19+$0x0], $0xffff;
	v45 =	vadd.s32 $0x300, v5  }
0x2f3: {  	v50 =	vadd.s32 $0x300, v4;
	v48 =	vsub.f32 v48, v41;
	v46 =	vld.idx.msk [tilespmem:v46+s19+$0x0], $0xffff  }
0x2f4: {  	v24 =	vadd.f32 v25, v24;
	v33 =	vadd.f32 v35, v33;
	v35 =	vmul.f32 v37, v12;
	v39 =	vld.idx.msk [tilespmem:v39+s19+$0x0], $0xffff  }
0x2f5: {  	v37 =	vmul.f32 v48, v1;
	v25 =	vld.idx.msk [tilespmem:v32+s19+$0x0], $0xffff;
	v32 =	vsub.f32 v42, v40;
	v42 =	vadd.s32 $0x380, v8;
	v8 =	vmovc v20  }
0x2f6: {  	v51 =	vadd.f32 v35, v36;
	v35 =	vadd.s32 $0x380, v6;
	v6 =	vmovc v13;
	v13 =	vmov v30;
	v48 =	vld.idx.msk [tilespmem:v47+s19+$0x0], $0xffff;
	[tilespmem:s7+$0x280] =	vst v24  }
0x2f7: {  	v24 =	vsub.f32 v23, v34;
	v30 =	vmul.f32 v32, v3;
	v32 =	vadd.f32 v37, v41;
	v36 =	vld.idx.msk [tilespmem:v45+s19+$0x0], $0xffff  }
0x2f8: {  	v20 =	vmovc v47;
	v37 =	vsub.f32 v49, v44;
	v3 =	vmov v10;
	v10 =	vmov v29;
	[tilespmem:s2+$0x180] =	vst v51;
	v41 =	vld.idx.msk [tilespmem:v50+s19+$0x0], $0xffff  }
0x2f9: {  	v29 =	vadd.s32 $0x200, v17;
	v24 =	vmul.f32 v24, v22;
	v23 =	vld [tilespmem:s29+$0xFFFFFFE0];
	v30 =	vadd.f32 v30, v40;
	[tilespmem:s30+$0x300] =	vst v32  }
0x2fa: {  	v32 =	vmul.f32 v37, v26;
	v37 =	vadd.s32 $0x200, v11;
	v39 =	vsub.f32 v39, v46;
	v40 =	vld.idx.msk [tilespmem:v42+s19+$0x0], $0xffff  }
0x2fb: {  	v24 =	vadd.f32 v24, v34;
	v34 =	vadd.s32 $0x200, v15;
	v25 =	vsub.f32 v25, v38;
	[tilespmem:s31+$0x380] =	vst v30;
	v30 =	vld.idx.msk [tilespmem:v35+s19+$0x0], $0xffff;
	s31 =	smov.u32 s24  }
0x2fc: {  	v32 =	vadd.f32 v32, v44;
	v39 =	vmul.f32 v39, v3;
	v35 =	vld.idx.msk [tilespmem:v21+s19+$0x0], $0xffff  }
0x2fd: {  	v44 =	vmul.f32 v25, v2;
	v2 =	vmov v22;
	v42 =	vld.idx.msk [tilespmem:v19+s19+$0x0], $0xffff;
	[tilespmem:s22+$0x180] =	vst v24;
	v24 =	vadd.s32 $0x200, v18  }
0x2fe: {  	v22 =	vadd.f32 v39, v46;
	v36 =	vsub.f32 v36, v41;
	v29 =	vld.idx.msk [tilespmem:v29+s19+$0x0], $0xffff  }
0x2ff: {  	v38 =	vadd.f32 v44, v38;
	v25 =	vld.idx.msk [tilespmem:v37+s19+$0x0], $0xffff;
	v37 =	vadd.s32 $0x200, v16  }
0x300: {  	[tilespmem:s31+$0x180] =	vst v22;
	v34 =	vld.idx.msk [tilespmem:v34+s19+$0x0], $0xffff;
	v22 =	vmul.f32 v36, v0;
	v36 =	vadd.s32 $0x380, v5;
	v5 =	vmovc v17;
	v17 =	vmov v43  }
0x301: {  	s11 =	sadd.s32 $0x200, s11;
	s12 =	sadd.s32 $0x40, s12;
	v30 =	vsub.f32 v30, v40;
	v39 =	vld.idx.msk [tilespmem:v14+s19+$0x0], $0xffff;
	[tilespmem:s16+$0x380] =	vst v38;
	s16 =	smov.u32 s22  }
0x302: {  	v43 =	vadd.s32 $0x380, v4;
	v4 =	vmovc v15;
	v15 =	vmovc v28;
	v38 =	vadd.s32 $0x180, v6;
	v24 =	vld.idx.msk [tilespmem:v24+s19+$0x0], $0xffff;
	v41 =	vadd.f32 v22, v41  }
0x303: {  	v28 =	vsub.f32 v31, v48;
	v31 =	vadd.s32 $0x180, v8;
	v30 =	vmul.f32 v30, v1;
	v1 =	vmovc v7;
	v7 =	vmovc v27;
	v22 =	vld [tilespmem:s14+$0xFFFFFFE0]  }
0x304: {  	s8 =	sand.u32 $0xC00, s11;
	s21 =	sadd.s32 $0x30, s12;
	v27 =	vadd.s32 $0x80, v15;
	v37 =	vld.idx.msk [tilespmem:v37+s19+$0x0], $0xffff;
	[tilespmem:s7+$0x300] =	vst v41  }
0x305: {  	s22 =	sadd.s32 $0x12800, s8;
	s8 =	sand.u32 $0x70, s21;
	v28 =	vmul.f32 v28, v7;
	v41 =	vadd.s32 $0x80, v17;
	v30 =	vadd.f32 v30, v40;
	[tilespmem:s0+$0x100] =	vst v33;
	v33 =	vld.idx.msk [tilespmem:v36+s19+$0x0], $0xffff  }
0x306: {  	s8 =	sor.u32 s8, s22;
	v29 =	vsub.f32 v29, v34;
	v36 =	vld.idx.msk [tilespmem:v23+s19+$0x0], $0xffff  }
0x307: {  	s21 =	sadd.s32 $0x20, s12;
	v40 =	vadd.s32 $0x80, v21;
	v28 =	vadd.f32 v28, v48;
	[tilespmem:s8+$0x0] =	vst v32;
	v32 =	vadd.s32 $0x200, v9;
	v38 =	vld.idx.msk [tilespmem:v38+s19+$0x0], $0xffff  }
0x308: {  	v44 =	vadd.s32 $0x80, v20;
	v35 =	vsub.f32 v35, v42;
	s21 =	sand.u32 $0x60, s21;
	v29 =	vmul.f32 v29, v12;
	v31 =	vld.idx.msk [tilespmem:v31+s19+$0x0], $0xffff;
	[tilespmem:s30+$0x380] =	vst v30;
	s30 =	smov.u32 s0  }
0x309: {  	v45 =	vadd.s32 $0x280, v18;
	v46 =	vadd.s32 $0x280, v4;
	s0 =	sor.u32 s21, s22;
	v30 =	vadd.s32 $0x80, v13;
	v43 =	vld.idx.msk [tilespmem:v43+s19+$0x0], $0xffff  }
0x30a: {  	v47 =	vadd.s32 $0x80, v14;
	v35 =	vmul.f32 v35, v10;
	[tilespmem:s0+$0x0] =	vst v28;
	v48 =	vld.idx.msk [tilespmem:v27+s19+$0x0], $0xffff;
	v28 =	vsub.f32 v37, v24  }
0x30b: {  	v29 =	vadd.f32 v29, v34;
	v34 =	vadd.s32 $0x280, v5;
	v27 =	vadd.s32 $0x80, v23;
	v37 =	vld.idx.msk [tilespmem:v41+s19+$0x0], $0xffff  }
0x30c: {  	v35 =	vadd.f32 v35, v42;
	s21 =	sadd.s32 $0x10, s12;
	v36 =	vsub.f32 v36, v39;
	v32 =	vld.idx.msk [tilespmem:v32+s19+$0x0], $0xffff;
	v28 =	vmul.f32 v28, v3  }
0x30d: {  	v42 =	vadd.s32 $0x280, v16;
	s21 =	sand.u32 $0x50, s21;
	v41 =	vld.idx.msk [tilespmem:v44+s19+$0x0], $0xffff;
	[tilespmem:s2+$0x200] =	vst v29  }
0x30e: {  	s24 =	sor.u32 s21, s22;
	v29 =	vmul.f32 v36, v22;
	v36 =	vsub.f32 v38, v31;
	v30 =	vld.idx.msk [tilespmem:v30+s19+$0x0], $0xffff;
	v28 =	vadd.f32 v28, v24  }
0x30f: {  	v38 =	vadd.s32 $0x200, v6;
	v33 =	vsub.f32 v33, v43;
	[tilespmem:s24+$0x0] =	vst v35;
	v24 =	vld.idx.msk [tilespmem:v46+s19+$0x0], $0xffff  }
0x310: {  	s21 =	sand.u32 $0x40, s12;
	v29 =	vadd.f32 v29, v39;
	v35 =	vmul.f32 v36, v1;
	v36 =	vadd.s32 $0x200, v8;
	[tilespmem:s31+$0x200] =	vst v28;
	v34 =	vld.idx.msk [tilespmem:v34+s19+$0x0], $0xffff  }
0x311: {  	s22 =	sor.u32 s21, s22;
	v39 =	vadd.s32 $0x80, v19;
	v37 =	vsub.f32 v37, v48;
	v33 =	vmul.f32 v33, v0;
	v0 =	vmovc v12;
	v28 =	vld.idx.msk [tilespmem:v45+s19+$0x0], $0xffff  }
0x312: {  	v12 =	vmov v26;
	v32 =	vsub.f32 v32, v25;
	v31 =	vadd.f32 v35, v31;
	[tilespmem:s22+$0x0] =	vst v29;
	v42 =	vld.idx.msk [tilespmem:v42+s19+$0x0], $0xffff  }
0x313: {  	v44 =	vadd.s32 $0x100, v15;
	v26 =	vmul.f32 v37, v12;
	v37 =	vadd.f32 v33, v43;
	v35 =	vld.idx.msk [tilespmem:v47+s19+$0x0], $0xffff  }
0x314: {  	v30 =	vsub.f32 v30, v41;
	v32 =	vmul.f32 v32, v2;
	v29 =	vld.idx.msk [tilespmem:v40+s19+$0x0], $0xffff;
	v40 =	vadd.s32 $0x280, v9;
	[tilespmem:s30+$0x180] =	vst v31  }
.Ltmp5:
0x315: {  	v31 =	vadd.f32 v26, v48;
	v33 =	vld.idx.msk [tilespmem:v36+s19+$0x0], $0xffff;
	[tilespmem:s7+$0x380] =	vst v37;
	s7 =	smov.u32 s2;
	s2 =	smov.u32 s8;
	(pc) =	sbr.rel @p2 .LBB2_9-.Ltmp5, $4  }
0x316: {  	v30 =	vmul.f32 v30, v7;
	v25 =	vadd.f32 v32, v25;
	v34 =	vsub.f32 v34, v24;
	v26 =	vld.idx.msk [tilespmem:v38+s19+$0x0], $0xffff  }
0x317: {  	v37 =	vld.idx.msk [tilespmem:v39+s19+$0x0], $0xffff;
	[tilespmem:s2+$0x80] =	vst v31  }
0x318: {  	v36 =	vadd.f32 v30, v41;
	v32 =	vld.idx.msk [tilespmem:v44+s19+$0x0], $0xffff;
	[tilespmem:s16+$0x200] =	vst v25;
	v25 =	vmul.f32 v34, v0  }
0x319: {  	v30 =	vsub.f32 v42, v28;
	v31 =	vld.idx.msk [tilespmem:v40+s19+$0x0], $0xffff  }
0x31a: {  	_ =	sdelay $0x3  }
0x31b: {  	v27 =	vld.idx.msk [tilespmem:v27+s19+$0x0], $0xffff;
	_ =	sdelay $0x2  }
0x31c: {  	v29 =	vsub.f32 v29, v37;
	_ =	sdelay $0x1  }
0x31d: {  	v34 =	vadd.s32 $0x100, v19;
	v29 =	vmul.f32 v29, v10;
	v27 =	vsub.f32 v27, v35  }
0x31e: {  	v38 =	vadd.s32 $0x100, v21  }
0x31f: {  	v47 =	vadd.s32 $0x100, v14;
	v29 =	vadd.f32 v29, v37;
	v27 =	vmul.f32 v27, v22  }
0x320: {  	v39 =	vadd.s32 $0x100, v23  }
0x321: {  	[tilespmem:s24+$0x80] =	vst v29;
	v27 =	vadd.f32 v27, v35  }
0x322: {  	v48 =	vadd.s32 $0x100, v13;
	v34 =	vld.idx.msk [tilespmem:v34+s19+$0x0], $0xffff  }
0x323: {  	v29 =	vadd.s32 $0x100, v20;
	[tilespmem:s22+$0x80] =	vst v27;
	v27 =	vld.idx.msk [tilespmem:v38+s19+$0x0], $0xffff  }
0x324: {  	v37 =	vld.idx.msk [tilespmem:v47+s19+$0x0], $0xffff  }
0x325: {  	v49 =	vadd.s32 $0x100, v17;
	v39 =	vld.idx.msk [tilespmem:v39+s19+$0x0], $0xffff  }
0x326: {  	[tilespmem:s0+$0x80] =	vst v36  }
0x327: {  	v35 =	vld.idx.msk [tilespmem:v48+s19+$0x0], $0xffff  }
0x328: {  	v29 =	vld.idx.msk [tilespmem:v29+s19+$0x0], $0xffff;
	v27 =	vsub.f32 v27, v34;
	_ =	sdelay $0x1  }
0x329: {  	v52 =	vadd.s32 $0x180, v19;
	v50 =	vld.idx.msk [tilespmem:v49+s19+$0x0], $0xffff;
	v51 =	vsub.f32 v39, v37;
	v27 =	vmul.f32 v27, v10  }
0x32a: {  	v40 =	vadd.s32 $0x180, v21;
	v41 =	vadd.s32 $0x180, v14  }
0x32b: {  	v26 =	vsub.f32 v26, v33;
	v38 =	vmul.f32 v51, v22;
	v27 =	vadd.f32 v27, v34  }
0x32c: {  	v53 =	vadd.s32 $0x180, v23;
	v35 =	vsub.f32 v35, v29  }
0x32d: {  	v61 =	vadd.s32 $0x280, v8;
	v26 =	vmul.f32 v26, v1;
	v37 =	vadd.f32 v38, v37;
	[tilespmem:s24+$0x100] =	vst v27  }
0x32e: {  	v55 =	vadd.s32 $0x180, v13;
	v35 =	vmul.f32 v35, v7;
	v27 =	vsub.f32 v50, v32;
	v54 =	vld.idx.msk [tilespmem:v52+s19+$0x0], $0xffff  }
0x32f: {  	v57 =	vadd.s32 $0x180, v20;
	v26 =	vadd.f32 v26, v33;
	[tilespmem:s22+$0x100] =	vst v37;
	v56 =	vld.idx.msk [tilespmem:v40+s19+$0x0], $0xffff  }
0x330: {  	v58 =	vadd.s32 $0x180, v15;
	v29 =	vadd.f32 v35, v29;
	v27 =	vmul.f32 v27, v12;
	v41 =	vld.idx.msk [tilespmem:v41+s19+$0x0], $0xffff  }
0x331: {  	v59 =	vadd.s32 $0x180, v17;
	[tilespmem:s30+$0x200] =	vst v26;
	v34 =	vld.idx.msk [tilespmem:v53+s19+$0x0], $0xffff  }
0x332: {  	v42 =	vadd.s32 $0x280, v11;
	v48 =	vld.idx.msk [tilespmem:v61+s19+$0x0], $0xffff;
	[tilespmem:s0+$0x100] =	vst v29;
	v27 =	vadd.f32 v27, v32  }
0x333: {  	v29 =	vmul.f32 v30, v3;
	v30 =	vadd.s32 $0x300, v18;
	v60 =	vld.idx.msk [tilespmem:v55+s19+$0x0], $0xffff  }
0x334: {  	v50 =	vadd.s32 $0x300, v16;
	v62 =	vld.idx.msk [tilespmem:v57+s19+$0x0], $0xffff;
	[tilespmem:s2+$0x100] =	vst v27;
	v27 =	vsub.f32 v56, v54  }
0x335: {  	v28 =	vadd.f32 v29, v28;
	v29 =	vadd.s32 $0x280, v6;
	v63 =	vld.idx.msk [tilespmem:v58+s19+$0x0], $0xffff  }
0x336: {  	v45 =	vadd.s32 $0x200, v19;
	v35 =	vld.idx.msk [tilespmem:v59+s19+$0x0], $0xffff;
	v34 =	vsub.f32 v34, v41;
	v27 =	vmul.f32 v27, v10  }
0x337: {  	v46 =	vadd.s32 $0x200, v21;
	[tilespmem:s31+$0x280] =	vst v28;
	v28 =	vld.idx.msk [tilespmem:v42+s19+$0x0], $0xffff  }
0x338: {  	v47 =	vadd.s32 $0x200, v14;
	v26 =	vld.idx.msk [tilespmem:v30+s19+$0x0], $0xffff;
	v30 =	vmul.f32 v34, v22;
	v27 =	vadd.f32 v27, v54  }
0x339: {  	v49 =	vadd.s32 $0x200, v23;
	v42 =	vld.idx.msk [tilespmem:v50+s19+$0x0], $0xffff;
	v32 =	vsub.f32 v60, v62  }
0x33a: {  	v29 =	vld.idx.msk [tilespmem:v29+s19+$0x0], $0xffff;
	v30 =	vadd.f32 v30, v41;
	[tilespmem:s24+$0x180] =	vst v27  }
0x33b: {  	v52 =	vadd.s32 $0x200, v20;
	v32 =	vmul.f32 v32, v7;
	v27 =	vsub.f32 v35, v63;
	v51 =	vld.idx.msk [tilespmem:v45+s19+$0x0], $0xffff  }
0x33c: {  	v53 =	vadd.s32 $0x200, v13;
	v54 =	vadd.s32 $0x200, v17;
	[tilespmem:s22+$0x180] =	vst v30;
	v30 =	vld.idx.msk [tilespmem:v46+s19+$0x0], $0xffff  }
0x33d: {  	v31 =	vsub.f32 v31, v28;
	v32 =	vadd.f32 v32, v62;
	v27 =	vmul.f32 v27, v12;
	v34 =	vld.idx.msk [tilespmem:v47+s19+$0x0], $0xffff  }
0x33e: {  	v55 =	vadd.s32 $0x200, v15;
	v42 =	vsub.f32 v42, v26;
	v38 =	vld.idx.msk [tilespmem:v49+s19+$0x0], $0xffff  }
0x33f: {  	v56 =	vadd.s32 $0x300, v11;
	v31 =	vmul.f32 v31, v2;
	[tilespmem:s0+$0x180] =	vst v32;
	v27 =	vadd.f32 v27, v63  }
0x340: {  	v58 =	vadd.s32 $0x300, v9;
	v29 =	vsub.f32 v29, v48;
	v44 =	vmul.f32 v42, v3;
	v57 =	vld.idx.msk [tilespmem:v52+s19+$0x0], $0xffff  }
0x341: {  	v18 =	vadd.s32 $0x380, v18;
	v28 =	vadd.f32 v31, v28;
	[tilespmem:s2+$0x180] =	vst v27;
	v27 =	vsub.f32 v30, v51;
	v30 =	vld.idx.msk [tilespmem:v53+s19+$0x0], $0xffff  }
0x342: {  	v16 =	vadd.s32 $0x380, v16;
	v29 =	vmul.f32 v29, v1;
	v26 =	vadd.f32 v44, v26;
	v59 =	vld.idx.msk [tilespmem:v54+s19+$0x0], $0xffff  }
0x343: {  	v60 =	vadd.s32 $0x280, v19;
	[tilespmem:s16+$0x280] =	vst v28;
	v37 =	vld.idx.msk [tilespmem:v55+s19+$0x0], $0xffff;
	v38 =	vsub.f32 v38, v34;
	v27 =	vmul.f32 v27, v10  }
0x344: {  	v28 =	vadd.f32 v29, v48;
	v29 =	vadd.s32 $0x280, v21;
	v32 =	vld.idx.msk [tilespmem:v56+s19+$0x0], $0xffff  }
0x345: {  	v62 =	vadd.s32 $0x280, v23;
	v63 =	vld.idx.msk [tilespmem:v58+s19+$0x0], $0xffff;
	[tilespmem:s31+$0x300] =	vst v26;
	v61 =	vmul.f32 v38, v22;
	v27 =	vadd.f32 v27, v51  }
0x346: {  	v18 =	vld.idx.msk [tilespmem:v18+s19+$0x0], $0xffff;
	[tilespmem:s30+$0x280] =	vst v28;
	v28 =	vadd.s32 $0x280, v14;
	v30 =	vsub.f32 v30, v57  }
0x347: {  	v31 =	vadd.s32 $0x300, v8;
	v16 =	vld.idx.msk [tilespmem:v16+s19+$0x0], $0xffff;
	[tilespmem:s24+$0x200] =	vst v27;
	v27 =	vadd.f32 v61, v34  }
0x348: {  	v47 =	vadd.s32 $0x280, v20;
	v45 =	vsub.f32 v59, v37;
	v46 =	vld.idx.msk [tilespmem:v60+s19+$0x0], $0xffff;
	v30 =	vmul.f32 v30, v7  }
0x349: {  	v29 =	vld.idx.msk [tilespmem:v29+s19+$0x0], $0xffff;
	[tilespmem:s22+$0x200] =	vst v27;
	v27 =	vadd.s32 $0x280, v13  }
0x34a: {  	v48 =	vadd.s32 $0x280, v15;
	v34 =	vmul.f32 v45, v12;
	v36 =	vld.idx.msk [tilespmem:v62+s19+$0x0], $0xffff;
	v30 =	vadd.f32 v30, v57  }
0x34b: {  	v26 =	vadd.s32 $0x280, v17;
	v28 =	vld.idx.msk [tilespmem:v28+s19+$0x0], $0xffff  }
0x34c: {  	v49 =	vadd.s32 $0x300, v6;
	v31 =	vld.idx.msk [tilespmem:v31+s19+$0x0], $0xffff;
	v34 =	vadd.f32 v34, v37;
	[tilespmem:s0+$0x200] =	vst v30  }
0x34d: {  	v50 =	vadd.s32 $0x300, v5;
	v38 =	vsub.f32 v63, v32;
	v30 =	vld.idx.msk [tilespmem:v47+s19+$0x0], $0xffff  }
0x34e: {  	v51 =	vadd.s32 $0x300, v4;
	[tilespmem:s2+$0x200] =	vst v34;
	v29 =	vsub.f32 v29, v46;
	v27 =	vld.idx.msk [tilespmem:v27+s19+$0x0], $0xffff  }
0x34f: {  	v24 =	vadd.f32 v25, v24;
	v11 =	vadd.s32 $0x380, v11;
	v38 =	vmul.f32 v38, v2;
	v25 =	vld.idx.msk [tilespmem:v48+s19+$0x0], $0xffff  }
0x350: {  	v9 =	vadd.s32 $0x380, v9;
	v26 =	vld.idx.msk [tilespmem:v26+s19+$0x0], $0xffff;
	v29 =	vmul.f32 v29, v10;
	v36 =	vsub.f32 v36, v28  }
0x351: {  	[tilespmem:s7+$0x280] =	vst v24;
	v52 =	vadd.s32 $0x300, v19;
	v33 =	vld.idx.msk [tilespmem:v49+s19+$0x0], $0xffff;
	v32 =	vadd.f32 v38, v32  }
0x352: {  	v53 =	vadd.s32 $0x300, v21;
	v55 =	vld.idx.msk [tilespmem:v50+s19+$0x0], $0xffff;
	v24 =	vadd.f32 v29, v46;
	v29 =	vmul.f32 v36, v22  }
0x353: {  	v54 =	vadd.s32 $0x300, v14;
	[tilespmem:s16+$0x300] =	vst v32;
	v34 =	vld.idx.msk [tilespmem:v51+s19+$0x0], $0xffff;
	v27 =	vsub.f32 v27, v30  }
0x354: {  	v56 =	vadd.s32 $0x300, v23;
	v11 =	vld.idx.msk [tilespmem:v11+s19+$0x0], $0xffff;
	[tilespmem:s24+$0x280] =	vst v24;
	v24 =	vadd.f32 v29, v28  }
0x355: {  	v9 =	vld.idx.msk [tilespmem:v9+s19+$0x0], $0xffff;
	v26 =	vsub.f32 v26, v25;
	v29 =	vadd.s32 $0x300, v20;
	v27 =	vmul.f32 v27, v7  }
0x356: {  	v33 =	vsub.f32 v33, v31;
	v28 =	vld.idx.msk [tilespmem:v52+s19+$0x0], $0xffff;
	[tilespmem:s22+$0x280] =	vst v24;
	v24 =	vadd.s32 $0x300, v13  }
0x357: {  	v59 =	vadd.s32 $0x300, v15;
	v57 =	vld.idx.msk [tilespmem:v53+s19+$0x0], $0xffff;
	v26 =	vmul.f32 v26, v12;
	v27 =	vadd.f32 v27, v30  }
0x358: {  	v33 =	vmul.f32 v33, v1;
	v35 =	vld.idx.msk [tilespmem:v54+s19+$0x0], $0xffff;
	v30 =	vadd.s32 $0x300, v17  }
0x359: {  	v8 =	vadd.s32 $0x380, v8;
	v58 =	vld.idx.msk [tilespmem:v56+s19+$0x0], $0xffff;
	v25 =	vadd.f32 v26, v25;
	v26 =	vsub.f32 v55, v34;
	[tilespmem:s0+$0x280] =	vst v27  }
0x35a: {  	v6 =	vadd.s32 $0x380, v6;
	v27 =	vld.idx.msk [tilespmem:v29+s19+$0x0], $0xffff  }
0x35b: {  	v5 =	vadd.s32 $0x380, v5;
	[tilespmem:s2+$0x280] =	vst v25;
	v25 =	vmul.f32 v26, v0;
	v29 =	vadd.f32 v33, v31;
	v24 =	vld.idx.msk [tilespmem:v24+s19+$0x0], $0xffff  }
0x35c: {  	v4 =	vadd.s32 $0x380, v4;
	v26 =	vsub.f32 v57, v28;
	v60 =	vld.idx.msk [tilespmem:v59+s19+$0x0], $0xffff  }
0x35d: {  	v25 =	vadd.f32 v25, v34;
	v30 =	vld.idx.msk [tilespmem:v30+s19+$0x0], $0xffff;
	[tilespmem:s30+$0x300] =	vst v29  }
0x35e: {  	v19 =	vadd.s32 $0x380, v19;
	v31 =	vsub.f32 v58, v35;
	v26 =	vmul.f32 v26, v10;
	v8 =	vld.idx.msk [tilespmem:v8+s19+$0x0], $0xffff  }
0x35f: {  	v21 =	vadd.s32 $0x380, v21;
	v14 =	vadd.s32 $0x380, v14;
	v6 =	vld.idx.msk [tilespmem:v6+s19+$0x0], $0xffff;
	[tilespmem:s7+$0x300] =	vst v25  }
0x360: {  	v29 =	vmul.f32 v31, v22;
	v25 =	vadd.f32 v26, v28;
	v5 =	vld.idx.msk [tilespmem:v5+s19+$0x0], $0xffff;
	v24 =	vsub.f32 v24, v27  }
0x361: {  	v23 =	vadd.s32 $0x380, v23;
	v20 =	vadd.s32 $0x380, v20;
	v4 =	vld.idx.msk [tilespmem:v4+s19+$0x0], $0xffff  }
0x362: {  	v26 =	vadd.f32 v29, v35;
	[tilespmem:s24+$0x300] =	vst v25;
	v24 =	vmul.f32 v24, v7;
	v25 =	vsub.f32 v30, v60  }
0x363: {  	v13 =	vadd.s32 $0x380, v13;
	v19 =	vld.idx.msk [tilespmem:v19+s19+$0x0], $0xffff  }
0x364: {  	v17 =	vadd.s32 $0x380, v17;
	v21 =	vld.idx.msk [tilespmem:v21+s19+$0x0], $0xffff;
	[tilespmem:s22+$0x300] =	vst v26;
	v24 =	vadd.f32 v24, v27;
	v25 =	vmul.f32 v25, v12  }
0x365: {  	v15 =	vadd.s32 $0x380, v15;
	v14 =	vld.idx.msk [tilespmem:v14+s19+$0x0], $0xffff  }
0x366: {  	v23 =	vld.idx.msk [tilespmem:v23+s19+$0x0], $0xffff;
	[tilespmem:s0+$0x300] =	vst v24;
	v24 =	vadd.f32 v25, v60  }
0x367: {  	v20 =	vld.idx.msk [tilespmem:v20+s19+$0x0], $0xffff  }
0x368: {  	v16 =	vsub.f32 v16, v18;
	v13 =	vld.idx.msk [tilespmem:v13+s19+$0x0], $0xffff;
	[tilespmem:s2+$0x300] =	vst v24  }
0x369: {  	v9 =	vsub.f32 v9, v11;
	v17 =	vld.idx.msk [tilespmem:v17+s19+$0x0], $0xffff  }
0x36a: {  	v3 =	vmul.f32 v16, v3;
	v6 =	vsub.f32 v6, v8;
	v15 =	vld.idx.msk [tilespmem:v15+s19+$0x0], $0xffff  }
0x36b: {  	v2 =	vmul.f32 v9, v2;
	v5 =	vsub.f32 v5, v4  }
0x36c: {  	v3 =	vadd.f32 v3, v18;
	v1 =	vmul.f32 v6, v1;
	v6 =	vsub.f32 v21, v19  }
0x36d: {  	v2 =	vadd.f32 v2, v11;
	v0 =	vmul.f32 v5, v0;
	v5 =	vsub.f32 v23, v14  }
0x36e: {  	[tilespmem:s31+$0x380] =	vst v3;
	v1 =	vadd.f32 v1, v8;
	v3 =	vmul.f32 v6, v10;
	v6 =	vsub.f32 v13, v20  }
0x36f: {  	[tilespmem:s16+$0x380] =	vst v2;
	v0 =	vadd.f32 v0, v4;
	v2 =	vmul.f32 v5, v22;
	v4 =	vsub.f32 v17, v15  }
0x370: {  	[tilespmem:s30+$0x380] =	vst v1;
	v1 =	vadd.f32 v3, v19;
	v3 =	vmul.f32 v6, v7  }
0x371: {  	[tilespmem:s7+$0x380] =	vst v0;
	v0 =	vadd.f32 v2, v14;
	v2 =	vmul.f32 v4, v12  }
0x372: {  	[tilespmem:s24+$0x380] =	vst v1;
	v1 =	vadd.f32 v3, v20  }
0x373: {  	[tilespmem:s22+$0x380] =	vst v0;
	v0 =	vadd.f32 v2, v15  }
0x374: {  	s12 =	sshll.u32 s3, $0x9;
	[tilespmem:s0+$0x380] =	vst v1  }
0x375: {  	s13 =	simm.s32 $0x12800;
	s0 =	sadd.s32 s4, s12;
	[tilespmem:s2+$0x380] =	vst v0  }
0x376: {  	[hbm4b:s0+s5] =	stream.linear.scatter [tilespmem:s13], [sflag:$0x7], $0x1000, $0x38;
	[tilespmem:$0x14800] =	vst v63  }
0x377: {  	s0 =	rddreg [dreg:$0xa]  }
0x378: {  	s0 =	sadd.s32 @!p1 s10, s0  }
0x379: {  	s0 =	sshll.u32 @!p1 s0, $0xB  }
0x37a: {  	s3 =	simm.s32 @!p1 $0x8800;
	s2 =	simm.s32 @!p1 $0x0;
	s0 =	sadd.s32 @!p1 s1, s0  }
0x37b: {  	[tilespmem:s3], [sflag:$0x3] =	stream.linear.gather @!p1 [hbm4b:s0+s2], $0x4000, $0x38;
	[tilespmem:$0x14800] =	vst v63  }
0x37c: {  	_ =	swait.ge [sflag:s28], $0x4000  }
0x37d: {  	[sflag:s28] =	ssyncset.done $0x0  }
0x37e: {  	s0 =	simm.s32 @!p0 $0x8;
	[sflag:s28] =	ssyncadd.s32 $0xFFFFC000  }
0x37f: {  	_ =	swait.ge @!p0 [sflag:s0], $0x1000  }
0x380: {  	[sflag:s0] =	ssyncset.done @!p0 $0x0  }
0x381: {  	s14 =	simm.s32 $0x220;
	[sflag:s0] =	ssyncadd.s32 @!p0 $0xFFFFF000  }
0x382: {  	s16 =	simm.s32 $0x420;
	v4 =	vld [tilespmem:s14+$0x10]  }
0x383: {  	v5 =	vld [tilespmem:s16+$0x10];
	_ =	sdelay $0x1  }
0x384: {  	v11 =	vld [tilespmem:s14+$0xFFFFFFE0]  }
0x385: {  	s21 =	simm.s32 $0x620;
	v6 =	vld [tilespmem:s16+$0x0]  }
0x386: {  	v0 =	vld [tilespmem:s21+$0x10]  }
0x387: {  	v16 =	vld [tilespmem:s16+$0xFFFFFFF0]  }
0x388: {  	v9 =	vld [tilespmem:s16+$0xFFFFFFE0]  }
0x389: {  	v3 =	vld.idx.msk [tilespmem:v4+s20+$0x0], $0xffff  }
0x38a: {  	v2 =	vld.idx.msk [tilespmem:v5+s20+$0x0], $0xffff  }
0x38b: {  	v18 =	vld [tilespmem:s14+$0xFFFFFFF0]  }
0x38c: {  	v8 =	vld [tilespmem:s14+$0x0]  }
0x38d: {  	v1 =	vld [tilespmem:s21+$0x0]  }
0x38e: {  	v7 =	vld.idx.msk [tilespmem:v6+s20+$0x0], $0xffff  }
0x38f: {  	v10 =	vld.idx.msk [tilespmem:v11+s20+$0x0], $0xffff;
	v2 =	vsub.f32 v2, v3  }
0x390: {  	v12 =	vld.idx.msk [tilespmem:v9+s20+$0x0], $0xffff  }
0x391: {  	s22 =	simm.s32 $0x0;
	v15 =	vadd.s32 $0x80, v4;
	v14 =	vld.idx.msk [tilespmem:v16+s20+$0x0], $0xffff;
	v13 =	vmul.f32 v2, v0  }
0x392: {  	s26 =	simm.s32 $0x30;
	s24 =	sand.u32 $0xC00, s22;
	v17 =	vadd.s32 $0x80, v5;
	v2 =	vld [tilespmem:s21+$0xFFFFFFE0]  }
0x393: {  	s7 =	sand.u32 $0x70, s26;
	s2 =	sadd.s32 $0x13800, s24;
	v19 =	vld.idx.msk [tilespmem:v18+s20+$0x0], $0xffff;
	v13 =	vadd.f32 v13, v3  }
0x394: {  	s7 =	sor.u32 s7, s2;
	v20 =	vld.idx.msk [tilespmem:v8+s20+$0x0], $0xffff  }
0x395: {  	v12 =	vsub.f32 v12, v10;
	v3 =	vld [tilespmem:s21+$0xFFFFFFF0];
	[tilespmem:s7+$0x0] =	vst v13  }
0x396: {  	v13 =	vld.idx.msk [tilespmem:v15+s20+$0x0], $0xffff  }
0x397: {  	v15 =	vadd.s32 $0x80, v11;
	v17 =	vld.idx.msk [tilespmem:v17+s20+$0x0], $0xffff;
	v12 =	vmul.f32 v12, v2  }
0x398: {  	v21 =	vadd.s32 $0x80, v9;
	v14 =	vsub.f32 v14, v19  }
0x399: {  	s0 =	sand.u32 $0x40, s22;
	v10 =	vadd.f32 v12, v10  }
0x39a: {  	s16 =	sor.u32 s0, s2;
	v7 =	vsub.f32 v7, v20;
	v12 =	vadd.s32 $0x80, v16;
	v14 =	vmul.f32 v14, v3  }
0x39b: {  	s3 =	simm.s32 $0x10;
	v22 =	vadd.s32 $0x80, v18;
	[tilespmem:s16+$0x0] =	vst v10  }
0x39c: {  	s0 =	sand.u32 $0x50, s3;
	v7 =	vmul.f32 v7, v1;
	v14 =	vadd.f32 v14, v19;
	v17 =	vsub.f32 v17, v13;
	v15 =	vld.idx.msk [tilespmem:v15+s20+$0x0], $0xffff  }
0x39d: {  	s8 =	simm.s32 $0x20;
	s31 =	sor.u32 s0, s2;
	v10 =	vadd.s32 $0x80, v8;
	v21 =	vld.idx.msk [tilespmem:v21+s20+$0x0], $0xffff  }
0x39e: {  	s11 =	sand.u32 $0x60, s8;
	v7 =	vadd.f32 v7, v20;
	v19 =	vadd.s32 $0x80, v6;
	[tilespmem:s31+$0x0] =	vst v14;
	v14 =	vmul.f32 v17, v0  }
0x39f: {  	s30 =	sor.u32 s11, s2;
	v12 =	vld.idx.msk [tilespmem:v12+s20+$0x0], $0xffff  }
0x3a0: {  	[tilespmem:s30+$0x0] =	vst v7;
	v20 =	vld.idx.msk [tilespmem:v22+s20+$0x0], $0xffff;
	v7 =	vadd.f32 v14, v13  }
0x3a1: {  	v17 =	vadd.s32 $0x100, v4  }
0x3a2: {  	v22 =	vld.idx.msk [tilespmem:v10+s20+$0x0], $0xffff;
	[tilespmem:s7+$0x80] =	vst v7;
	v7 =	vsub.f32 v21, v15  }
0x3a3: {  	s26 =	simm.s32 $0x260;
	v10 =	vld.idx.msk [tilespmem:v19+s20+$0x0], $0xffff;
	v19 =	vadd.s32 $0x100, v5  }
0x3a4: {  	s29 =	simm.s32 $0x460;
	v23 =	vadd.s32 $0x100, v11;
	v14 =	vld [tilespmem:s26+$0xFFFFFFE0];
	v21 =	vmul.f32 v7, v2  }
0x3a5: {  	v24 =	vadd.s32 $0x100, v9;
	v13 =	vld [tilespmem:s29+$0x0];
	v12 =	vsub.f32 v12, v20  }
0x3a6: {  	s14 =	simm.s32 $0x660;
	v17 =	vld.idx.msk [tilespmem:v17+s20+$0x0], $0xffff;
	v15 =	vadd.f32 v21, v15  }
0x3a7: {  	v26 =	vadd.s32 $0x100, v16;
	v7 =	vld [tilespmem:s14+$0x0];
	v12 =	vmul.f32 v12, v3  }
0x3a8: {  	v19 =	vld.idx.msk [tilespmem:v19+s20+$0x0], $0xffff;
	v25 =	vsub.f32 v10, v22;
	v21 =	vadd.s32 $0x100, v18;
	[tilespmem:s16+$0x80] =	vst v15  }
0x3a9: {  	v12 =	vadd.f32 v12, v20;
	v23 =	vld.idx.msk [tilespmem:v23+s20+$0x0], $0xffff  }
0x3aa: {  	v20 =	vmul.f32 v25, v1;
	v24 =	vld.idx.msk [tilespmem:v24+s20+$0x0], $0xffff  }
0x3ab: {  	v10 =	vld [tilespmem:s14+$0xFFFFFFF0];
	[tilespmem:s31+$0x80] =	vst v12  }
0x3ac: {  	v20 =	vadd.f32 v20, v22;
	v22 =	vld.idx.msk [tilespmem:v26+s20+$0x0], $0xffff  }
0x3ad: {  	v19 =	vsub.f32 v19, v17;
	v21 =	vld.idx.msk [tilespmem:v21+s20+$0x0], $0xffff  }
0x3ae: {  	v15 =	vld [tilespmem:s26+$0x10]  }
0x3af: {  	v29 =	vld.idx.msk [tilespmem:v13+s20+$0x0], $0xffff;
	v26 =	vadd.s32 $0x180, v4;
	[tilespmem:s30+$0x80] =	vst v20;
	v20 =	vmul.f32 v19, v0;
	v24 =	vsub.f32 v24, v23  }
0x3b0: {  	v27 =	vadd.s32 $0x180, v5;
	v48 =	vld.idx.msk [tilespmem:v14+s20+$0x0], $0xffff  }
0x3b1: {  	v12 =	vld [tilespmem:s14+$0x10];
	v17 =	vadd.f32 v20, v17;
	v24 =	vmul.f32 v24, v2  }
0x3b2: {  	v28 =	vadd.s32 $0x180, v11;
	v20 =	vld [tilespmem:s26+$0x0];
	v22 =	vsub.f32 v22, v21  }
0x3b3: {  	v30 =	vadd.s32 $0x180, v9;
	[tilespmem:s7+$0x100] =	vst v17;
	v17 =	vld [tilespmem:s29+$0x10];
	v23 =	vadd.f32 v24, v23  }
0x3b4: {  	v26 =	vld.idx.msk [tilespmem:v26+s20+$0x0], $0xffff;
	v22 =	vmul.f32 v22, v3;
	v24 =	vadd.s32 $0x180, v18  }
0x3b5: {  	[tilespmem:s16+$0x100] =	vst v23;
	v23 =	vld.idx.msk [tilespmem:v27+s20+$0x0], $0xffff;
	v27 =	vadd.s32 $0x180, v16  }
0x3b6: {  	v22 =	vadd.f32 v22, v21;
	v21 =	vld [tilespmem:s29+$0xFFFFFFF0]  }
0x3b7: {  	v25 =	vadd.s32 $0x100, v8;
	v28 =	vld.idx.msk [tilespmem:v28+s20+$0x0], $0xffff  }
0x3b8: {  	v30 =	vld.idx.msk [tilespmem:v30+s20+$0x0], $0xffff;
	[tilespmem:s31+$0x100] =	vst v22  }
0x3b9: {  	v31 =	vadd.s32 $0x100, v6;
	v22 =	vld.idx.msk [tilespmem:v24+s20+$0x0], $0xffff  }
0x3ba: {  	v24 =	vld.idx.msk [tilespmem:v27+s20+$0x0], $0xffff  }
0x3bb: {  	v19 =	vld [tilespmem:s26+$0xFFFFFFF0]  }
0x3bc: {  	v25 =	vld.idx.msk [tilespmem:v25+s20+$0x0], $0xffff  }
0x3bd: {  	v63 =	vld.idx.msk [tilespmem:v20+s20+$0x0], $0xffff;
	v23 =	vsub.f32 v23, v26  }
0x3be: {  	v27 =	vld.idx.msk [tilespmem:v31+s20+$0x0], $0xffff;
	v30 =	vsub.f32 v30, v28  }
0x3bf: {  	v62 =	vadd.s32 $0x200, v5;
	v61 =	vld.idx.msk [tilespmem:v17+s20+$0x0], $0xffff;
	v23 =	vmul.f32 v23, v0;
	v24 =	vsub.f32 v24, v22  }
0x3c0: {  	v44 =	vadd.s32 $0x200, v4;
	v31 =	vld.idx.msk [tilespmem:v15+s20+$0x0], $0xffff;
	v30 =	vmul.f32 v30, v2  }
0x3c1: {  	v45 =	vadd.s32 $0x200, v18;
	v26 =	vadd.f32 v23, v26;
	v23 =	vld [tilespmem:s29+$0xFFFFFFE0];
	v24 =	vmul.f32 v24, v3  }
0x3c2: {  	v46 =	vadd.s32 $0x200, v16;
	v28 =	vadd.f32 v30, v28;
	v30 =	vld.idx.msk [tilespmem:v21+s20+$0x0], $0xffff  }
0x3c3: {  	v43 =	vadd.s32 $0x200, v11;
	v27 =	vsub.f32 v27, v25;
	[tilespmem:s7+$0x180] =	vst v26;
	v26 =	vld.idx.msk [tilespmem:v19+s20+$0x0], $0xffff;
	v22 =	vadd.f32 v24, v22  }
0x3c4: {  	[tilespmem:s16+$0x180] =	vst v28;
	v28 =	vld.idx.msk [tilespmem:v62+s20+$0x0], $0xffff  }
0x3c5: {  	v49 =	vadd.s32 $0x180, v6;
	v32 =	vsub.f32 v61, v31;
	v27 =	vmul.f32 v27, v1;
	v24 =	vld.idx.msk [tilespmem:v44+s20+$0x0], $0xffff;
	[tilespmem:s31+$0x180] =	vst v22  }
0x3c6: {  	v50 =	vadd.s32 $0x180, v8;
	v37 =	vld.idx.msk [tilespmem:v45+s20+$0x0], $0xffff  }
0x3c7: {  	s11 =	simm.s32 $0x200;
	v25 =	vadd.f32 v27, v25;
	v27 =	vmul.f32 v32, v12;
	v33 =	vld.idx.msk [tilespmem:v46+s20+$0x0], $0xffff  }
0x3c8: {  	s13 =	simm.s32 $0x70;
	s12 =	sand.u32 $0xC00, s11;
	v51 =	vadd.s32 $0x80, v15;
	v29 =	vsub.f32 v29, v63;
	v47 =	vld.idx.msk [tilespmem:v43+s20+$0x0], $0xffff  }
0x3c9: {  	s22 =	sand.u32 $0x70, s13;
	s21 =	sadd.s32 $0x13800, s12;
	v27 =	vadd.f32 v27, v31;
	[tilespmem:s30+$0x100] =	vst v25;
	v31 =	vadd.s32 $0x200, v9;
	v25 =	vld.idx.msk [tilespmem:v23+s20+$0x0], $0xffff  }
0x3ca: {  	s2 =	sor.u32 s22, s21;
	v52 =	vadd.s32 $0x80, v17;
	v29 =	vmul.f32 v29, v7;
	v30 =	vsub.f32 v30, v26;
	v36 =	vld.idx.msk [tilespmem:v49+s20+$0x0], $0xffff  }
0x3cb: {  	s24 =	simm.s32 $0x60;
	v54 =	vadd.s32 $0x80, v13;
	v53 =	vadd.s32 $0x80, v20;
	[tilespmem:s2+$0x0] =	vst v27;
	v27 =	vld.idx.msk [tilespmem:v50+s20+$0x0], $0xffff;
	v28 =	vsub.f32 v28, v24  }
0x3cc: {  	s0 =	sand.u32 $0x60, s24;
	v29 =	vadd.f32 v29, v63;
	v22 =	vld [tilespmem:s14+$0xFFFFFFE0];
	v30 =	vmul.f32 v30, v10;
	v33 =	vsub.f32 v33, v37  }
0x3cd: {  	s8 =	simm.s32 $0x50;
	v55 =	vadd.s32 $0x280, v4;
	s0 =	sor.u32 s0, s21;
	v32 =	vld.idx.msk [tilespmem:v51+s20+$0x0], $0xffff;
	v28 =	vmul.f32 v28, v0  }
0x3ce: {  	s8 =	sand.u32 $0x50, s8;
	v61 =	vadd.s32 $0x80, v19;
	[tilespmem:s0+$0x0] =	vst v29;
	v26 =	vadd.f32 v30, v26;
	v29 =	vld.idx.msk [tilespmem:v31+s20+$0x0], $0xffff;
	v31 =	vmul.f32 v33, v3  }
0x3cf: {  	s24 =	sor.u32 s8, s21;
	v40 =	vld.idx.msk [tilespmem:v52+s20+$0x0], $0xffff;
	v25 =	vsub.f32 v25, v48;
	v24 =	vadd.f32 v28, v24;
	v28 =	vadd.s32 $0x280, v5  }
0x3d0: {  	v58 =	vadd.s32 $0x80, v21;
	v41 =	vld.idx.msk [tilespmem:v53+s20+$0x0], $0xffff;
	[tilespmem:s24+$0x0] =	vst v26;
	v36 =	vsub.f32 v36, v27;
	v31 =	vadd.f32 v31, v37  }
0x3d1: {  	v56 =	vadd.s32 $0x280, v18;
	v39 =	vld.idx.msk [tilespmem:v54+s20+$0x0], $0xffff;
	v25 =	vmul.f32 v25, v22;
	[tilespmem:s7+$0x200] =	vst v24  }
0x3d2: {  	s12 =	simm.s32 $0x40;
	v43 =	vadd.s32 $0x280, v16;
	v24 =	vld.idx.msk [tilespmem:v55+s20+$0x0], $0xffff;
	[tilespmem:s31+$0x200] =	vst v31;
	v31 =	vmul.f32 v36, v1  }
0x3d3: {  	s13 =	sand.u32 $0x40, s12;
	v30 =	vadd.s32 $0x200, v6;
	v25 =	vadd.f32 v25, v48;
	v37 =	vld.idx.msk [tilespmem:v61+s20+$0x0], $0xffff  }
0x3d4: {  	s22 =	sor.u32 s13, s21;
	v57 =	vadd.s32 $0x80, v14;
	v40 =	vsub.f32 v40, v32;
	v60 =	vld.idx.msk [tilespmem:v28+s20+$0x0], $0xffff;
	v27 =	vadd.f32 v31, v27  }
0x3d5: {  	v59 =	vadd.s32 $0x200, v8;
	[tilespmem:s22+$0x0] =	vst v25;
	v25 =	vsub.f32 v29, v47;
	v29 =	vld.idx.msk [tilespmem:v58+s20+$0x0], $0xffff  }
0x3d6: {  	v26 =	vmul.f32 v40, v12;
	v28 =	vld.idx.msk [tilespmem:v56+s20+$0x0], $0xffff;
	v31 =	vadd.s32 $0x100, v15;
	[tilespmem:s30+$0x180] =	vst v27;
	v27 =	vsub.f32 v39, v41  }
0x3d7: {  	v62 =	vadd.s32 $0x280, v9;
	v43 =	vld.idx.msk [tilespmem:v43+s20+$0x0], $0xffff;
	v25 =	vmul.f32 v25, v2  }
0x3d8: {  	v32 =	vadd.f32 v26, v32;
	v26 =	vld.idx.msk [tilespmem:v30+s20+$0x0], $0xffff;
	v30 =	vmul.f32 v27, v7;
	v27 =	vadd.s32 $0x80, v23  }
0x3d9: {  	v35 =	vld.idx.msk [tilespmem:v57+s20+$0x0], $0xffff;
	v25 =	vadd.f32 v25, v47  }
0x3da: {  	[tilespmem:s2+$0x80] =	vst v32;
	v33 =	vld.idx.msk [tilespmem:v59+s20+$0x0], $0xffff;
	v63 =	vsub.f32 v60, v24  }
0x3db: {  	[tilespmem:s16+$0x200] =	vst v25;
	v32 =	vld.idx.msk [tilespmem:v31+s20+$0x0], $0xffff  }
0x3dc: {  	s3 =	sadd.s32 $0x3, s15;
	s13 =	simm.s32 $0x4;
	v25 =	vmul.f32 v63, v0;
	v31 =	vld.idx.msk [tilespmem:v62+s20+$0x0], $0xffff;
	v36 =	vadd.f32 v30, v41;
	v30 =	vsub.f32 v43, v28  }
.LBB2_11:
0x3dd: {  	v38 =	vld.idx.msk [tilespmem:v27+s20+$0x0], $0xffff;
	s14 =	sadd.s32 $0x40, s14;
	s29 =	sadd.s32 $0x40, s29;
	s26 =	sadd.s32 $0x40, s26  }
0x3de: {  	s13 =	sadd.s32 $0x4, s13;
	v34 =	vld [tilespmem:s26+$0xFFFFFFE0];
	v39 =	vmul.f32 v30, v3  }
0x3df: {  	v40 =	vadd.s32 $0x280, v11;
	p0 =	slt.u32 s13, $0x1C;
	v26 =	vsub.f32 v26, v33;
	v30 =	vld [tilespmem:s29+$0x0]  }
0x3e0: {  	v42 =	vadd.s32 $0x100, v17;
	v41 =	vsub.f32 v29, v37;
	v27 =	vld [tilespmem:s14+$0x0]  }
0x3e1: {  	v43 =	vadd.s32 $0x300, v18;
	v39 =	vadd.f32 v39, v28;
	v44 =	vmul.f32 v26, v1;
	v29 =	vld [tilespmem:s14+$0xFFFFFFF0]  }
0x3e2: {  	v45 =	vadd.s32 $0x280, v8;
	v41 =	vmul.f32 v41, v10;
	v28 =	vld [tilespmem:s26+$0x10]  }
0x3e3: {  	v38 =	vsub.f32 v38, v35;
	v33 =	vadd.f32 v44, v33;
	v26 =	vld [tilespmem:s14+$0x10];
	[tilespmem:s31+$0x280] =	vst v39;
	v39 =	vadd.s32 $0x280, v6  }
0x3e4: {  	v37 =	vadd.f32 v41, v37;
	v41 =	vadd.s32 $0x300, v16;
	v40 =	vld.idx.msk [tilespmem:v40+s20+$0x0], $0xffff  }
0x3e5: {  	v44 =	vadd.s32 $0x100, v14;
	v38 =	vmul.f32 v38, v22;
	v42 =	vld.idx.msk [tilespmem:v42+s20+$0x0], $0xffff;
	[tilespmem:s30+$0x200] =	vst v33  }
0x3e6: {  	v33 =	vadd.s32 $0x100, v20;
	v43 =	vld.idx.msk [tilespmem:v43+s20+$0x0], $0xffff  }
0x3e7: {  	v35 =	vadd.f32 v38, v35;
	[tilespmem:s24+$0x80] =	vst v37;
	v37 =	vadd.s32 $0x100, v19;
	v38 =	vld.idx.msk [tilespmem:v45+s20+$0x0], $0xffff  }
0x3e8: {  	v39 =	vld.idx.msk [tilespmem:v39+s20+$0x0], $0xffff  }
0x3e9: {  	[tilespmem:s22+$0x80] =	vst v35;
	v35 =	vadd.s32 $0x100, v21;
	v41 =	vld.idx.msk [tilespmem:v41+s20+$0x0], $0xffff  }
0x3ea: {  	v45 =	vadd.s32 $0x100, v23;
	v31 =	vsub.f32 v31, v40;
	v44 =	vld.idx.msk [tilespmem:v44+s20+$0x0], $0xffff;
	[tilespmem:s0+$0x80] =	vst v36  }
0x3eb: {  	v36 =	vsub.f32 v42, v32;
	v33 =	vld.idx.msk [tilespmem:v33+s20+$0x0], $0xffff  }
0x3ec: {  	v42 =	vadd.s32 $0x300, v11;
	v31 =	vmul.f32 v31, v2;
	v37 =	vld.idx.msk [tilespmem:v37+s20+$0x0], $0xffff  }
0x3ed: {  	v36 =	vmul.f32 v36, v12;
	v46 =	vld [tilespmem:s26+$0xFFFFFFF0]  }
0x3ee: {  	v31 =	vadd.f32 v31, v40;
	v40 =	vadd.s32 $0x300, v9;
	v39 =	vsub.f32 v39, v38;
	v35 =	vld.idx.msk [tilespmem:v35+s20+$0x0], $0xffff  }
0x3ef: {  	v32 =	vadd.f32 v36, v32;
	v36 =	vadd.s32 $0x180, v15;
	v41 =	vsub.f32 v41, v43;
	v45 =	vld.idx.msk [tilespmem:v45+s20+$0x0], $0xffff  }
0x3f0: {  	v48 =	vadd.s32 $0x300, v8;
	v39 =	vmul.f32 v39, v1;
	v47 =	vld [tilespmem:s26+$0x0];
	[tilespmem:s16+$0x280] =	vst v31  }
0x3f1: {  	v41 =	vmul.f32 v41, v3;
	[tilespmem:s2+$0x100] =	vst v32;
	v32 =	vld.idx.msk [tilespmem:v42+s20+$0x0], $0xffff  }
0x3f2: {  	v38 =	vadd.f32 v39, v38;
	v31 =	vld.idx.msk [tilespmem:v30+s20+$0x0], $0xffff  }
0x3f3: {  	v39 =	vadd.s32 $0x100, v13;
	v41 =	vadd.f32 v41, v43;
	v40 =	vld.idx.msk [tilespmem:v40+s20+$0x0], $0xffff  }
0x3f4: {  	v42 =	vadd.s32 $0x380, v18;
	v18 =	vmovc v19;
	v19 =	vmov v46;
	v35 =	vsub.f32 v35, v37;
	v36 =	vld.idx.msk [tilespmem:v36+s20+$0x0], $0xffff;
	[tilespmem:s30+$0x280] =	vst v38  }
0x3f5: {  	v38 =	vsub.f32 v45, v44;
	[tilespmem:s31+$0x300] =	vst v41;
	v41 =	vld.idx.msk [tilespmem:v48+s20+$0x0], $0xffff  }
0x3f6: {  	v45 =	vadd.s32 $0x180, v17;
	v35 =	vmul.f32 v35, v10;
	v43 =	vld [tilespmem:s29+$0x10]  }
0x3f7: {  	v48 =	vadd.s32 $0x300, v6;
	v38 =	vmul.f32 v38, v22;
	v46 =	vld [tilespmem:s29+$0xFFFFFFF0]  }
0x3f8: {  	v49 =	vadd.s32 $0x180, v14;
	v35 =	vadd.f32 v35, v37;
	v37 =	vld.idx.msk [tilespmem:v39+s20+$0x0], $0xffff  }
0x3f9: {  	v38 =	vadd.f32 v38, v44;
	v39 =	vsub.f32 v40, v32;
	v40 =	vld.idx.msk [tilespmem:v42+s20+$0x0], $0xffff;
	v42 =	vadd.s32 $0x380, v16;
	v16 =	vmovc v21  }
0x3fa: {  	v44 =	vld.idx.msk [tilespmem:v28+s20+$0x0], $0xffff;
	[tilespmem:s24+$0x100] =	vst v35  }
0x3fb: {  	v35 =	vadd.s32 $0x180, v23;
	v39 =	vmul.f32 v39, v2;
	[tilespmem:s22+$0x100] =	vst v38;
	v38 =	vld.idx.msk [tilespmem:v45+s20+$0x0], $0xffff  }
0x3fc: {  	v45 =	vadd.s32 $0x380, v11;
	v11 =	vmovc v14;
	v14 =	vmov v34;
	v48 =	vld.idx.msk [tilespmem:v48+s20+$0x0], $0xffff;
	v21 =	vmov v46  }
0x3fd: {  	v46 =	vadd.s32 $0x180, v18;
	v32 =	vadd.f32 v39, v32;
	v34 =	vld.idx.msk [tilespmem:v49+s20+$0x0], $0xffff  }
0x3fe: {  	v39 =	vadd.s32 $0x180, v16;
	v42 =	vld.idx.msk [tilespmem:v42+s20+$0x0], $0xffff  }
0x3ff: {  	v37 =	vsub.f32 v37, v33;
	v49 =	vld.idx.msk [tilespmem:v43+s20+$0x0], $0xffff;
	[tilespmem:s16+$0x300] =	vst v32;
	v32 =	vadd.s32 $0x380, v9;
	v9 =	vmov v23  }
0x400: {  	v23 =	vld.idx.msk [tilespmem:v35+s20+$0x0], $0xffff  }
0x401: {  	v35 =	vmul.f32 v37, v7;
	v37 =	vsub.f32 v38, v36;
	v38 =	vld.idx.msk [tilespmem:v45+s20+$0x0], $0xffff;
	v45 =	vadd.s32 $0x300, v5  }
0x402: {  	v50 =	vadd.s32 $0x300, v4;
	v48 =	vsub.f32 v48, v41;
	v46 =	vld.idx.msk [tilespmem:v46+s20+$0x0], $0xffff  }
0x403: {  	v24 =	vadd.f32 v25, v24;
	v33 =	vadd.f32 v35, v33;
	v35 =	vmul.f32 v37, v12;
	v39 =	vld.idx.msk [tilespmem:v39+s20+$0x0], $0xffff  }
0x404: {  	v37 =	vmul.f32 v48, v1;
	v25 =	vld.idx.msk [tilespmem:v32+s20+$0x0], $0xffff;
	v32 =	vsub.f32 v42, v40;
	v42 =	vadd.s32 $0x380, v8;
	v8 =	vmovc v20  }
0x405: {  	v51 =	vadd.f32 v35, v36;
	v35 =	vadd.s32 $0x380, v6;
	v6 =	vmovc v13;
	v13 =	vmov v30;
	v48 =	vld.idx.msk [tilespmem:v47+s20+$0x0], $0xffff;
	[tilespmem:s7+$0x280] =	vst v24  }
0x406: {  	v24 =	vsub.f32 v23, v34;
	v30 =	vmul.f32 v32, v3;
	v32 =	vadd.f32 v37, v41;
	v36 =	vld.idx.msk [tilespmem:v45+s20+$0x0], $0xffff  }
0x407: {  	v20 =	vmovc v47;
	v37 =	vsub.f32 v49, v44;
	v3 =	vmov v10;
	v10 =	vmov v29;
	[tilespmem:s2+$0x180] =	vst v51;
	v41 =	vld.idx.msk [tilespmem:v50+s20+$0x0], $0xffff  }
0x408: {  	v29 =	vadd.s32 $0x200, v17;
	v24 =	vmul.f32 v24, v22;
	v23 =	vld [tilespmem:s29+$0xFFFFFFE0];
	v30 =	vadd.f32 v30, v40;
	[tilespmem:s30+$0x300] =	vst v32  }
0x409: {  	v32 =	vmul.f32 v37, v26;
	v37 =	vadd.s32 $0x200, v11;
	v39 =	vsub.f32 v39, v46;
	v40 =	vld.idx.msk [tilespmem:v42+s20+$0x0], $0xffff  }
0x40a: {  	v24 =	vadd.f32 v24, v34;
	v34 =	vadd.s32 $0x200, v15;
	v25 =	vsub.f32 v25, v38;
	[tilespmem:s31+$0x380] =	vst v30;
	v30 =	vld.idx.msk [tilespmem:v35+s20+$0x0], $0xffff;
	s31 =	smov.u32 s24  }
0x40b: {  	v32 =	vadd.f32 v32, v44;
	v39 =	vmul.f32 v39, v3;
	v35 =	vld.idx.msk [tilespmem:v21+s20+$0x0], $0xffff  }
0x40c: {  	v44 =	vmul.f32 v25, v2;
	v2 =	vmov v22;
	v42 =	vld.idx.msk [tilespmem:v19+s20+$0x0], $0xffff;
	[tilespmem:s22+$0x180] =	vst v24;
	v24 =	vadd.s32 $0x200, v18  }
0x40d: {  	v22 =	vadd.f32 v39, v46;
	v36 =	vsub.f32 v36, v41;
	v29 =	vld.idx.msk [tilespmem:v29+s20+$0x0], $0xffff  }
0x40e: {  	v38 =	vadd.f32 v44, v38;
	v25 =	vld.idx.msk [tilespmem:v37+s20+$0x0], $0xffff;
	v37 =	vadd.s32 $0x200, v16  }
0x40f: {  	[tilespmem:s31+$0x180] =	vst v22;
	v34 =	vld.idx.msk [tilespmem:v34+s20+$0x0], $0xffff;
	v22 =	vmul.f32 v36, v0;
	v36 =	vadd.s32 $0x380, v5;
	v5 =	vmovc v17;
	v17 =	vmov v43  }
0x410: {  	s11 =	sadd.s32 $0x200, s11;
	s12 =	sadd.s32 $0x40, s12;
	v30 =	vsub.f32 v30, v40;
	v39 =	vld.idx.msk [tilespmem:v14+s20+$0x0], $0xffff;
	[tilespmem:s16+$0x380] =	vst v38;
	s16 =	smov.u32 s22  }
0x411: {  	v43 =	vadd.s32 $0x380, v4;
	v4 =	vmovc v15;
	v15 =	vmovc v28;
	v38 =	vadd.s32 $0x180, v6;
	v24 =	vld.idx.msk [tilespmem:v24+s20+$0x0], $0xffff;
	v41 =	vadd.f32 v22, v41  }
0x412: {  	v28 =	vsub.f32 v31, v48;
	v31 =	vadd.s32 $0x180, v8;
	v30 =	vmul.f32 v30, v1;
	v1 =	vmovc v7;
	v7 =	vmovc v27;
	v22 =	vld [tilespmem:s14+$0xFFFFFFE0]  }
0x413: {  	s8 =	sand.u32 $0xC00, s11;
	s21 =	sadd.s32 $0x30, s12;
	v27 =	vadd.s32 $0x80, v15;
	v37 =	vld.idx.msk [tilespmem:v37+s20+$0x0], $0xffff;
	[tilespmem:s7+$0x300] =	vst v41  }
0x414: {  	s15 =	sadd.s32 $0x13800, s8;
	s8 =	sand.u32 $0x70, s21;
	v28 =	vmul.f32 v28, v7;
	v41 =	vadd.s32 $0x80, v17;
	v30 =	vadd.f32 v30, v40;
	[tilespmem:s0+$0x100] =	vst v33;
	v33 =	vld.idx.msk [tilespmem:v36+s20+$0x0], $0xffff  }
0x415: {  	s8 =	sor.u32 s8, s15;
	v29 =	vsub.f32 v29, v34;
	v36 =	vld.idx.msk [tilespmem:v23+s20+$0x0], $0xffff  }
0x416: {  	s21 =	sadd.s32 $0x20, s12;
	v40 =	vadd.s32 $0x80, v21;
	v28 =	vadd.f32 v28, v48;
	[tilespmem:s8+$0x0] =	vst v32;
	v32 =	vadd.s32 $0x200, v9;
	v38 =	vld.idx.msk [tilespmem:v38+s20+$0x0], $0xffff  }
0x417: {  	s21 =	sand.u32 $0x60, s21;
	v44 =	vadd.s32 $0x80, v20;
	v35 =	vsub.f32 v35, v42;
	v29 =	vmul.f32 v29, v12;
	v31 =	vld.idx.msk [tilespmem:v31+s20+$0x0], $0xffff;
	[tilespmem:s30+$0x380] =	vst v30;
	s30 =	smov.u32 s0  }
0x418: {  	v45 =	vadd.s32 $0x280, v18;
	v46 =	vadd.s32 $0x280, v4;
	s0 =	sor.u32 s21, s15;
	v30 =	vadd.s32 $0x80, v13;
	v43 =	vld.idx.msk [tilespmem:v43+s20+$0x0], $0xffff  }
0x419: {  	v47 =	vadd.s32 $0x80, v14;
	v35 =	vmul.f32 v35, v10;
	[tilespmem:s0+$0x0] =	vst v28;
	v48 =	vld.idx.msk [tilespmem:v27+s20+$0x0], $0xffff;
	v28 =	vsub.f32 v37, v24  }
0x41a: {  	v29 =	vadd.f32 v29, v34;
	v34 =	vadd.s32 $0x280, v5;
	v27 =	vadd.s32 $0x80, v23;
	v37 =	vld.idx.msk [tilespmem:v41+s20+$0x0], $0xffff  }
0x41b: {  	v35 =	vadd.f32 v35, v42;
	s21 =	sadd.s32 $0x10, s12;
	v36 =	vsub.f32 v36, v39;
	v32 =	vld.idx.msk [tilespmem:v32+s20+$0x0], $0xffff;
	v28 =	vmul.f32 v28, v3  }
0x41c: {  	v42 =	vadd.s32 $0x280, v16;
	s21 =	sand.u32 $0x50, s21;
	v41 =	vld.idx.msk [tilespmem:v44+s20+$0x0], $0xffff;
	[tilespmem:s2+$0x200] =	vst v29  }
0x41d: {  	s24 =	sor.u32 s21, s15;
	v29 =	vmul.f32 v36, v22;
	v36 =	vsub.f32 v38, v31;
	v30 =	vld.idx.msk [tilespmem:v30+s20+$0x0], $0xffff;
	v28 =	vadd.f32 v28, v24  }
0x41e: {  	v38 =	vadd.s32 $0x200, v6;
	v33 =	vsub.f32 v33, v43;
	[tilespmem:s24+$0x0] =	vst v35;
	v24 =	vld.idx.msk [tilespmem:v46+s20+$0x0], $0xffff  }
0x41f: {  	s21 =	sand.u32 $0x40, s12;
	v29 =	vadd.f32 v29, v39;
	v35 =	vmul.f32 v36, v1;
	v36 =	vadd.s32 $0x200, v8;
	[tilespmem:s31+$0x200] =	vst v28;
	v34 =	vld.idx.msk [tilespmem:v34+s20+$0x0], $0xffff  }
0x420: {  	s22 =	sor.u32 s21, s15;
	v39 =	vadd.s32 $0x80, v19;
	v37 =	vsub.f32 v37, v48;
	v33 =	vmul.f32 v33, v0;
	v0 =	vmovc v12;
	v28 =	vld.idx.msk [tilespmem:v45+s20+$0x0], $0xffff  }
0x421: {  	v12 =	vmov v26;
	v32 =	vsub.f32 v32, v25;
	v31 =	vadd.f32 v35, v31;
	[tilespmem:s22+$0x0] =	vst v29;
	v42 =	vld.idx.msk [tilespmem:v42+s20+$0x0], $0xffff  }
0x422: {  	v44 =	vadd.s32 $0x100, v15;
	v26 =	vmul.f32 v37, v12;
	v37 =	vadd.f32 v33, v43;
	v35 =	vld.idx.msk [tilespmem:v47+s20+$0x0], $0xffff  }
0x423: {  	v30 =	vsub.f32 v30, v41;
	v32 =	vmul.f32 v32, v2;
	v29 =	vld.idx.msk [tilespmem:v40+s20+$0x0], $0xffff;
	v40 =	vadd.s32 $0x280, v9;
	[tilespmem:s30+$0x180] =	vst v31  }
.Ltmp6:
0x424: {  	v31 =	vadd.f32 v26, v48;
	v33 =	vld.idx.msk [tilespmem:v36+s20+$0x0], $0xffff;
	[tilespmem:s7+$0x380] =	vst v37;
	s7 =	smov.u32 s2;
	s2 =	smov.u32 s8;
	(pc) =	sbr.rel @p0 .LBB2_11-.Ltmp6, $4  }
0x425: {  	v30 =	vmul.f32 v30, v7;
	v25 =	vadd.f32 v32, v25;
	v34 =	vsub.f32 v34, v24;
	v26 =	vld.idx.msk [tilespmem:v38+s20+$0x0], $0xffff  }
0x426: {  	v37 =	vld.idx.msk [tilespmem:v39+s20+$0x0], $0xffff;
	[tilespmem:s2+$0x80] =	vst v31  }
0x427: {  	v36 =	vadd.f32 v30, v41;
	v32 =	vld.idx.msk [tilespmem:v44+s20+$0x0], $0xffff;
	[tilespmem:s16+$0x200] =	vst v25;
	v25 =	vmul.f32 v34, v0  }
0x428: {  	v30 =	vsub.f32 v42, v28;
	v31 =	vld.idx.msk [tilespmem:v40+s20+$0x0], $0xffff  }
0x429: {  	_ =	sdelay $0x3  }
0x42a: {  	v27 =	vld.idx.msk [tilespmem:v27+s20+$0x0], $0xffff  }
0x42b: {  	v29 =	vsub.f32 v29, v37;
	_ =	sdelay $0x1  }
0x42c: {  	v34 =	vadd.s32 $0x100, v19;
	v29 =	vmul.f32 v29, v10  }
0x42d: {  	v38 =	vadd.s32 $0x100, v21  }
0x42e: {  	v56 =	vadd.s32 $0x100, v20;
	v27 =	vsub.f32 v27, v35;
	v29 =	vadd.f32 v29, v37  }
0x42f: {  	v58 =	vadd.s32 $0x100, v13  }
0x430: {  	v55 =	vadd.s32 $0x100, v14;
	v27 =	vmul.f32 v27, v22;
	[tilespmem:s24+$0x80] =	vst v29  }
0x431: {  	v39 =	vadd.s32 $0x100, v23;
	v34 =	vld.idx.msk [tilespmem:v34+s20+$0x0], $0xffff  }
0x432: {  	v59 =	vadd.s32 $0x100, v17;
	[tilespmem:s0+$0x80] =	vst v36;
	v27 =	vadd.f32 v27, v35;
	v57 =	vld.idx.msk [tilespmem:v38+s20+$0x0], $0xffff  }
0x433: {  	v29 =	vld.idx.msk [tilespmem:v56+s20+$0x0], $0xffff  }
0x434: {  	v35 =	vld.idx.msk [tilespmem:v58+s20+$0x0], $0xffff;
	[tilespmem:s22+$0x80] =	vst v27  }
0x435: {  	v37 =	vld.idx.msk [tilespmem:v55+s20+$0x0], $0xffff  }
0x436: {  	v39 =	vld.idx.msk [tilespmem:v39+s20+$0x0], $0xffff  }
0x437: {  	v60 =	vld.idx.msk [tilespmem:v59+s20+$0x0], $0xffff;
	v27 =	vsub.f32 v57, v34  }
0x438: {  	v42 =	vadd.s32 $0x280, v11  }
0x439: {  	v62 =	vadd.s32 $0x180, v19;
	v35 =	vsub.f32 v35, v29;
	v27 =	vmul.f32 v27, v10  }
0x43a: {  	v40 =	vadd.s32 $0x180, v21;
	v46 =	vadd.s32 $0x180, v13  }
0x43b: {  	v35 =	vmul.f32 v35, v7;
	v61 =	vsub.f32 v39, v37;
	v27 =	vadd.f32 v27, v34  }
0x43c: {  	v48 =	vadd.s32 $0x180, v20;
	v44 =	vsub.f32 v60, v32  }
0x43d: {  	v41 =	vadd.s32 $0x180, v14;
	v60 =	vld.idx.msk [tilespmem:v42+s20+$0x0], $0xffff;
	v29 =	vadd.f32 v35, v29;
	v38 =	vmul.f32 v61, v22;
	[tilespmem:s24+$0x100] =	vst v27  }
0x43e: {  	v63 =	vadd.s32 $0x180, v23;
	v45 =	vld.idx.msk [tilespmem:v62+s20+$0x0], $0xffff  }
0x43f: {  	v49 =	vadd.s32 $0x180, v15;
	v27 =	vmul.f32 v44, v12;
	[tilespmem:s0+$0x100] =	vst v29;
	v37 =	vadd.f32 v38, v37;
	v47 =	vld.idx.msk [tilespmem:v40+s20+$0x0], $0xffff  }
0x440: {  	v50 =	vadd.s32 $0x180, v17;
	v53 =	vld.idx.msk [tilespmem:v46+s20+$0x0], $0xffff  }
0x441: {  	v56 =	vld.idx.msk [tilespmem:v48+s20+$0x0], $0xffff;
	v27 =	vadd.f32 v27, v32;
	[tilespmem:s22+$0x100] =	vst v37  }
0x442: {  	v26 =	vsub.f32 v26, v33;
	v41 =	vld.idx.msk [tilespmem:v41+s20+$0x0], $0xffff  }
0x443: {  	v52 =	vadd.s32 $0x300, v18;
	v51 =	vmul.f32 v30, v3;
	v34 =	vld.idx.msk [tilespmem:v63+s20+$0x0], $0xffff;
	[tilespmem:s2+$0x100] =	vst v27  }
0x444: {  	v26 =	vmul.f32 v26, v1;
	v57 =	vadd.s32 $0x280, v6;
	v58 =	vld.idx.msk [tilespmem:v49+s20+$0x0], $0xffff  }
0x445: {  	v54 =	vadd.s32 $0x280, v8;
	v28 =	vadd.f32 v51, v28;
	v35 =	vld.idx.msk [tilespmem:v50+s20+$0x0], $0xffff;
	v55 =	vsub.f32 v47, v45  }
0x446: {  	v26 =	vadd.f32 v26, v33;
	v47 =	vadd.s32 $0x300, v16  }
0x447: {  	v59 =	vadd.s32 $0x200, v19;
	[tilespmem:s31+$0x280] =	vst v28;
	v32 =	vsub.f32 v53, v56;
	v27 =	vmul.f32 v55, v10  }
0x448: {  	[tilespmem:s30+$0x200] =	vst v26;
	v26 =	vld.idx.msk [tilespmem:v52+s20+$0x0], $0xffff;
	v61 =	vadd.s32 $0x200, v21;
	v50 =	vadd.s32 $0x200, v20  }
0x449: {  	v29 =	vld.idx.msk [tilespmem:v57+s20+$0x0], $0xffff;
	v32 =	vmul.f32 v32, v7;
	v34 =	vsub.f32 v34, v41;
	v27 =	vadd.f32 v27, v45  }
0x44a: {  	v52 =	vadd.s32 $0x200, v13;
	v31 =	vsub.f32 v31, v60;
	v45 =	vld.idx.msk [tilespmem:v54+s20+$0x0], $0xffff;
	v48 =	vsub.f32 v35, v58  }
0x44b: {  	v63 =	vadd.s32 $0x200, v14;
	v32 =	vadd.f32 v32, v56;
	v62 =	vmul.f32 v34, v22;
	v42 =	vld.idx.msk [tilespmem:v47+s20+$0x0], $0xffff;
	[tilespmem:s24+$0x180] =	vst v27  }
0x44c: {  	v31 =	vmul.f32 v31, v2;
	v46 =	vadd.s32 $0x200, v23;
	v49 =	vld.idx.msk [tilespmem:v59+s20+$0x0], $0xffff  }
0x44d: {  	v55 =	vadd.s32 $0x300, v11;
	v27 =	vmul.f32 v48, v12;
	[tilespmem:s0+$0x180] =	vst v32;
	v30 =	vadd.f32 v62, v41;
	v51 =	vld.idx.msk [tilespmem:v61+s20+$0x0], $0xffff  }
0x44e: {  	v53 =	vadd.s32 $0x200, v17;
	v33 =	vld.idx.msk [tilespmem:v50+s20+$0x0], $0xffff  }
0x44f: {  	v28 =	vadd.f32 v31, v60;
	v54 =	vadd.s32 $0x200, v15;
	v27 =	vadd.f32 v27, v58;
	v58 =	vld.idx.msk [tilespmem:v52+s20+$0x0], $0xffff;
	[tilespmem:s22+$0x180] =	vst v30  }
0x450: {  	v56 =	vadd.s32 $0x300, v9;
	v29 =	vsub.f32 v29, v45;
	v34 =	vld.idx.msk [tilespmem:v63+s20+$0x0], $0xffff  }
0x451: {  	[tilespmem:s16+$0x280] =	vst v28;
	v38 =	vld.idx.msk [tilespmem:v46+s20+$0x0], $0xffff;
	v62 =	vsub.f32 v42, v26  }
0x452: {  	v59 =	vadd.s32 $0x300, v8;
	v32 =	vld.idx.msk [tilespmem:v55+s20+$0x0], $0xffff;
	[tilespmem:s2+$0x180] =	vst v27;
	v29 =	vmul.f32 v29, v1;
	v57 =	vsub.f32 v51, v49  }
0x453: {  	v48 =	vadd.s32 $0x380, v18;
	v61 =	vadd.s32 $0x280, v19;
	v60 =	vld.idx.msk [tilespmem:v53+s20+$0x0], $0xffff;
	v47 =	vmul.f32 v62, v3  }
0x454: {  	v37 =	vld.idx.msk [tilespmem:v54+s20+$0x0], $0xffff;
	v29 =	vadd.f32 v29, v45;
	v30 =	vsub.f32 v58, v33;
	v27 =	vmul.f32 v57, v10  }
0x455: {  	v52 =	vadd.s32 $0x280, v20;
	v39 =	vld.idx.msk [tilespmem:v56+s20+$0x0], $0xffff;
	v63 =	vadd.s32 $0x280, v21;
	v26 =	vadd.f32 v47, v26  }
0x456: {  	v38 =	vsub.f32 v38, v34;
	[tilespmem:s30+$0x280] =	vst v29;
	v30 =	vmul.f32 v30, v7;
	v27 =	vadd.f32 v27, v49  }
0x457: {  	v54 =	vadd.s32 $0x280, v13;
	v28 =	vld.idx.msk [tilespmem:v59+s20+$0x0], $0xffff;
	[tilespmem:s31+$0x300] =	vst v26  }
0x458: {  	v45 =	vadd.s32 $0x280, v23;
	v44 =	vmul.f32 v38, v22;
	v30 =	vadd.f32 v30, v33;
	v18 =	vld.idx.msk [tilespmem:v48+s20+$0x0], $0xffff;
	[tilespmem:s24+$0x200] =	vst v27  }
0x459: {  	v46 =	vadd.s32 $0x280, v14;
	v50 =	vsub.f32 v60, v37;
	v51 =	vld.idx.msk [tilespmem:v61+s20+$0x0], $0xffff  }
0x45a: {  	v58 =	vadd.s32 $0x380, v16;
	v49 =	vadd.f32 v44, v34;
	v53 =	vld.idx.msk [tilespmem:v63+s20+$0x0], $0xffff;
	[tilespmem:s0+$0x200] =	vst v30  }
0x45b: {  	v55 =	vadd.s32 $0x280, v15;
	v34 =	vmul.f32 v50, v12;
	v30 =	vld.idx.msk [tilespmem:v52+s20+$0x0], $0xffff  }
0x45c: {  	v56 =	vadd.s32 $0x280, v17;
	v31 =	vld.idx.msk [tilespmem:v54+s20+$0x0], $0xffff;
	[tilespmem:s22+$0x200] =	vst v49  }
0x45d: {  	v57 =	vadd.s32 $0x300, v6;
	v34 =	vadd.f32 v34, v37;
	v38 =	vld.idx.msk [tilespmem:v45+s20+$0x0], $0xffff  }
0x45e: {  	v39 =	vsub.f32 v39, v32;
	v59 =	vadd.s32 $0x300, v5;
	v29 =	vld.idx.msk [tilespmem:v46+s20+$0x0], $0xffff  }
0x45f: {  	v24 =	vadd.f32 v25, v24;
	v60 =	vadd.s32 $0x300, v4;
	v16 =	vld.idx.msk [tilespmem:v58+s20+$0x0], $0xffff;
	[tilespmem:s2+$0x200] =	vst v34  }
0x460: {  	v45 =	vmul.f32 v39, v2;
	v46 =	vadd.s32 $0x380, v11;
	v27 =	vsub.f32 v53, v51;
	v61 =	vld.idx.msk [tilespmem:v55+s20+$0x0], $0xffff  }
0x461: {  	[tilespmem:s7+$0x280] =	vst v24;
	v62 =	vadd.s32 $0x300, v19;
	v26 =	vld.idx.msk [tilespmem:v56+s20+$0x0], $0xffff;
	v55 =	vadd.s32 $0x380, v9  }
0x462: {  	v33 =	vld.idx.msk [tilespmem:v57+s20+$0x0], $0xffff;
	v24 =	vadd.f32 v45, v32;
	v31 =	vsub.f32 v31, v30;
	v27 =	vmul.f32 v27, v10  }
0x463: {  	v63 =	vadd.s32 $0x300, v21;
	v37 =	vld.idx.msk [tilespmem:v59+s20+$0x0], $0xffff;
	v38 =	vsub.f32 v38, v29  }
0x464: {  	v48 =	vadd.s32 $0x300, v20;
	v34 =	vld.idx.msk [tilespmem:v60+s20+$0x0], $0xffff;
	[tilespmem:s16+$0x300] =	vst v24;
	v31 =	vmul.f32 v31, v7;
	v41 =	vadd.f32 v27, v51  }
0x465: {  	v11 =	vld.idx.msk [tilespmem:v46+s20+$0x0], $0xffff;
	v51 =	vadd.s32 $0x300, v13;
	v42 =	vmul.f32 v38, v22  }
0x466: {  	v43 =	vadd.s32 $0x300, v14;
	v26 =	vsub.f32 v26, v61;
	v30 =	vadd.f32 v31, v30;
	v9 =	vld.idx.msk [tilespmem:v55+s20+$0x0], $0xffff;
	[tilespmem:s24+$0x280] =	vst v41  }
0x467: {  	v44 =	vadd.s32 $0x300, v23;
	v49 =	vsub.f32 v33, v28;
	v47 =	vld.idx.msk [tilespmem:v62+s20+$0x0], $0xffff  }
0x468: {  	v52 =	vadd.s32 $0x300, v17;
	v27 =	vadd.f32 v42, v29;
	v50 =	vld.idx.msk [tilespmem:v63+s20+$0x0], $0xffff;
	v26 =	vmul.f32 v26, v12;
	[tilespmem:s0+$0x280] =	vst v30  }
0x469: {  	v54 =	vadd.s32 $0x300, v15;
	v32 =	vmul.f32 v49, v1;
	v30 =	vld.idx.msk [tilespmem:v48+s20+$0x0], $0xffff  }
0x46a: {  	v56 =	vadd.s32 $0x380, v8;
	v57 =	vsub.f32 v37, v34;
	[tilespmem:s22+$0x280] =	vst v27;
	v25 =	vadd.f32 v26, v61;
	v27 =	vld.idx.msk [tilespmem:v51+s20+$0x0], $0xffff  }
0x46b: {  	v58 =	vadd.s32 $0x380, v6;
	v35 =	vld.idx.msk [tilespmem:v43+s20+$0x0], $0xffff  }
0x46c: {  	v60 =	vadd.s32 $0x380, v5;
	v28 =	vadd.f32 v32, v28;
	v59 =	vmul.f32 v57, v0;
	v53 =	vld.idx.msk [tilespmem:v44+s20+$0x0], $0xffff;
	[tilespmem:s2+$0x280] =	vst v25  }
0x46d: {  	v62 =	vadd.s32 $0x380, v4;
	v61 =	vsub.f32 v50, v47;
	v31 =	vld.idx.msk [tilespmem:v52+s20+$0x0], $0xffff  }
0x46e: {  	[tilespmem:s30+$0x300] =	vst v28;
	v25 =	vadd.f32 v59, v34;
	v63 =	vld.idx.msk [tilespmem:v54+s20+$0x0], $0xffff  }
0x46f: {  	v28 =	vadd.s32 $0x380, v19;
	v8 =	vld.idx.msk [tilespmem:v56+s20+$0x0], $0xffff;
	v26 =	vmul.f32 v61, v10;
	v37 =	vsub.f32 v27, v30  }
0x470: {  	v40 =	vadd.s32 $0x380, v20;
	v33 =	vadd.s32 $0x380, v21;
	v6 =	vld.idx.msk [tilespmem:v58+s20+$0x0], $0xffff;
	[tilespmem:s7+$0x300] =	vst v25  }
0x471: {  	v5 =	vld.idx.msk [tilespmem:v60+s20+$0x0], $0xffff;
	v24 =	vsub.f32 v53, v35;
	v34 =	vadd.f32 v26, v47;
	v39 =	vmul.f32 v37, v7  }
0x472: {  	v36 =	vadd.s32 $0x380, v14;
	v42 =	vadd.s32 $0x380, v13;
	v4 =	vld.idx.msk [tilespmem:v62+s20+$0x0], $0xffff  }
0x473: {  	v24 =	vmul.f32 v24, v22;
	v41 =	vsub.f32 v31, v63;
	[tilespmem:s24+$0x300] =	vst v34;
	v43 =	vadd.f32 v39, v30  }
0x474: {  	v38 =	vadd.s32 $0x380, v23;
	v19 =	vld.idx.msk [tilespmem:v28+s20+$0x0], $0xffff  }
0x475: {  	v45 =	vadd.s32 $0x380, v17;
	v24 =	vadd.f32 v24, v35;
	v21 =	vld.idx.msk [tilespmem:v33+s20+$0x0], $0xffff;
	v44 =	vmul.f32 v41, v12;
	[tilespmem:s0+$0x300] =	vst v43  }
0x476: {  	v46 =	vadd.s32 $0x380, v15;
	v20 =	vld.idx.msk [tilespmem:v40+s20+$0x0], $0xffff  }
0x477: {  	[tilespmem:s22+$0x300] =	vst v24;
	v47 =	vadd.f32 v44, v63;
	v13 =	vld.idx.msk [tilespmem:v42+s20+$0x0], $0xffff  }
0x478: {  	v14 =	vld.idx.msk [tilespmem:v36+s20+$0x0], $0xffff  }
0x479: {  	v16 =	vsub.f32 v16, v18;
	v23 =	vld.idx.msk [tilespmem:v38+s20+$0x0], $0xffff;
	[tilespmem:s2+$0x300] =	vst v47  }
0x47a: {  	v9 =	vsub.f32 v9, v11;
	v17 =	vld.idx.msk [tilespmem:v45+s20+$0x0], $0xffff  }
0x47b: {  	v48 =	vmul.f32 v16, v3;
	v6 =	vsub.f32 v6, v8;
	v15 =	vld.idx.msk [tilespmem:v46+s20+$0x0], $0xffff  }
0x47c: {  	v49 =	vmul.f32 v9, v2;
	v5 =	vsub.f32 v5, v4  }
0x47d: {  	v3 =	vadd.f32 v48, v18;
	v50 =	vmul.f32 v6, v1;
	v51 =	vsub.f32 v21, v19  }
0x47e: {  	v2 =	vadd.f32 v49, v11;
	v52 =	vmul.f32 v5, v0;
	v55 =	vsub.f32 v13, v20  }
0x47f: {  	[tilespmem:s31+$0x380] =	vst v3;
	v1 =	vadd.f32 v50, v8;
	v54 =	vmul.f32 v51, v10;
	v53 =	vsub.f32 v23, v14  }
0x480: {  	[tilespmem:s16+$0x380] =	vst v2;
	v0 =	vadd.f32 v52, v4;
	v59 =	vmul.f32 v55, v7;
	v57 =	vsub.f32 v17, v15  }
0x481: {  	[tilespmem:s30+$0x380] =	vst v1;
	v58 =	vadd.f32 v54, v19;
	v56 =	vmul.f32 v53, v22  }
0x482: {  	[tilespmem:s7+$0x380] =	vst v0;
	v62 =	vadd.f32 v59, v20;
	v61 =	vmul.f32 v57, v12  }
.Ltmp7:
0x483: {  	[tilespmem:s24+$0x380] =	vst v58;
	v60 =	vadd.f32 v56, v14;
	(pc) =	sbr.rel @p1 .LBB2_14-.Ltmp7, $4  }
0x484: {  	[tilespmem:s0+$0x380] =	vst v62;
	v63 =	vadd.f32 v61, v15  }
0x485: {  	s30 =	sshll.u32 s3, $0x9;
	[tilespmem:s22+$0x380] =	vst v60  }
0x486: {  	s31 =	simm.s32 $0x13800;
	s0 =	sadd.s32 s4, s30;
	[tilespmem:s2+$0x380] =	vst v63  }
0x487: {  	[hbm4b:s0+s5] =	stream.linear.scatter [tilespmem:s31], [sflag:$0x8], $0x1000, $0x38;
	[tilespmem:$0x14800] =	vst v63  }
.Ltmp8:
0x488: {  	s0 =	rddreg [dreg:$0xb];
	(pc) =	sbr.rel .LBB2_4-.Ltmp8, $4  }
0x489: {  	s0 =	sadd.s32 s10, s0  }
0x48a: {  	s0 =	sshll.u32 s0, $0xB  }
0x48b: {  	s9 =	sadd.s32 $0x1, s9;
	s0 =	sadd.s32 s1, s0  }
0x48c: {  	[tilespmem:s20], [sflag:$0x4] =	stream.linear.gather [hbm4b:s0+s5], $0x4000, $0x38;
	[tilespmem:$0x14800] =	vst v63  }
.LBB2_15:
0x48d: {  	_ =	sfence.sel $0x180000  }
0x48e: {  	[bflag:$0x0] =	sbarrier.arrive $0xFFFF  }
0x48f: {  	_ =	strace $0x90000047  }
0x490: {  	s0 =	stileid.u32;
	[bflag:$0x2] =	sbarrier.arrive $0xFFFF  }
0x491: {  	p0 =	sne.s32 s0, $0x0;
	s0 =	rddreg [dreg:$0x3]  }
0x492: {  	s0 =	sadd.s32 @!p0 $0x100000, s0  }
0x493: {  	[sflag:s0] =	ssyncadd.tile.s32 @!p0 $0x1;
	_ =	shalt  }
.Lfunc_end2:
_tile_overlayer_lowered:
.L_overlay_start_2:
0x494: {  	(tag) =	ssettag $0x2  }
0x495: {  	s0 =	rddreg [dreg:$0x0];
	s2 =	stileid.u32  }
0x496: {  	s1 =	rddreg [dreg:$0x1];
	p0 =	sne.s32 s2, $0x0  }
0x497: {  	s3 =	rddreg [dreg:$0x2];
	[bflag:$0x3] =	sbarrier.arrive $0xFFFF;
	s2 =	simm.s32 @!p0 $0x1C09  }
0x498: {  	[timem:s3], [sflag:s2] =	dma.local @!p0 [hbm:s0], s1  }
0x499: {  	s0 =	simm.s32 @!p0 $0x9  }
0x49a: {  	_ =	swait.ge @!p0 [sflag:s0], s1  }
0x49b: {  	s1 =	ssub.s32 @!p0 $0x0, s1;
	[sflag:s0] =	ssyncset.done @!p0 $0x0  }
0x49c: {  	[sflag:s0] =	ssyncadd.s32 @!p0 s1  }
0x49d: {  	[bflag:$0x3] =	sbarrier.arrive $0xFFFF  }
0x49e: {  	_ =	shalt  }

</sc_bundles>
